<compile_context>
chip_gen: v7x
topology: tpu7x:2x2x1
jax: 0.10.2.dev20260603
libtpu: 0.0.44.dev20260713+nightly
codegen_flags: <defaults>
</compile_context>

<pallas_src>
import jax
import jax.numpy as jnp
from jax import lax
from jax.experimental import pallas as pl
from jax.experimental.pallas import tpu as pltpu
from jax.experimental.pallas import tpu_sc as plsc

N = 10000
E = 320000
D = 128
LANES = 16
NSUB = 16
EDGES_PER_TILE = E // NSUB
CHUNK = 80
NCHUNKS = EDGES_PER_TILE // CHUNK
ROWS_PER_TILE = 624
ZROWS = 80
FVECS = D // LANES


def _mm_body(x_ref, w1_ref, w2_ref, o_ref):
    x = x_ref[...]
    o_ref[0] = jnp.dot(x, w1_ref[...], preferred_element_type=jnp.float32)
    o_ref[1] = jnp.dot(x, w2_ref[...], preferred_element_type=jnp.float32)


def _matmuls(x, W1, W2):
    BM = 1000
    return pl.pallas_call(
        _mm_body,
        grid=(N // BM,),
        in_specs=[
            pl.BlockSpec((BM, D), lambda i: (i, 0)),
            pl.BlockSpec((D, D), lambda i: (0, 0)),
            pl.BlockSpec((D, D), lambda i: (0, 0)),
        ],
        out_specs=pl.BlockSpec((2, BM, D), lambda i: (0, i, 0)),
        out_shape=jax.ShapeDtypeStruct((2, N, D), jnp.float32),
    )(x, W1, W2)


def _sc_body(x12_ref, row_ref, col_ref, val_ref, out_ref,
             col_v, row_v, val_v, rows_v, zbuf_v, acc, sem):
    c = lax.axis_index("c")
    s = lax.axis_index("s")

    zero = jnp.zeros((LANES,), jnp.float32)

    def zero_body(i, carry):
        r = i // FVECS
        f = i % FVECS
        zbuf_v[r, pl.ds(f * LANES, LANES)] = zero
        return carry

    lax.fori_loop(0, ZROWS * FVECS, zero_body, 0)
    rbase = s * ROWS_PER_TILE
    for j in range(7):
        pltpu.sync_copy(zbuf_v, acc.at[pl.ds(rbase + j * ZROWS, ZROWS)])
    pltpu.sync_copy(zbuf_v.at[pl.ds(0, 64)],
                    acc.at[pl.ds(rbase + 7 * ZROWS, 64)])

    @pl.when(s == NSUB - 1)
    def _zero_tail():
        pltpu.sync_copy(zbuf_v.at[pl.ds(0, 16)],
                        acc.at[pl.ds(rbase + ROWS_PER_TILE, 16)])

    plsc.subcore_barrier()

    ebase = (c * NSUB + s) * EDGES_PER_TILE

    def chunk_body(i, carry):
        off = ebase + i * CHUNK
        pltpu.sync_copy(col_ref.at[pl.ds(off, CHUNK)], col_v)
        pltpu.sync_copy(row_ref.at[pl.ds(off, CHUNK)], row_v)
        pltpu.sync_copy(val_ref.at[pl.ds(off, CHUNK)], val_v)
        pltpu.async_copy(x12_ref.at[col_v], rows_v, sem).wait()

        def scale_body(g, carry2):
            valvec = val_v[pl.ds(g * LANES, LANES)]
            for e2 in range(LANES):
                bc = lax.gather(
                    valvec,
                    jnp.full((LANES, 1), e2, jnp.int32),
                    lax.GatherDimensionNumbers(
                        offset_dims=(), collapsed_slice_dims=(0,),
                        start_index_map=(0,)),
                    (1,),
                    mode=lax.GatherScatterMode.PROMISE_IN_BOUNDS)
                row = g * LANES + e2
                for f in range(FVECS):
                    sl = pl.ds(f * LANES, LANES)
                    rows_v[row, sl] = rows_v[row, sl] * bc
            return carry2

        lax.fori_loop(0, CHUNK // LANES, scale_body, 0)
        pltpu.sync_copy(rows_v, acc.at[row_v], add=True)
        return carry

    lax.fori_loop(0, NCHUNKS, chunk_body, 0)
    plsc.subcore_barrier()

    pltpu.sync_copy(acc.at[pl.ds(rbase, ROWS_PER_TILE)],
                    out_ref.at[c, pl.ds(rbase, ROWS_PER_TILE)])

    @pl.when(s == NSUB - 1)
    def _dump_tail():
        pltpu.sync_copy(acc.at[pl.ds(rbase + ROWS_PER_TILE, 16)],
                        out_ref.at[c, pl.ds(rbase + ROWS_PER_TILE, 16)])


def _sc_spmm(x12, rows, cols, vals):
    mesh = plsc.VectorSubcoreMesh(core_axis_name="c", subcore_axis_name="s")
    f = pl.kernel(
        _sc_body,
        out_type=jax.ShapeDtypeStruct((2, N, D), jnp.float32),
        mesh=mesh,
        scratch_types=[
            pltpu.VMEM((CHUNK,), jnp.int32),
            pltpu.VMEM((CHUNK,), jnp.int32),
            pltpu.VMEM((CHUNK,), jnp.float32),
            pltpu.VMEM((CHUNK, D), jnp.float32),
            pltpu.VMEM((ZROWS, D), jnp.float32),
            pltpu.VMEM_SHARED((N, D), jnp.float32),
            pltpu.SemaphoreType.DMA,
        ],
    )
    return f(x12, rows, cols, vals)


def _combine_body(a_ref, b_ref, o_ref):
    o_ref[...] = jnp.maximum(a_ref[...] + b_ref[...], 0.0)


def _relu_combine(a, b):
    BM = 1000
    return pl.pallas_call(
        _combine_body,
        grid=(N // BM,),
        in_specs=[
            pl.BlockSpec((BM, D), lambda i: (i, 0)),
            pl.BlockSpec((BM, D), lambda i: (i, 0)),
        ],
        out_specs=pl.BlockSpec((BM, D), lambda i: (i, 0)),
        out_shape=jax.ShapeDtypeStruct((N, D), jnp.float32),
    )(a, b)


def kernel(inputs, adj1_index, adj1_values, adj2_index, adj2_values, W1, W2):
    xw = _matmuls(inputs, W1, W2)
    x12 = xw.reshape(2 * N, D)
    rows = jnp.concatenate([adj1_index[0], adj2_index[0]])
    cols = jnp.concatenate([adj1_index[1], adj2_index[1] + N])
    vals = jnp.concatenate([adj1_values, adj2_values])
    parts = _sc_spmm(x12, rows, cols, vals)
    return _relu_combine(parts[0], parts[1])

# --- scband reference (transcript-rebuilt; emitter-appended) ---
"""Pipeline reference for scband-relational-graph-convolution-42391327212275 (READ-ONLY COPY).

The authoritative reference and input builder live on the scoring server;
editing this copy changes nothing except your own understanding.
"""

import jax, jax.numpy as jnp
import numpy as np

N = 10000
E = 320000
D_IN = 128
D_OUT = 128


def _glorot(key, shape):
    s = np.sqrt(6.0 / (shape[0] + shape[1]))
    return jax.random.uniform(key, shape, minval=-s, maxval=s, dtype=jnp.float32)


def setup_inputs(seed: int = 0) -> dict:
    key = jax.random.key(seed)
    k1, k2, k3, k4, k5, k6, k7 = jax.random.split(key, 7)
    inputs = jax.random.normal(k1, (N, D_IN), dtype=jnp.float32)
    adj1_index = jax.random.randint(k2, (2, E), 0, N, dtype=jnp.int32)
    adj1_values = jax.random.uniform(k3, (E,), dtype=jnp.float32)
    adj2_index = jax.random.randint(k4, (2, E), 0, N, dtype=jnp.int32)
    adj2_values = jax.random.uniform(k5, (E,), dtype=jnp.float32)
    W1 = _glorot(k6, (D_IN, D_OUT))
    W2 = _glorot(k7, (D_IN, D_OUT))
    return {
        "inputs": inputs,
        "adj1_index": adj1_index,
        "adj1_values": adj1_values,
        "adj2_index": adj2_index,
        "adj2_values": adj2_values,
        "W1": W1,
        "W2": W2,
    }


def _spmm(index, values, dense):
    # coo spmm: out[row] += values * dense[col]
    row = index[0]
    col = index[1]
    msgs = values[:, None] * jnp.take(dense, col, axis=0)
    return jnp.zeros((N, dense.shape[1]), dtype=dense.dtype).at[row].add(msgs)


def reference(inputs, adj1_index, adj1_values, adj2_index, adj2_values, W1, W2):
    # dropout omitted (deterministic / eval-mode reference)
    x = inputs
    x_1 = x @ W1
    x_1 = _spmm(adj1_index, adj1_values, x_1)
    x_2 = x @ W2
    x_2 = _spmm(adj2_index, adj2_values, x_2)
    return jax.nn.relu(x_1 + x_2)

if __name__ == "__main__":
    import jax
    _d = setup_inputs()
    print(jax.jit(kernel)(*tuple(_d.values())))

</pallas_src>

<mosaic_0001>
#map = affine_map<(d0, d1) -> (0, 0)>
#map1 = affine_map<(d0, d1) -> (0)>
#map2 = affine_map<(d0, d1) -> (0, 0, 0)>
module attributes {stable_mosaic.version = 14 : i64} {
  func.func @_sc_body(%arg0: i32, %arg1: i32, %arg2: memref<20000x128xf32, #tpu.memory_space<hbm>>, %arg3: memref<640000xi32, #tpu.memory_space<hbm>>, %arg4: memref<640000xi32, #tpu.memory_space<hbm>>, %arg5: memref<640000xf32, #tpu.memory_space<hbm>>, %arg6: memref<2x10000x128xf32, #tpu.memory_space<hbm>>, %arg7: memref<80xi32, #tpu.memory_space<vmem>>, %arg8: memref<80xi32, #tpu.memory_space<vmem>>, %arg9: memref<80xf32, #tpu.memory_space<vmem>>, %arg10: memref<80x128xf32, #tpu.memory_space<vmem>>, %arg11: memref<80x128xf32, #tpu.memory_space<vmem>>, %arg12: memref<10000x128xf32, #tpu.memory_space<vmem_shared>>, %arg13: memref<!tpu.dma_semaphore, #tpu.memory_space<semaphore_mem>>) attributes {dimension_semantics = [#tpu.dimension_semantics<core_parallel>, #tpu.dimension_semantics<subcore_parallel>], iteration_bounds = array<i64: 2, 16>, scalar_prefetch = 0 : i64, scratch_operands = 7 : i64, tpu.core_type = #tpu.core_type<sc_vector_subcore>, window_params = [{transform_indices = #map}, {transform_indices = #map1}, {transform_indices = #map1}, {transform_indices = #map1}, {transform_indices = #map2}]} {
    %broadcast_in_dim3A = arith.constant 0.000000e+00 : f32
    %broadcast_in_dim3A_0 = vector.broadcast %broadcast_in_dim3A : f32 to vector<16xf32>
    %scan3A = arith.constant 0 : i32
    %scan3A_1 = arith.constant 0 : i32
    %scan3A_2 = arith.constant 640 : i32
    %scan3A_3 = arith.addi %scan3A_1, %scan3A_2 : i32
    %scan3A_4 = arith.constant 1 : i32
    scf.for %scan3A_41 = %scan3A_1 to %scan3A_3 step %scan3A_4  : i32 {
      %jit3A = arith.constant 8 : i32
      %div3A = arith.divsi %scan3A_41, %jit3A : i32
      %sign3A = arith.constant 0 : i32
      %sign3A_42 = arith.cmpi sgt, %scan3A_41, %sign3A : i32
      %sign3A_43 = arith.extui %sign3A_42 : i1 to i32
      %sign3A_44 = arith.constant 0 : i32
      %sign3A_45 = arith.cmpi slt, %scan3A_41, %sign3A_44 : i32
      %sign3A_46 = arith.extui %sign3A_45 : i1 to i32
      %sign3A_47 = arith.subi %sign3A_43, %sign3A_46 : i32
      %sign3A_48 = arith.constant 0 : i32
      %sign3A_49 = arith.cmpi sgt, %jit3A, %sign3A_48 : i32
      %sign3A_50 = arith.extui %sign3A_49 : i1 to i32
      %sign3A_51 = arith.constant 0 : i32
      %sign3A_52 = arith.cmpi slt, %jit3A, %sign3A_51 : i32
      %sign3A_53 = arith.extui %sign3A_52 : i1 to i32
      %sign3A_54 = arith.subi %sign3A_50, %sign3A_53 : i32
      %ne3A = arith.cmpi ne, %sign3A_47, %sign3A_54 : i32
      %rem3A = arith.remsi %scan3A_41, %jit3A : i32
      %ne3A_55 = arith.constant 0 : i32
      %ne3A_56 = arith.cmpi ne, %rem3A, %ne3A_55 : i32
      %and3A = arith.andi %ne3A, %ne3A_56 : i1
      %sub3A = arith.constant 1 : i32
      %sub3A_57 = arith.subi %div3A, %sub3A : i32
      %select_n3A = arith.select %and3A, %sub3A_57, %div3A : i32
      %jit3A_58 = arith.constant 8 : i32
      %eq3A_59 = arith.constant 0 : i32
      %eq3A_60 = arith.cmpi eq, %jit3A_58, %eq3A_59 : i32
      %jit3A_61 = arith.constant 1 : i32
      %select_n3A_62 = arith.select %eq3A_60, %jit3A_61, %jit3A_58 : i32
      %rem3A_63 = arith.remsi %scan3A_41, %select_n3A_62 : i32
      %ne3A_64 = arith.constant 0 : i32
      %ne3A_65 = arith.cmpi ne, %rem3A_63, %ne3A_64 : i32
      %lt3A = arith.constant 0 : i32
      %lt3A_66 = arith.cmpi slt, %rem3A_63, %lt3A : i32
      %lt3A_67 = arith.constant 0 : i32
      %lt3A_68 = arith.cmpi slt, %select_n3A_62, %lt3A_67 : i32
      %ne3A_69 = arith.xori %lt3A_66, %lt3A_68 : i1
      %and3A_70 = arith.andi %ne3A_69, %ne3A_65 : i1
      %add3A_71 = arith.addi %rem3A_63, %select_n3A_62 : i32
      %select_n3A_72 = arith.select %and3A_70, %add3A_71, %rem3A_63 : i32
      %mul3A_73 = arith.constant 16 : i32
      %mul3A_74 = arith.muli %select_n3A_72, %mul3A_73 : i32
      %swap3A = arith.index_cast %select_n3A : i32 to index
      %swap3A_75 = arith.index_cast %mul3A_74 : i32 to index
      %swap3A_76 = tpu.vector_load %arg11[%swap3A, %swap3A_75] {strides = array<i32>} : memref<80x128xf32, #tpu.memory_space<vmem>>, vector<1x16xf32>,
      %swap3A_77 = vector.shape_cast %swap3A_76 : vector<1x16xf32> to vector<16xf32>
      %swap3A_78 = vector.shape_cast %broadcast_in_dim3A_0 : vector<16xf32> to vector<1x16xf32>
      tpu.vector_store %arg11[%swap3A, %swap3A_75], %swap3A_78 {strides = array<i32>} : memref<80x128xf32, #tpu.memory_space<vmem>>, vector<1x16xf32>,
    }
    %scan3A_5 = arith.constant 640 : i32
    %mul3A = arith.constant 624 : i32
    %mul3A_6 = arith.muli %arg1, %mul3A : i32
    %add3A = arith.constant 0 : i32
    %add3A_7 = arith.addi %mul3A_6, %add3A : i32
    "tpu.region"() ({
      %run_scoped3A = tpu.sem_alloc : memref<!tpu.dma_semaphore, #tpu.memory_space<semaphore_mem>>
      %dma_start3A = arith.constant 0 : i32
      %dma_start3A_41 = tpu.memref_slice %arg12[%add3A_7, %dma_start3A] : memref<10000x128xf32, #tpu.memory_space<vmem_shared>> -> memref<80x128xf32, #tpu.memory_space<vmem_shared>>
      %dma_start3A_42 = arith.constant 0 : i32
      %dma_start3A_43 = tpu.memref_slice %arg12[%add3A_7, %dma_start3A_42] : memref<10000x128xf32, #tpu.memory_space<vmem_shared>> -> memref<80x128xf32, #tpu.memory_space<vmem_shared>>
      tpu.enqueue_dma source(%arg11 : memref<80x128xf32, #tpu.memory_space<vmem>>) target(%dma_start3A_43 : memref<80x128xf32, #tpu.memory_space<vmem_shared>>) target_semaphore(%run_scoped3A : memref<!tpu.dma_semaphore, #tpu.memory_space<semaphore_mem>>)
      %dma_wait3A = arith.constant 0 : i32
      %dma_wait3A_44 = tpu.memref_slice %arg12[%add3A_7, %dma_wait3A] : memref<10000x128xf32, #tpu.memory_space<vmem_shared>> -> memref<80x128xf32, #tpu.memory_space<vmem_shared>>
      %dma_wait3A_45 = arith.constant 0 : i32
      %dma_wait3A_46 = tpu.memref_slice %arg12[%add3A_7, %dma_wait3A_45] : memref<10000x128xf32, #tpu.memory_space<vmem_shared>> -> memref<80x128xf32, #tpu.memory_space<vmem_shared>>
      tpu.wait_dma2 semaphore(%run_scoped3A : memref<!tpu.dma_semaphore, #tpu.memory_space<semaphore_mem>>) src(%arg11 : memref<80x128xf32, #tpu.memory_space<vmem>>) dst(%dma_wait3A_46 : memref<80x128xf32, #tpu.memory_space<vmem_shared>>)
      tpu.yield
    }) : () -> ()
    %add3A_8 = arith.constant 80 : i32
    %add3A_9 = arith.addi %mul3A_6, %add3A_8 : i32
    "tpu.region"() ({
      %run_scoped3A = tpu.sem_alloc : memref<!tpu.dma_semaphore, #tpu.memory_space<semaphore_mem>>
      %dma_start3A = arith.constant 0 : i32
      %dma_start3A_41 = tpu.memref_slice %arg12[%add3A_9, %dma_start3A] : memref<10000x128xf32, #tpu.memory_space<vmem_shared>> -> memref<80x128xf32, #tpu.memory_space<vmem_shared>>
      %dma_start3A_42 = arith.constant 0 : i32
      %dma_start3A_43 = tpu.memref_slice %arg12[%add3A_9, %dma_start3A_42] : memref<10000x128xf32, #tpu.memory_space<vmem_shared>> -> memref<80x128xf32, #tpu.memory_space<vmem_shared>>
      tpu.enqueue_dma source(%arg11 : memref<80x128xf32, #tpu.memory_space<vmem>>) target(%dma_start3A_43 : memref<80x128xf32, #tpu.memory_space<vmem_shared>>) target_semaphore(%run_scoped3A : memref<!tpu.dma_semaphore, #tpu.memory_space<semaphore_mem>>)
      %dma_wait3A = arith.constant 0 : i32
      %dma_wait3A_44 = tpu.memref_slice %arg12[%add3A_9, %dma_wait3A] : memref<10000x128xf32, #tpu.memory_space<vmem_shared>> -> memref<80x128xf32, #tpu.memory_space<vmem_shared>>
      %dma_wait3A_45 = arith.constant 0 : i32
      %dma_wait3A_46 = tpu.memref_slice %arg12[%add3A_9, %dma_wait3A_45] : memref<10000x128xf32, #tpu.memory_space<vmem_shared>> -> memref<80x128xf32, #tpu.memory_space<vmem_shared>>
      tpu.wait_dma2 semaphore(%run_scoped3A : memref<!tpu.dma_semaphore, #tpu.memory_space<semaphore_mem>>) src(%arg11 : memref<80x128xf32, #tpu.memory_space<vmem>>) dst(%dma_wait3A_46 : memref<80x128xf32, #tpu.memory_space<vmem_shared>>)
      tpu.yield
    }) : () -> ()
    %add3A_10 = arith.constant 160 : i32
    %add3A_11 = arith.addi %mul3A_6, %add3A_10 : i32
    "tpu.region"() ({
      %run_scoped3A = tpu.sem_alloc : memref<!tpu.dma_semaphore, #tpu.memory_space<semaphore_mem>>
      %dma_start3A = arith.constant 0 : i32
      %dma_start3A_41 = tpu.memref_slice %arg12[%add3A_11, %dma_start3A] : memref<10000x128xf32, #tpu.memory_space<vmem_shared>> -> memref<80x128xf32, #tpu.memory_space<vmem_shared>>
      %dma_start3A_42 = arith.constant 0 : i32
      %dma_start3A_43 = tpu.memref_slice %arg12[%add3A_11, %dma_start3A_42] : memref<10000x128xf32, #tpu.memory_space<vmem_shared>> -> memref<80x128xf32, #tpu.memory_space<vmem_shared>>
      tpu.enqueue_dma source(%arg11 : memref<80x128xf32, #tpu.memory_space<vmem>>) target(%dma_start3A_43 : memref<80x128xf32, #tpu.memory_space<vmem_shared>>) target_semaphore(%run_scoped3A : memref<!tpu.dma_semaphore, #tpu.memory_space<semaphore_mem>>)
      %dma_wait3A = arith.constant 0 : i32
      %dma_wait3A_44 = tpu.memref_slice %arg12[%add3A_11, %dma_wait3A] : memref<10000x128xf32, #tpu.memory_space<vmem_shared>> -> memref<80x128xf32, #tpu.memory_space<vmem_shared>>
      %dma_wait3A_45 = arith.constant 0 : i32
      %dma_wait3A_46 = tpu.memref_slice %arg12[%add3A_11, %dma_wait3A_45] : memref<10000x128xf32, #tpu.memory_space<vmem_shared>> -> memref<80x128xf32, #tpu.memory_space<vmem_shared>>
      tpu.wait_dma2 semaphore(%run_scoped3A : memref<!tpu.dma_semaphore, #tpu.memory_space<semaphore_mem>>) src(%arg11 : memref<80x128xf32, #tpu.memory_space<vmem>>) dst(%dma_wait3A_46 : memref<80x128xf32, #tpu.memory_space<vmem_shared>>)
      tpu.yield
    }) : () -> ()
    %add3A_12 = arith.constant 240 : i32
    %add3A_13 = arith.addi %mul3A_6, %add3A_12 : i32
    "tpu.region"() ({
      %run_scoped3A = tpu.sem_alloc : memref<!tpu.dma_semaphore, #tpu.memory_space<semaphore_mem>>
      %dma_start3A = arith.constant 0 : i32
      %dma_start3A_41 = tpu.memref_slice %arg12[%add3A_13, %dma_start3A] : memref<10000x128xf32, #tpu.memory_space<vmem_shared>> -> memref<80x128xf32, #tpu.memory_space<vmem_shared>>
      %dma_start3A_42 = arith.constant 0 : i32
      %dma_start3A_43 = tpu.memref_slice %arg12[%add3A_13, %dma_start3A_42] : memref<10000x128xf32, #tpu.memory_space<vmem_shared>> -> memref<80x128xf32, #tpu.memory_space<vmem_shared>>
      tpu.enqueue_dma source(%arg11 : memref<80x128xf32, #tpu.memory_space<vmem>>) target(%dma_start3A_43 : memref<80x128xf32, #tpu.memory_space<vmem_shared>>) target_semaphore(%run_scoped3A : memref<!tpu.dma_semaphore, #tpu.memory_space<semaphore_mem>>)
      %dma_wait3A = arith.constant 0 : i32
      %dma_wait3A_44 = tpu.memref_slice %arg12[%add3A_13, %dma_wait3A] : memref<10000x128xf32, #tpu.memory_space<vmem_shared>> -> memref<80x128xf32, #tpu.memory_space<vmem_shared>>
      %dma_wait3A_45 = arith.constant 0 : i32
      %dma_wait3A_46 = tpu.memref_slice %arg12[%add3A_13, %dma_wait3A_45] : memref<10000x128xf32, #tpu.memory_space<vmem_shared>> -> memref<80x128xf32, #tpu.memory_space<vmem_shared>>
      tpu.wait_dma2 semaphore(%run_scoped3A : memref<!tpu.dma_semaphore, #tpu.memory_space<semaphore_mem>>) src(%arg11 : memref<80x128xf32, #tpu.memory_space<vmem>>) dst(%dma_wait3A_46 : memref<80x128xf32, #tpu.memory_space<vmem_shared>>)
      tpu.yield
    }) : () -> ()
    %add3A_14 = arith.constant 320 : i32
    %add3A_15 = arith.addi %mul3A_6, %add3A_14 : i32
    "tpu.region"() ({
      %run_scoped3A = tpu.sem_alloc : memref<!tpu.dma_semaphore, #tpu.memory_space<semaphore_mem>>
      %dma_start3A = arith.constant 0 : i32
      %dma_start3A_41 = tpu.memref_slice %arg12[%add3A_15, %dma_start3A] : memref<10000x128xf32, #tpu.memory_space<vmem_shared>> -> memref<80x128xf32, #tpu.memory_space<vmem_shared>>
      %dma_start3A_42 = arith.constant 0 : i32
      %dma_start3A_43 = tpu.memref_slice %arg12[%add3A_15, %dma_start3A_42] : memref<10000x128xf32, #tpu.memory_space<vmem_shared>> -> memref<80x128xf32, #tpu.memory_space<vmem_shared>>
      tpu.enqueue_dma source(%arg11 : memref<80x128xf32, #tpu.memory_space<vmem>>) target(%dma_start3A_43 : memref<80x128xf32, #tpu.memory_space<vmem_shared>>) target_semaphore(%run_scoped3A : memref<!tpu.dma_semaphore, #tpu.memory_space<semaphore_mem>>)
      %dma_wait3A = arith.constant 0 : i32
      %dma_wait3A_44 = tpu.memref_slice %arg12[%add3A_15, %dma_wait3A] : memref<10000x128xf32, #tpu.memory_space<vmem_shared>> -> memref<80x128xf32, #tpu.memory_space<vmem_shared>>
      %dma_wait3A_45 = arith.constant 0 : i32
      %dma_wait3A_46 = tpu.memref_slice %arg12[%add3A_15, %dma_wait3A_45] : memref<10000x128xf32, #tpu.memory_space<vmem_shared>> -> memref<80x128xf32, #tpu.memory_space<vmem_shared>>
      tpu.wait_dma2 semaphore(%run_scoped3A : memref<!tpu.dma_semaphore, #tpu.memory_space<semaphore_mem>>) src(%arg11 : memref<80x128xf32, #tpu.memory_space<vmem>>) dst(%dma_wait3A_46 : memref<80x128xf32, #tpu.memory_space<vmem_shared>>)
      tpu.yield
    }) : () -> ()
    %add3A_16 = arith.constant 400 : i32
    %add3A_17 = arith.addi %mul3A_6, %add3A_16 : i32
    "tpu.region"() ({
      %run_scoped3A = tpu.sem_alloc : memref<!tpu.dma_semaphore, #tpu.memory_space<semaphore_mem>>
      %dma_start3A = arith.constant 0 : i32
      %dma_start3A_41 = tpu.memref_slice %arg12[%add3A_17, %dma_start3A] : memref<10000x128xf32, #tpu.memory_space<vmem_shared>> -> memref<80x128xf32, #tpu.memory_space<vmem_shared>>
      %dma_start3A_42 = arith.constant 0 : i32
      %dma_start3A_43 = tpu.memref_slice %arg12[%add3A_17, %dma_start3A_42] : memref<10000x128xf32, #tpu.memory_space<vmem_shared>> -> memref<80x128xf32, #tpu.memory_space<vmem_shared>>
      tpu.enqueue_dma source(%arg11 : memref<80x128xf32, #tpu.memory_space<vmem>>) target(%dma_start3A_43 : memref<80x128xf32, #tpu.memory_space<vmem_shared>>) target_semaphore(%run_scoped3A : memref<!tpu.dma_semaphore, #tpu.memory_space<semaphore_mem>>)
      %dma_wait3A = arith.constant 0 : i32
      %dma_wait3A_44 = tpu.memref_slice %arg12[%add3A_17, %dma_wait3A] : memref<10000x128xf32, #tpu.memory_space<vmem_shared>> -> memref<80x128xf32, #tpu.memory_space<vmem_shared>>
      %dma_wait3A_45 = arith.constant 0 : i32
      %dma_wait3A_46 = tpu.memref_slice %arg12[%add3A_17, %dma_wait3A_45] : memref<10000x128xf32, #tpu.memory_space<vmem_shared>> -> memref<80x128xf32, #tpu.memory_space<vmem_shared>>
      tpu.wait_dma2 semaphore(%run_scoped3A : memref<!tpu.dma_semaphore, #tpu.memory_space<semaphore_mem>>) src(%arg11 : memref<80x128xf32, #tpu.memory_space<vmem>>) dst(%dma_wait3A_46 : memref<80x128xf32, #tpu.memory_space<vmem_shared>>)
      tpu.yield
    }) : () -> ()
    %add3A_18 = arith.constant 480 : i32
    %add3A_19 = arith.addi %mul3A_6, %add3A_18 : i32
    "tpu.region"() ({
      %run_scoped3A = tpu.sem_alloc : memref<!tpu.dma_semaphore, #tpu.memory_space<semaphore_mem>>
      %dma_start3A = arith.constant 0 : i32
      %dma_start3A_41 = tpu.memref_slice %arg12[%add3A_19, %dma_start3A] : memref<10000x128xf32, #tpu.memory_space<vmem_shared>> -> memref<80x128xf32, #tpu.memory_space<vmem_shared>>
      %dma_start3A_42 = arith.constant 0 : i32
      %dma_start3A_43 = tpu.memref_slice %arg12[%add3A_19, %dma_start3A_42] : memref<10000x128xf32, #tpu.memory_space<vmem_shared>> -> memref<80x128xf32, #tpu.memory_space<vmem_shared>>
      tpu.enqueue_dma source(%arg11 : memref<80x128xf32, #tpu.memory_space<vmem>>) target(%dma_start3A_43 : memref<80x128xf32, #tpu.memory_space<vmem_shared>>) target_semaphore(%run_scoped3A : memref<!tpu.dma_semaphore, #tpu.memory_space<semaphore_mem>>)
      %dma_wait3A = arith.constant 0 : i32
      %dma_wait3A_44 = tpu.memref_slice %arg12[%add3A_19, %dma_wait3A] : memref<10000x128xf32, #tpu.memory_space<vmem_shared>> -> memref<80x128xf32, #tpu.memory_space<vmem_shared>>
      %dma_wait3A_45 = arith.constant 0 : i32
      %dma_wait3A_46 = tpu.memref_slice %arg12[%add3A_19, %dma_wait3A_45] : memref<10000x128xf32, #tpu.memory_space<vmem_shared>> -> memref<80x128xf32, #tpu.memory_space<vmem_shared>>
      tpu.wait_dma2 semaphore(%run_scoped3A : memref<!tpu.dma_semaphore, #tpu.memory_space<semaphore_mem>>) src(%arg11 : memref<80x128xf32, #tpu.memory_space<vmem>>) dst(%dma_wait3A_46 : memref<80x128xf32, #tpu.memory_space<vmem_shared>>)
      tpu.yield
    }) : () -> ()
    %add3A_20 = arith.constant 560 : i32
    %add3A_21 = arith.addi %mul3A_6, %add3A_20 : i32
    "tpu.region"() ({
      %run_scoped3A = tpu.sem_alloc : memref<!tpu.dma_semaphore, #tpu.memory_space<semaphore_mem>>
      %dma_start3A = arith.constant 0 : i32
      %dma_start3A_41 = arith.constant 0 : i32
      %dma_start3A_42 = tpu.memref_slice %arg11[%dma_start3A, %dma_start3A_41] : memref<80x128xf32, #tpu.memory_space<vmem>> -> memref<64x128xf32, #tpu.memory_space<vmem>>
      %dma_start3A_43 = arith.constant 0 : i32
      %dma_start3A_44 = tpu.memref_slice %arg12[%add3A_21, %dma_start3A_43] : memref<10000x128xf32, #tpu.memory_space<vmem_shared>> -> memref<64x128xf32, #tpu.memory_space<vmem_shared>>
      %dma_start3A_45 = arith.constant 0 : i32
      %dma_start3A_46 = tpu.memref_slice %arg12[%add3A_21, %dma_start3A_45] : memref<10000x128xf32, #tpu.memory_space<vmem_shared>> -> memref<64x128xf32, #tpu.memory_space<vmem_shared>>
      %dma_start3A_47 = arith.constant 0 : i32
      %dma_start3A_48 = arith.constant 0 : i32
      %dma_start3A_49 = tpu.memref_slice %arg11[%dma_start3A_47, %dma_start3A_48] : memref<80x128xf32, #tpu.memory_space<vmem>> -> memref<64x128xf32, #tpu.memory_space<vmem>>
      tpu.enqueue_dma source(%dma_start3A_49 : memref<64x128xf32, #tpu.memory_space<vmem>>) target(%dma_start3A_46 : memref<64x128xf32, #tpu.memory_space<vmem_shared>>) target_semaphore(%run_scoped3A : memref<!tpu.dma_semaphore, #tpu.memory_space<semaphore_mem>>)
      %dma_wait3A = arith.constant 0 : i32
      %dma_wait3A_50 = arith.constant 0 : i32
      %dma_wait3A_51 = tpu.memref_slice %arg11[%dma_wait3A, %dma_wait3A_50] : memref<80x128xf32, #tpu.memory_space<vmem>> -> memref<64x128xf32, #tpu.memory_space<vmem>>
      %dma_wait3A_52 = arith.constant 0 : i32
      %dma_wait3A_53 = tpu.memref_slice %arg12[%add3A_21, %dma_wait3A_52] : memref<10000x128xf32, #tpu.memory_space<vmem_shared>> -> memref<64x128xf32, #tpu.memory_space<vmem_shared>>
      %dma_wait3A_54 = arith.constant 0 : i32
      %dma_wait3A_55 = tpu.memref_slice %arg12[%add3A_21, %dma_wait3A_54] : memref<10000x128xf32, #tpu.memory_space<vmem_shared>> -> memref<64x128xf32, #tpu.memory_space<vmem_shared>>
      %dma_wait3A_56 = arith.constant 0 : i32
      %dma_wait3A_57 = arith.constant 0 : i32
      %dma_wait3A_58 = tpu.memref_slice %arg11[%dma_wait3A_56, %dma_wait3A_57] : memref<80x128xf32, #tpu.memory_space<vmem>> -> memref<64x128xf32, #tpu.memory_space<vmem>>
      tpu.wait_dma2 semaphore(%run_scoped3A : memref<!tpu.dma_semaphore, #tpu.memory_space<semaphore_mem>>) src(%dma_wait3A_58 : memref<64x128xf32, #tpu.memory_space<vmem>>) dst(%dma_wait3A_55 : memref<64x128xf32, #tpu.memory_space<vmem_shared>>)
      tpu.yield
    }) : () -> ()
    %eq3A = arith.constant 15 : i32
    %eq3A_22 = arith.cmpi eq, %arg1, %eq3A : i32
    %convert_element_type3A = arith.extui %eq3A_22 : i1 to i32
    %cond3A = arith.constant 0 : i32
    %cond3A_23 = arith.cmpi ne, %convert_element_type3A, %cond3A : i32
    scf.if %cond3A_23 {
      %add3A_41 = arith.constant 624 : i32
      %add3A_42 = arith.addi %mul3A_6, %add3A_41 : i32
      "tpu.region"() ({
        %run_scoped3A = tpu.sem_alloc : memref<!tpu.dma_semaphore, #tpu.memory_space<semaphore_mem>>
        %dma_start3A = arith.constant 0 : i32
        %dma_start3A_43 = arith.constant 0 : i32
        %dma_start3A_44 = tpu.memref_slice %arg11[%dma_start3A, %dma_start3A_43] : memref<80x128xf32, #tpu.memory_space<vmem>> -> memref<16x128xf32, #tpu.memory_space<vmem>>
        %dma_start3A_45 = arith.constant 0 : i32
        %dma_start3A_46 = tpu.memref_slice %arg12[%add3A_42, %dma_start3A_45] : memref<10000x128xf32, #tpu.memory_space<vmem_shared>> -> memref<16x128xf32, #tpu.memory_space<vmem_shared>>
        %dma_start3A_47 = arith.constant 0 : i32
        %dma_start3A_48 = tpu.memref_slice %arg12[%add3A_42, %dma_start3A_47] : memref<10000x128xf32, #tpu.memory_space<vmem_shared>> -> memref<16x128xf32, #tpu.memory_space<vmem_shared>>
        %dma_start3A_49 = arith.constant 0 : i32
        %dma_start3A_50 = arith.constant 0 : i32
        %dma_start3A_51 = tpu.memref_slice %arg11[%dma_start3A_49, %dma_start3A_50] : memref<80x128xf32, #tpu.memory_space<vmem>> -> memref<16x128xf32, #tpu.memory_space<vmem>>
        tpu.enqueue_dma source(%dma_start3A_51 : memref<16x128xf32, #tpu.memory_space<vmem>>) target(%dma_start3A_48 : memref<16x128xf32, #tpu.memory_space<vmem_shared>>) target_semaphore(%run_scoped3A : memref<!tpu.dma_semaphore, #tpu.memory_space<semaphore_mem>>)
        %dma_wait3A = arith.constant 0 : i32
        %dma_wait3A_52 = arith.constant 0 : i32
        %dma_wait3A_53 = tpu.memref_slice %arg11[%dma_wait3A, %dma_wait3A_52] : memref<80x128xf32, #tpu.memory_space<vmem>> -> memref<16x128xf32, #tpu.memory_space<vmem>>
        %dma_wait3A_54 = arith.constant 0 : i32
        %dma_wait3A_55 = tpu.memref_slice %arg12[%add3A_42, %dma_wait3A_54] : memref<10000x128xf32, #tpu.memory_space<vmem_shared>> -> memref<16x128xf32, #tpu.memory_space<vmem_shared>>
        %dma_wait3A_56 = arith.constant 0 : i32
        %dma_wait3A_57 = tpu.memref_slice %arg12[%add3A_42, %dma_wait3A_56] : memref<10000x128xf32, #tpu.memory_space<vmem_shared>> -> memref<16x128xf32, #tpu.memory_space<vmem_shared>>
        %dma_wait3A_58 = arith.constant 0 : i32
        %dma_wait3A_59 = arith.constant 0 : i32
        %dma_wait3A_60 = tpu.memref_slice %arg11[%dma_wait3A_58, %dma_wait3A_59] : memref<80x128xf32, #tpu.memory_space<vmem>> -> memref<16x128xf32, #tpu.memory_space<vmem>>
        tpu.wait_dma2 semaphore(%run_scoped3A : memref<!tpu.dma_semaphore, #tpu.memory_space<semaphore_mem>>) src(%dma_wait3A_60 : memref<16x128xf32, #tpu.memory_space<vmem>>) dst(%dma_wait3A_57 : memref<16x128xf32, #tpu.memory_space<vmem_shared>>)
        tpu.yield
      }) : () -> ()
    } else {
    }
    %barrier3A = arith.constant 0 : index
    tpu.barrier barrier_id(%barrier3A)
    %mul3A_24 = arith.constant 16 : i32
    %mul3A_25 = arith.muli %arg0, %mul3A_24 : i32
    %add3A_26 = arith.addi %mul3A_25, %arg1 : i32
    %mul3A_27 = arith.constant 20000 : i32
    %mul3A_28 = arith.muli %add3A_26, %mul3A_27 : i32
    %scan3A_29 = arith.constant 0 : i32
    %scan3A_30 = arith.constant 0 : i32
    %scan3A_31 = arith.constant 250 : i32
    %scan3A_32 = arith.addi %scan3A_30, %scan3A_31 : i32
    %scan3A_33 = arith.constant 1 : i32
    scf.for %scan3A_41 = %scan3A_30 to %scan3A_32 step %scan3A_33  : i32 {
      %mul3A_42 = arith.constant 80 : i32
      %mul3A_43 = arith.muli %scan3A_41, %mul3A_42 : i32
      %add3A_44 = arith.addi %mul3A_28, %mul3A_43 : i32
      "tpu.region"() ({
        %run_scoped3A = tpu.sem_alloc : memref<!tpu.dma_semaphore, #tpu.memory_space<semaphore_mem>>
        %dma_start3A_55 = tpu.memref_slice %arg4[%add3A_44] : memref<640000xi32, #tpu.memory_space<hbm>> -> memref<80xi32, #tpu.memory_space<hbm>>
        %dma_start3A_56 = tpu.memref_slice %arg4[%add3A_44] : memref<640000xi32, #tpu.memory_space<hbm>> -> memref<80xi32, #tpu.memory_space<hbm>>
        tpu.enqueue_dma source(%dma_start3A_56 : memref<80xi32, #tpu.memory_space<hbm>>) target(%arg7 : memref<80xi32, #tpu.memory_space<vmem>>) target_semaphore(%run_scoped3A : memref<!tpu.dma_semaphore, #tpu.memory_space<semaphore_mem>>)
        %dma_wait3A_57 = tpu.memref_slice %arg4[%add3A_44] : memref<640000xi32, #tpu.memory_space<hbm>> -> memref<80xi32, #tpu.memory_space<hbm>>
        %dma_wait3A_58 = tpu.memref_slice %arg4[%add3A_44] : memref<640000xi32, #tpu.memory_space<hbm>> -> memref<80xi32, #tpu.memory_space<hbm>>
        tpu.wait_dma2 semaphore(%run_scoped3A : memref<!tpu.dma_semaphore, #tpu.memory_space<semaphore_mem>>) src(%dma_wait3A_58 : memref<80xi32, #tpu.memory_space<hbm>>) dst(%arg7 : memref<80xi32, #tpu.memory_space<vmem>>)
        tpu.yield
      }) : () -> ()
      "tpu.region"() ({
        %run_scoped3A = tpu.sem_alloc : memref<!tpu.dma_semaphore, #tpu.memory_space<semaphore_mem>>
        %dma_start3A_55 = tpu.memref_slice %arg3[%add3A_44] : memref<640000xi32, #tpu.memory_space<hbm>> -> memref<80xi32, #tpu.memory_space<hbm>>
        %dma_start3A_56 = tpu.memref_slice %arg3[%add3A_44] : memref<640000xi32, #tpu.memory_space<hbm>> -> memref<80xi32, #tpu.memory_space<hbm>>
        tpu.enqueue_dma source(%dma_start3A_56 : memref<80xi32, #tpu.memory_space<hbm>>) target(%arg8 : memref<80xi32, #tpu.memory_space<vmem>>) target_semaphore(%run_scoped3A : memref<!tpu.dma_semaphore, #tpu.memory_space<semaphore_mem>>)
        %dma_wait3A_57 = tpu.memref_slice %arg3[%add3A_44] : memref<640000xi32, #tpu.memory_space<hbm>> -> memref<80xi32, #tpu.memory_space<hbm>>
        %dma_wait3A_58 = tpu.memref_slice %arg3[%add3A_44] : memref<640000xi32, #tpu.memory_space<hbm>> -> memref<80xi32, #tpu.memory_space<hbm>>
        tpu.wait_dma2 semaphore(%run_scoped3A : memref<!tpu.dma_semaphore, #tpu.memory_space<semaphore_mem>>) src(%dma_wait3A_58 : memref<80xi32, #tpu.memory_space<hbm>>) dst(%arg8 : memref<80xi32, #tpu.memory_space<vmem>>)
        tpu.yield
      }) : () -> ()
      "tpu.region"() ({
        %run_scoped3A = tpu.sem_alloc : memref<!tpu.dma_semaphore, #tpu.memory_space<semaphore_mem>>
        %dma_start3A_55 = tpu.memref_slice %arg5[%add3A_44] : memref<640000xf32, #tpu.memory_space<hbm>> -> memref<80xf32, #tpu.memory_space<hbm>>
        %dma_start3A_56 = tpu.memref_slice %arg5[%add3A_44] : memref<640000xf32, #tpu.memory_space<hbm>> -> memref<80xf32, #tpu.memory_space<hbm>>
        tpu.enqueue_dma source(%dma_start3A_56 : memref<80xf32, #tpu.memory_space<hbm>>) target(%arg9 : memref<80xf32, #tpu.memory_space<vmem>>) target_semaphore(%run_scoped3A : memref<!tpu.dma_semaphore, #tpu.memory_space<semaphore_mem>>)
        %dma_wait3A_57 = tpu.memref_slice %arg5[%add3A_44] : memref<640000xf32, #tpu.memory_space<hbm>> -> memref<80xf32, #tpu.memory_space<hbm>>
        %dma_wait3A_58 = tpu.memref_slice %arg5[%add3A_44] : memref<640000xf32, #tpu.memory_space<hbm>> -> memref<80xf32, #tpu.memory_space<hbm>>
        tpu.wait_dma2 semaphore(%run_scoped3A : memref<!tpu.dma_semaphore, #tpu.memory_space<semaphore_mem>>) src(%dma_wait3A_58 : memref<80xf32, #tpu.memory_space<hbm>>) dst(%arg9 : memref<80xf32, #tpu.memory_space<vmem>>)
        tpu.yield
      }) : () -> ()
      %dma_start3A = arith.constant 0 : i32
      %dma_start3A_45 = arith.constant 0 : i32
      %dma_start3A_46 = tpu.memref_slice %arg2[%dma_start3A, %dma_start3A_45] : memref<20000x128xf32, #tpu.memory_space<hbm>> -> memref<20000x128xf32, #tpu.memory_space<hbm>>
      tpu.enqueue_indirect_dma source(%dma_start3A_46 : memref<20000x128xf32, #tpu.memory_space<hbm>>) target(%arg10 : memref<80x128xf32, #tpu.memory_space<vmem>>) offsets(%arg7 : memref<80xi32, #tpu.memory_space<vmem>>) semaphore(%arg13 : memref<!tpu.dma_semaphore, #tpu.memory_space<semaphore_mem>>)
      %dma_wait3A = arith.constant 0 : i32
      %dma_wait3A_47 = arith.constant 0 : i32
      %dma_wait3A_48 = tpu.memref_slice %arg2[%dma_wait3A, %dma_wait3A_47] : memref<20000x128xf32, #tpu.memory_space<hbm>> -> memref<20000x128xf32, #tpu.memory_space<hbm>>
      tpu.wait_indirect_dma semaphore(%arg13 : memref<!tpu.dma_semaphore, #tpu.memory_space<semaphore_mem>>) src(%dma_wait3A_48 : memref<20000x128xf32, #tpu.memory_space<hbm>>) dst(%arg10 : memref<80x128xf32, #tpu.memory_space<vmem>>)
      %scan3A_49 = arith.constant 0 : i32
      %scan3A_50 = arith.constant 0 : i32
      %scan3A_51 = arith.constant 5 : i32
      %scan3A_52 = arith.addi %scan3A_50, %scan3A_51 : i32
      %scan3A_53 = arith.constant 1 : i32
      scf.for %scan3A_55 = %scan3A_50 to %scan3A_52 step %scan3A_53  : i32 {
        %mul3A_56 = arith.constant 16 : i32
        %mul3A_57 = arith.muli %scan3A_55, %mul3A_56 : i32
        %get3A = arith.index_cast %mul3A_57 : i32 to index
        %get3A_58 = tpu.vector_load %arg9[%get3A] {strides = array<i32>} : memref<80xf32, #tpu.memory_space<vmem>>, vector<16xf32>,
        %get3A_59 = vector.shape_cast %get3A_58 : vector<16xf32> to vector<16xf32>
        %broadcast_in_dim3A_60 = arith.constant 0 : i32
        %broadcast_in_dim3A_61 = vector.broadcast %broadcast_in_dim3A_60 : i32 to vector<16x1xi32>
        %gather3A = vector.shape_cast %broadcast_in_dim3A_61 : vector<16x1xi32> to vector<16xi32>
        %gather3A_62 = tpu.dynamic_gather %get3A_59[%gather3A] in [0] : vector<16xf32>, vector<16xi32> -> vector<16xf32>
        %mul3A_63 = arith.constant 16 : i32
        %mul3A_64 = arith.muli %scan3A_55, %mul3A_63 : i32
        %add3A_65 = arith.constant 0 : i32
        %add3A_66 = arith.addi %mul3A_64, %add3A_65 : i32
        %get3A_67 = arith.index_cast %add3A_66 : i32 to index
        %get3A_68 = arith.constant 0 : index
        %get3A_69 = tpu.vector_load %arg10[%get3A_67, %get3A_68] {strides = array<i32>} : memref<80x128xf32, #tpu.memory_space<vmem>>, vector<1x16xf32>,
        %get3A_70 = vector.shape_cast %get3A_69 : vector<1x16xf32> to vector<16xf32>
        %mul3A_71 = arith.mulf %get3A_70, %gather3A_62 : vector<16xf32>
        %swap3A = arith.index_cast %add3A_66 : i32 to index
        %swap3A_72 = arith.constant 0 : index
        %swap3A_73 = tpu.vector_load %arg10[%swap3A, %swap3A_72] {strides = array<i32>} : memref<80x128xf32, #tpu.memory_space<vmem>>, vector<1x16xf32>,
        %swap3A_74 = vector.shape_cast %swap3A_73 : vector<1x16xf32> to vector<16xf32>
        %swap3A_75 = vector.shape_cast %mul3A_71 : vector<16xf32> to vector<1x16xf32>
        tpu.vector_store %arg10[%swap3A, %swap3A_72], %swap3A_75 {strides = array<i32>} : memref<80x128xf32, #tpu.memory_space<vmem>>, vector<1x16xf32>,
        %get3A_76 = arith.index_cast %add3A_66 : i32 to index
        %get3A_77 = arith.constant 16 : index
        %get3A_78 = tpu.vector_load %arg10[%get3A_76, %get3A_77] {strides = array<i32>} : memref<80x128xf32, #tpu.memory_space<vmem>>, vector<1x16xf32>,
        %get3A_79 = vector.shape_cast %get3A_78 : vector<1x16xf32> to vector<16xf32>
        %mul3A_80 = arith.mulf %get3A_79, %gather3A_62 : vector<16xf32>
        %swap3A_81 = arith.index_cast %add3A_66 : i32 to index
        %swap3A_82 = arith.constant 16 : index
        %swap3A_83 = tpu.vector_load %arg10[%swap3A_81, %swap3A_82] {strides = array<i32>} : memref<80x128xf32, #tpu.memory_space<vmem>>, vector<1x16xf32>,
        %swap3A_84 = vector.shape_cast %swap3A_83 : vector<1x16xf32> to vector<16xf32>
        %swap3A_85 = vector.shape_cast %mul3A_80 : vector<16xf32> to vector<1x16xf32>
        tpu.vector_store %arg10[%swap3A_81, %swap3A_82], %swap3A_85 {strides = array<i32>} : memref<80x128xf32, #tpu.memory_space<vmem>>, vector<1x16xf32>,
        %get3A_86 = arith.index_cast %add3A_66 : i32 to index
        %get3A_87 = arith.constant 32 : index
        %get3A_88 = tpu.vector_load %arg10[%get3A_86, %get3A_87] {strides = array<i32>} : memref<80x128xf32, #tpu.memory_space<vmem>>, vector<1x16xf32>,
        %get3A_89 = vector.shape_cast %get3A_88 : vector<1x16xf32> to vector<16xf32>
        %mul3A_90 = arith.mulf %get3A_89, %gather3A_62 : vector<16xf32>
        %swap3A_91 = arith.index_cast %add3A_66 : i32 to index
        %swap3A_92 = arith.constant 32 : index
        %swap3A_93 = tpu.vector_load %arg10[%swap3A_91, %swap3A_92] {strides = array<i32>} : memref<80x128xf32, #tpu.memory_space<vmem>>, vector<1x16xf32>,
        %swap3A_94 = vector.shape_cast %swap3A_93 : vector<1x16xf32> to vector<16xf32>
        %swap3A_95 = vector.shape_cast %mul3A_90 : vector<16xf32> to vector<1x16xf32>
        tpu.vector_store %arg10[%swap3A_91, %swap3A_92], %swap3A_95 {strides = array<i32>} : memref<80x128xf32, #tpu.memory_space<vmem>>, vector<1x16xf32>,
        %get3A_96 = arith.index_cast %add3A_66 : i32 to index
        %get3A_97 = arith.constant 48 : index
        %get3A_98 = tpu.vector_load %arg10[%get3A_96, %get3A_97] {strides = array<i32>} : memref<80x128xf32, #tpu.memory_space<vmem>>, vector<1x16xf32>,
        %get3A_99 = vector.shape_cast %get3A_98 : vector<1x16xf32> to vector<16xf32>
        %mul3A_100 = arith.mulf %get3A_99, %gather3A_62 : vector<16xf32>
        %swap3A_101 = arith.index_cast %add3A_66 : i32 to index
        %swap3A_102 = arith.constant 48 : index
        %swap3A_103 = tpu.vector_load %arg10[%swap3A_101, %swap3A_102] {strides = array<i32>} : memref<80x128xf32, #tpu.memory_space<vmem>>, vector<1x16xf32>,
        %swap3A_104 = vector.shape_cast %swap3A_103 : vector<1x16xf32> to vector<16xf32>
        %swap3A_105 = vector.shape_cast %mul3A_100 : vector<16xf32> to vector<1x16xf32>
        tpu.vector_store %arg10[%swap3A_101, %swap3A_102], %swap3A_105 {strides = array<i32>} : memref<80x128xf32, #tpu.memory_space<vmem>>, vector<1x16xf32>,
        %get3A_106 = arith.index_cast %add3A_66 : i32 to index
        %get3A_107 = arith.constant 64 : index
        %get3A_108 = tpu.vector_load %arg10[%get3A_106, %get3A_107] {strides = array<i32>} : memref<80x128xf32, #tpu.memory_space<vmem>>, vector<1x16xf32>,
        %get3A_109 = vector.shape_cast %get3A_108 : vector<1x16xf32> to vector<16xf32>
        %mul3A_110 = arith.mulf %get3A_109, %gather3A_62 : vector<16xf32>
        %swap3A_111 = arith.index_cast %add3A_66 : i32 to index
        %swap3A_112 = arith.constant 64 : index
        %swap3A_113 = tpu.vector_load %arg10[%swap3A_111, %swap3A_112] {strides = array<i32>} : memref<80x128xf32, #tpu.memory_space<vmem>>, vector<1x16xf32>,
        %swap3A_114 = vector.shape_cast %swap3A_113 : vector<1x16xf32> to vector<16xf32>
        %swap3A_115 = vector.shape_cast %mul3A_110 : vector<16xf32> to vector<1x16xf32>
        tpu.vector_store %arg10[%swap3A_111, %swap3A_112], %swap3A_115 {strides = array<i32>} : memref<80x128xf32, #tpu.memory_space<vmem>>, vector<1x16xf32>,
        %get3A_116 = arith.index_cast %add3A_66 : i32 to index
        %get3A_117 = arith.constant 80 : index
        %get3A_118 = tpu.vector_load %arg10[%get3A_116, %get3A_117] {strides = array<i32>} : memref<80x128xf32, #tpu.memory_space<vmem>>, vector<1x16xf32>,
        %get3A_119 = vector.shape_cast %get3A_118 : vector<1x16xf32> to vector<16xf32>
        %mul3A_120 = arith.mulf %get3A_119, %gather3A_62 : vector<16xf32>
        %swap3A_121 = arith.index_cast %add3A_66 : i32 to index
        %swap3A_122 = arith.constant 80 : index
        %swap3A_123 = tpu.vector_load %arg10[%swap3A_121, %swap3A_122] {strides = array<i32>} : memref<80x128xf32, #tpu.memory_space<vmem>>, vector<1x16xf32>,
        %swap3A_124 = vector.shape_cast %swap3A_123 : vector<1x16xf32> to vector<16xf32>
        %swap3A_125 = vector.shape_cast %mul3A_120 : vector<16xf32> to vector<1x16xf32>
        tpu.vector_store %arg10[%swap3A_121, %swap3A_122], %swap3A_125 {strides = array<i32>} : memref<80x128xf32, #tpu.memory_space<vmem>>, vector<1x16xf32>,
        %get3A_126 = arith.index_cast %add3A_66 : i32 to index
        %get3A_127 = arith.constant 96 : index
        %get3A_128 = tpu.vector_load %arg10[%get3A_126, %get3A_127] {strides = array<i32>} : memref<80x128xf32, #tpu.memory_space<vmem>>, vector<1x16xf32>,
        %get3A_129 = vector.shape_cast %get3A_128 : vector<1x16xf32> to vector<16xf32>
        %mul3A_130 = arith.mulf %get3A_129, %gather3A_62 : vector<16xf32>
        %swap3A_131 = arith.index_cast %add3A_66 : i32 to index
        %swap3A_132 = arith.constant 96 : index
        %swap3A_133 = tpu.vector_load %arg10[%swap3A_131, %swap3A_132] {strides = array<i32>} : memref<80x128xf32, #tpu.memory_space<vmem>>, vector<1x16xf32>,
        %swap3A_134 = vector.shape_cast %swap3A_133 : vector<1x16xf32> to vector<16xf32>
        %swap3A_135 = vector.shape_cast %mul3A_130 : vector<16xf32> to vector<1x16xf32>
        tpu.vector_store %arg10[%swap3A_131, %swap3A_132], %swap3A_135 {strides = array<i32>} : memref<80x128xf32, #tpu.memory_space<vmem>>, vector<1x16xf32>,
        %get3A_136 = arith.index_cast %add3A_66 : i32 to index
        %get3A_137 = arith.constant 112 : index
        %get3A_138 = tpu.vector_load %arg10[%get3A_136, %get3A_137] {strides = array<i32>} : memref<80x128xf32, #tpu.memory_space<vmem>>, vector<1x16xf32>,
        %get3A_139 = vector.shape_cast %get3A_138 : vector<1x16xf32> to vector<16xf32>
        %mul3A_140 = arith.mulf %get3A_139, %gather3A_62 : vector<16xf32>
        %swap3A_141 = arith.index_cast %add3A_66 : i32 to index
        %swap3A_142 = arith.constant 112 : index
        %swap3A_143 = tpu.vector_load %arg10[%swap3A_141, %swap3A_142] {strides = array<i32>} : memref<80x128xf32, #tpu.memory_space<vmem>>, vector<1x16xf32>,
        %swap3A_144 = vector.shape_cast %swap3A_143 : vector<1x16xf32> to vector<16xf32>
        %swap3A_145 = vector.shape_cast %mul3A_140 : vector<16xf32> to vector<1x16xf32>
        tpu.vector_store %arg10[%swap3A_141, %swap3A_142], %swap3A_145 {strides = array<i32>} : memref<80x128xf32, #tpu.memory_space<vmem>>, vector<1x16xf32>,
        %broadcast_in_dim3A_146 = arith.constant 1 : i32
        %broadcast_in_dim3A_147 = vector.broadcast %broadcast_in_dim3A_146 : i32 to vector<16x1xi32>
        %gather3A_148 = vector.shape_cast %broadcast_in_dim3A_147 : vector<16x1xi32> to vector<16xi32>
        %gather3A_149 = tpu.dynamic_gather %get3A_59[%gather3A_148] in [0] : vector<16xf32>, vector<16xi32> -> vector<16xf32>
        %mul3A_150 = arith.constant 16 : i32
        %mul3A_151 = arith.muli %scan3A_55, %mul3A_150 : i32
        %add3A_152 = arith.constant 1 : i32
        %add3A_153 = arith.addi %mul3A_151, %add3A_152 : i32
        %get3A_154 = arith.index_cast %add3A_153 : i32 to index
        %get3A_155 = arith.constant 0 : index
        %get3A_156 = tpu.vector_load %arg10[%get3A_154, %get3A_155] {strides = array<i32>} : memref<80x128xf32, #tpu.memory_space<vmem>>, vector<1x16xf32>,
        %get3A_157 = vector.shape_cast %get3A_156 : vector<1x16xf32> to vector<16xf32>
        %mul3A_158 = arith.mulf %get3A_157, %gather3A_149 : vector<16xf32>
        %swap3A_159 = arith.index_cast %add3A_153 : i32 to index
        %swap3A_160 = arith.constant 0 : index
        %swap3A_161 = tpu.vector_load %arg10[%swap3A_159, %swap3A_160] {strides = array<i32>} : memref<80x128xf32, #tpu.memory_space<vmem>>, vector<1x16xf32>,
        %swap3A_162 = vector.shape_cast %swap3A_161 : vector<1x16xf32> to vector<16xf32>
        %swap3A_163 = vector.shape_cast %mul3A_158 : vector<16xf32> to vector<1x16xf32>
        tpu.vector_store %arg10[%swap3A_159, %swap3A_160], %swap3A_163 {strides = array<i32>} : memref<80x128xf32, #tpu.memory_space<vmem>>, vector<1x16xf32>,
        %get3A_164 = arith.index_cast %add3A_153 : i32 to index
        %get3A_165 = arith.constant 16 : index
        %get3A_166 = tpu.vector_load %arg10[%get3A_164, %get3A_165] {strides = array<i32>} : memref<80x128xf32, #tpu.memory_space<vmem>>, vector<1x16xf32>,
        %get3A_167 = vector.shape_cast %get3A_166 : vector<1x16xf32> to vector<16xf32>
        %mul3A_168 = arith.mulf %get3A_167, %gather3A_149 : vector<16xf32>
        %swap3A_169 = arith.index_cast %add3A_153 : i32 to index
        %swap3A_170 = arith.constant 16 : index
        %swap3A_171 = tpu.vector_load %arg10[%swap3A_169, %swap3A_170] {strides = array<i32>} : memref<80x128xf32, #tpu.memory_space<vmem>>, vector<1x16xf32>,
        %swap3A_172 = vector.shape_cast %swap3A_171 : vector<1x16xf32> to vector<16xf32>
        %swap3A_173 = vector.shape_cast %mul3A_168 : vector<16xf32> to vector<1x16xf32>
        tpu.vector_store %arg10[%swap3A_169, %swap3A_170], %swap3A_173 {strides = array<i32>} : memref<80x128xf32, #tpu.memory_space<vmem>>, vector<1x16xf32>,
        %get3A_174 = arith.index_cast %add3A_153 : i32 to index
        %get3A_175 = arith.constant 32 : index
        %get3A_176 = tpu.vector_load %arg10[%get3A_174, %get3A_175] {strides = array<i32>} : memref<80x128xf32, #tpu.memory_space<vmem>>, vector<1x16xf32>,
        %get3A_177 = vector.shape_cast %get3A_176 : vector<1x16xf32> to vector<16xf32>
        %mul3A_178 = arith.mulf %get3A_177, %gather3A_149 : vector<16xf32>
        %swap3A_179 = arith.index_cast %add3A_153 : i32 to index
        %swap3A_180 = arith.constant 32 : index
        %swap3A_181 = tpu.vector_load %arg10[%swap3A_179, %swap3A_180] {strides = array<i32>} : memref<80x128xf32, #tpu.memory_space<vmem>>, vector<1x16xf32>,
        %swap3A_182 = vector.shape_cast %swap3A_181 : vector<1x16xf32> to vector<16xf32>
        %swap3A_183 = vector.shape_cast %mul3A_178 : vector<16xf32> to vector<1x16xf32>
        tpu.vector_store %arg10[%swap3A_179, %swap3A_180], %swap3A_183 {strides = array<i32>} : memref<80x128xf32, #tpu.memory_space<vmem>>, vector<1x16xf32>,
        %get3A_184 = arith.index_cast %add3A_153 : i32 to index
        %get3A_185 = arith.constant 48 : index
        %get3A_186 = tpu.vector_load %arg10[%get3A_184, %get3A_185] {strides = array<i32>} : memref<80x128xf32, #tpu.memory_space<vmem>>, vector<1x16xf32>,
        %get3A_187 = vector.shape_cast %get3A_186 : vector<1x16xf32> to vector<16xf32>
        %mul3A_188 = arith.mulf %get3A_187, %gather3A_149 : vector<16xf32>
        %swap3A_189 = arith.index_cast %add3A_153 : i32 to index
        %swap3A_190 = arith.constant 48 : index
        %swap3A_191 = tpu.vector_load %arg10[%swap3A_189, %swap3A_190] {strides = array<i32>} : memref<80x128xf32, #tpu.memory_space<vmem>>, vector<1x16xf32>,
        %swap3A_192 = vector.shape_cast %swap3A_191 : vector<1x16xf32> to vector<16xf32>
        %swap3A_193 = vector.shape_cast %mul3A_188 : vector<16xf32> to vector<1x16xf32>
        tpu.vector_store %arg10[%swap3A_189, %swap3A_190], %swap3A_193 {strides = array<i32>} : memref<80x128xf32, #tpu.memory_space<vmem>>, vector<1x16xf32>,
        %get3A_194 = arith.index_cast %add3A_153 : i32 to index
        %get3A_195 = arith.constant 64 : index
        %get3A_196 = tpu.vector_load %arg10[%get3A_194, %get3A_195] {strides = array<i32>} : memref<80x128xf32, #tpu.memory_space<vmem>>, vector<1x16xf32>,
        %get3A_197 = vector.shape_cast %get3A_196 : vector<1x16xf32> to vector<16xf32>
        %mul3A_198 = arith.mulf %get3A_197, %gather3A_149 : vector<16xf32>
        %swap3A_199 = arith.index_cast %add3A_153 : i32 to index
        %swap3A_200 = arith.constant 64 : index
        %swap3A_201 = tpu.vector_load %arg10[%swap3A_199, %swap3A_200] {strides = array<i32>} : memref<80x128xf32, #tpu.memory_space<vmem>>, vector<1x16xf32>,
        %swap3A_202 = vector.shape_cast %swap3A_201 : vector<1x16xf32> to vector<16xf32>
        %swap3A_203 = vector.shape_cast %mul3A_198 : vector<16xf32> to vector<1x16xf32>
        tpu.vector_store %arg10[%swap3A_199, %swap3A_200], %swap3A_203 {strides = array<i32>} : memref<80x128xf32, #tpu.memory_space<vmem>>, vector<1x16xf32>,
        %get3A_204 = arith.index_cast %add3A_153 : i32 to index
        %get3A_205 = arith.constant 80 : index
        %get3A_206 = tpu.vector_load %arg10[%get3A_204, %get3A_205] {strides = array<i32>} : memref<80x128xf32, #tpu.memory_space<vmem>>, vector<1x16xf32>,
        %get3A_207 = vector.shape_cast %get3A_206 : vector<1x16xf32> to vector<16xf32>
        %mul3A_208 = arith.mulf %get3A_207, %gather3A_149 : vector<16xf32>
        %swap3A_209 = arith.index_cast %add3A_153 : i32 to index
        %swap3A_210 = arith.constant 80 : index
        %swap3A_211 = tpu.vector_load %arg10[%swap3A_209, %swap3A_210] {strides = array<i32>} : memref<80x128xf32, #tpu.memory_space<vmem>>, vector<1x16xf32>,
        %swap3A_212 = vector.shape_cast %swap3A_211 : vector<1x16xf32> to vector<16xf32>
        %swap3A_213 = vector.shape_cast %mul3A_208 : vector<16xf32> to vector<1x16xf32>
        tpu.vector_store %arg10[%swap3A_209, %swap3A_210], %swap3A_213 {strides = array<i32>} : memref<80x128xf32, #tpu.memory_space<vmem>>, vector<1x16xf32>,
        %get3A_214 = arith.index_cast %add3A_153 : i32 to index
        %get3A_215 = arith.constant 96 : index
        %get3A_216 = tpu.vector_load %arg10[%get3A_214, %get3A_215] {strides = array<i32>} : memref<80x128xf32, #tpu.memory_space<vmem>>, vector<1x16xf32>,
        %get3A_217 = vector.shape_cast %get3A_216 : vector<1x16xf32> to vector<16xf32>
        %mul3A_218 = arith.mulf %get3A_217, %gather3A_149 : vector<16xf32>
        %swap3A_219 = arith.index_cast %add3A_153 : i32 to index
        %swap3A_220 = arith.constant 96 : index
        %swap3A_221 = tpu.vector_load %arg10[%swap3A_219, %swap3A_220] {strides = array<i32>} : memref<80x128xf32, #tpu.memory_space<vmem>>, vector<1x16xf32>,
        %swap3A_222 = vector.shape_cast %swap3A_221 : vector<1x16xf32> to vector<16xf32>
        %swap3A_223 = vector.shape_cast %mul3A_218 : vector<16xf32> to vector<1x16xf32>
        tpu.vector_store %arg10[%swap3A_219, %swap3A_220], %swap3A_223 {strides = array<i32>} : memref<80x128xf32, #tpu.memory_space<vmem>>, vector<1x16xf32>,
        %get3A_224 = arith.index_cast %add3A_153 : i32 to index
        %get3A_225 = arith.constant 112 : index
        %get3A_226 = tpu.vector_load %arg10[%get3A_224, %get3A_225] {strides = array<i32>} : memref<80x128xf32, #tpu.memory_space<vmem>>, vector<1x16xf32>,
        %get3A_227 = vector.shape_cast %get3A_226 : vector<1x16xf32> to vector<16xf32>
        %mul3A_228 = arith.mulf %get3A_227, %gather3A_149 : vector<16xf32>
        %swap3A_229 = arith.index_cast %add3A_153 : i32 to index
        %swap3A_230 = arith.constant 112 : index
        %swap3A_231 = tpu.vector_load %arg10[%swap3A_229, %swap3A_230] {strides = array<i32>} : memref<80x128xf32, #tpu.memory_space<vmem>>, vector<1x16xf32>,
        %swap3A_232 = vector.shape_cast %swap3A_231 : vector<1x16xf32> to vector<16xf32>
        %swap3A_233 = vector.shape_cast %mul3A_228 : vector<16xf32> to vector<1x16xf32>
        tpu.vector_store %arg10[%swap3A_229, %swap3A_230], %swap3A_233 {strides = array<i32>} : memref<80x128xf32, #tpu.memory_space<vmem>>, vector<1x16xf32>,
        %broadcast_in_dim3A_234 = arith.constant 2 : i32
        %broadcast_in_dim3A_235 = vector.broadcast %broadcast_in_dim3A_234 : i32 to vector<16x1xi32>
        %gather3A_236 = vector.shape_cast %broadcast_in_dim3A_235 : vector<16x1xi32> to vector<16xi32>
        %gather3A_237 = tpu.dynamic_gather %get3A_59[%gather3A_236] in [0] : vector<16xf32>, vector<16xi32> -> vector<16xf32>
        %mul3A_238 = arith.constant 16 : i32
        %mul3A_239 = arith.muli %scan3A_55, %mul3A_238 : i32
        %add3A_240 = arith.constant 2 : i32
        %add3A_241 = arith.addi %mul3A_239, %add3A_240 : i32
        %get3A_242 = arith.index_cast %add3A_241 : i32 to index
        %get3A_243 = arith.constant 0 : index
        %get3A_244 = tpu.vector_load %arg10[%get3A_242, %get3A_243] {strides = array<i32>} : memref<80x128xf32, #tpu.memory_space<vmem>>, vector<1x16xf32>,
        %get3A_245 = vector.shape_cast %get3A_244 : vector<1x16xf32> to vector<16xf32>
        %mul3A_246 = arith.mulf %get3A_245, %gather3A_237 : vector<16xf32>
        %swap3A_247 = arith.index_cast %add3A_241 : i32 to index
        %swap3A_248 = arith.constant 0 : index
        %swap3A_249 = tpu.vector_load %arg10[%swap3A_247, %swap3A_248] {strides = array<i32>} : memref<80x128xf32, #tpu.memory_space<vmem>>, vector<1x16xf32>,
        %swap3A_250 = vector.shape_cast %swap3A_249 : vector<1x16xf32> to vector<16xf32>
        %swap3A_251 = vector.shape_cast %mul3A_246 : vector<16xf32> to vector<1x16xf32>
        tpu.vector_store %arg10[%swap3A_247, %swap3A_248], %swap3A_251 {strides = array<i32>} : memref<80x128xf32, #tpu.memory_space<vmem>>, vector<1x16xf32>,
        %get3A_252 = arith.index_cast %add3A_241 : i32 to index
        %get3A_253 = arith.constant 16 : index
        %get3A_254 = tpu.vector_load %arg10[%get3A_252, %get3A_253] {strides = array<i32>} : memref<80x128xf32, #tpu.memory_space<vmem>>, vector<1x16xf32>,
        %get3A_255 = vector.shape_cast %get3A_254 : vector<1x16xf32> to vector<16xf32>
        %mul3A_256 = arith.mulf %get3A_255, %gather3A_237 : vector<16xf32>
        %swap3A_257 = arith.index_cast %add3A_241 : i32 to index
        %swap3A_258 = arith.constant 16 : index
        %swap3A_259 = tpu.vector_load %arg10[%swap3A_257, %swap3A_258] {strides = array<i32>} : memref<80x128xf32, #tpu.memory_space<vmem>>, vector<1x16xf32>,
        %swap3A_260 = vector.shape_cast %swap3A_259 : vector<1x16xf32> to vector<16xf32>
        %swap3A_261 = vector.shape_cast %mul3A_256 : vector<16xf32> to vector<1x16xf32>
        tpu.vector_store %arg10[%swap3A_257, %swap3A_258], %swap3A_261 {strides = array<i32>} : memref<80x128xf32, #tpu.memory_space<vmem>>, vector<1x16xf32>,
        %get3A_262 = arith.index_cast %add3A_241 : i32 to index
        %get3A_263 = arith.constant 32 : index
        %get3A_264 = tpu.vector_load %arg10[%get3A_262, %get3A_263] {strides = array<i32>} : memref<80x128xf32, #tpu.memory_space<vmem>>, vector<1x16xf32>,
        %get3A_265 = vector.shape_cast %get3A_264 : vector<1x16xf32> to vector<16xf32>
        %mul3A_266 = arith.mulf %get3A_265, %gather3A_237 : vector<16xf32>
        %swap3A_267 = arith.index_cast %add3A_241 : i32 to index
        %swap3A_268 = arith.constant 32 : index
        %swap3A_269 = tpu.vector_load %arg10[%swap3A_267, %swap3A_268] {strides = array<i32>} : memref<80x128xf32, #tpu.memory_space<vmem>>, vector<1x16xf32>,
        %swap3A_270 = vector.shape_cast %swap3A_269 : vector<1x16xf32> to vector<16xf32>
        %swap3A_271 = vector.shape_cast %mul3A_266 : vector<16xf32> to vector<1x16xf32>
        tpu.vector_store %arg10[%swap3A_267, %swap3A_268], %swap3A_271 {strides = array<i32>} : memref<80x128xf32, #tpu.memory_space<vmem>>, vector<1x16xf32>,
        %get3A_272 = arith.index_cast %add3A_241 : i32 to index
        %get3A_273 = arith.constant 48 : index
        %get3A_274 = tpu.vector_load %arg10[%get3A_272, %get3A_273] {strides = array<i32>} : memref<80x128xf32, #tpu.memory_space<vmem>>, vector<1x16xf32>,
        %get3A_275 = vector.shape_cast %get3A_274 : vector<1x16xf32> to vector<16xf32>
        %mul3A_276 = arith.mulf %get3A_275, %gather3A_237 : vector<16xf32>
        %swap3A_277 = arith.index_cast %add3A_241 : i32 to index
        %swap3A_278 = arith.constant 48 : index
        %swap3A_279 = tpu.vector_load %arg10[%swap3A_277, %swap3A_278] {strides = array<i32>} : memref<80x128xf32, #tpu.memory_space<vmem>>, vector<1x16xf32>,
        %swap3A_280 = vector.shape_cast %swap3A_279 : vector<1x16xf32> to vector<16xf32>
        %swap3A_281 = vector.shape_cast %mul3A_276 : vector<16xf32> to vector<1x16xf32>
        tpu.vector_store %arg10[%swap3A_277, %swap3A_278], %swap3A_281 {strides = array<i32>} : memref<80x128xf32, #tpu.memory_space<vmem>>, vector<1x16xf32>,
        %get3A_282 = arith.index_cast %add3A_241 : i32 to index
        %get3A_283 = arith.constant 64 : index
        %get3A_284 = tpu.vector_load %arg10[%get3A_282, %get3A_283] {strides = array<i32>} : memref<80x128xf32, #tpu.memory_space<vmem>>, vector<1x16xf32>,
        %get3A_285 = vector.shape_cast %get3A_284 : vector<1x16xf32> to vector<16xf32>
        %mul3A_286 = arith.mulf %get3A_285, %gather3A_237 : vector<16xf32>
        %swap3A_287 = arith.index_cast %add3A_241 : i32 to index
        %swap3A_288 = arith.constant 64 : index
        %swap3A_289 = tpu.vector_load %arg10[%swap3A_287, %swap3A_288] {strides = array<i32>} : memref<80x128xf32, #tpu.memory_space<vmem>>, vector<1x16xf32>,
        %swap3A_290 = vector.shape_cast %swap3A_289 : vector<1x16xf32> to vector<16xf32>
        %swap3A_291 = vector.shape_cast %mul3A_286 : vector<16xf32> to vector<1x16xf32>
        tpu.vector_store %arg10[%swap3A_287, %swap3A_288], %swap3A_291 {strides = array<i32>} : memref<80x128xf32, #tpu.memory_space<vmem>>, vector<1x16xf32>,
        %get3A_292 = arith.index_cast %add3A_241 : i32 to index
        %get3A_293 = arith.constant 80 : index
        %get3A_294 = tpu.vector_load %arg10[%get3A_292, %get3A_293] {strides = array<i32>} : memref<80x128xf32, #tpu.memory_space<vmem>>, vector<1x16xf32>,
        %get3A_295 = vector.shape_cast %get3A_294 : vector<1x16xf32> to vector<16xf32>
        %mul3A_296 = arith.mulf %get3A_295, %gather3A_237 : vector<16xf32>
        %swap3A_297 = arith.index_cast %add3A_241 : i32 to index
        %swap3A_298 = arith.constant 80 : index
        %swap3A_299 = tpu.vector_load %arg10[%swap3A_297, %swap3A_298] {strides = array<i32>} : memref<80x128xf32, #tpu.memory_space<vmem>>, vector<1x16xf32>,
        %swap3A_300 = vector.shape_cast %swap3A_299 : vector<1x16xf32> to vector<16xf32>
        %swap3A_301 = vector.shape_cast %mul3A_296 : vector<16xf32> to vector<1x16xf32>
        tpu.vector_store %arg10[%swap3A_297, %swap3A_298], %swap3A_301 {strides = array<i32>} : memref<80x128xf32, #tpu.memory_space<vmem>>, vector<1x16xf32>,
        %get3A_302 = arith.index_cast %add3A_241 : i32 to index
        %get3A_303 = arith.constant 96 : index
        %get3A_304 = tpu.vector_load %arg10[%get3A_302, %get3A_303] {strides = array<i32>} : memref<80x128xf32, #tpu.memory_space<vmem>>, vector<1x16xf32>,
        %get3A_305 = vector.shape_cast %get3A_304 : vector<1x16xf32> to vector<16xf32>
        %mul3A_306 = arith.mulf %get3A_305, %gather3A_237 : vector<16xf32>
        %swap3A_307 = arith.index_cast %add3A_241 : i32 to index
        %swap3A_308 = arith.constant 96 : index
        %swap3A_309 = tpu.vector_load %arg10[%swap3A_307, %swap3A_308] {strides = array<i32>} : memref<80x128xf32, #tpu.memory_space<vmem>>, vector<1x16xf32>,
        %swap3A_310 = vector.shape_cast %swap3A_309 : vector<1x16xf32> to vector<16xf32>
        %swap3A_311 = vector.shape_cast %mul3A_306 : vector<16xf32> to vector<1x16xf32>
        tpu.vector_store %arg10[%swap3A_307, %swap3A_308], %swap3A_311 {strides = array<i32>} : memref<80x128xf32, #tpu.memory_space<vmem>>, vector<1x16xf32>,
        %get3A_312 = arith.index_cast %add3A_241 : i32 to index
        %get3A_313 = arith.constant 112 : index
        %get3A_314 = tpu.vector_load %arg10[%get3A_312, %get3A_313] {strides = array<i32>} : memref<80x128xf32, #tpu.memory_space<vmem>>, vector<1x16xf32>,
        %get3A_315 = vector.shape_cast %get3A_314 : vector<1x16xf32> to vector<16xf32>
        %mul3A_316 = arith.mulf %get3A_315, %gather3A_237 : vector<16xf32>
        %swap3A_317 = arith.index_cast %add3A_241 : i32 to index
        %swap3A_318 = arith.constant 112 : index
        %swap3A_319 = tpu.vector_load %arg10[%swap3A_317, %swap3A_318] {strides = array<i32>} : memref<80x128xf32, #tpu.memory_space<vmem>>, vector<1x16xf32>,
        %swap3A_320 = vector.shape_cast %swap3A_319 : vector<1x16xf32> to vector<16xf32>
        %swap3A_321 = vector.shape_cast %mul3A_316 : vector<16xf32> to vector<1x16xf32>
        tpu.vector_store %arg10[%swap3A_317, %swap3A_318], %swap3A_321 {strides = array<i32>} : memref<80x128xf32, #tpu.memory_space<vmem>>, vector<1x16xf32>,
        %broadcast_in_dim3A_322 = arith.constant 3 : i32
        %broadcast_in_dim3A_323 = vector.broadcast %broadcast_in_dim3A_322 : i32 to vector<16x1xi32>
        %gather3A_324 = vector.shape_cast %broadcast_in_dim3A_323 : vector<16x1xi32> to vector<16xi32>
        %gather3A_325 = tpu.dynamic_gather %get3A_59[%gather3A_324] in [0] : vector<16xf32>, vector<16xi32> -> vector<16xf32>
        %mul3A_326 = arith.constant 16 : i32
        %mul3A_327 = arith.muli %scan3A_55, %mul3A_326 : i32
        %add3A_328 = arith.constant 3 : i32
        %add3A_329 = arith.addi %mul3A_327, %add3A_328 : i32
        %get3A_330 = arith.index_cast %add3A_329 : i32 to index
        %get3A_331 = arith.constant 0 : index
        %get3A_332 = tpu.vector_load %arg10[%get3A_330, %get3A_331] {strides = array<i32>} : memref<80x128xf32, #tpu.memory_space<vmem>>, vector<1x16xf32>,
        %get3A_333 = vector.shape_cast %get3A_332 : vector<1x16xf32> to vector<16xf32>
        %mul3A_334 = arith.mulf %get3A_333, %gather3A_325 : vector<16xf32>
        %swap3A_335 = arith.index_cast %add3A_329 : i32 to index
        %swap3A_336 = arith.constant 0 : index
        %swap3A_337 = tpu.vector_load %arg10[%swap3A_335, %swap3A_336] {strides = array<i32>} : memref<80x128xf32, #tpu.memory_space<vmem>>, vector<1x16xf32>,
        %swap3A_338 = vector.shape_cast %swap3A_337 : vector<1x16xf32> to vector<16xf32>
        %swap3A_339 = vector.shape_cast %mul3A_334 : vector<16xf32> to vector<1x16xf32>
        tpu.vector_store %arg10[%swap3A_335, %swap3A_336], %swap3A_339 {strides = array<i32>} : memref<80x128xf32, #tpu.memory_space<vmem>>, vector<1x16xf32>,
        %get3A_340 = arith.index_cast %add3A_329 : i32 to index
        %get3A_341 = arith.constant 16 : index
        %get3A_342 = tpu.vector_load %arg10[%get3A_340, %get3A_341] {strides = array<i32>} : memref<80x128xf32, #tpu.memory_space<vmem>>, vector<1x16xf32>,
        %get3A_343 = vector.shape_cast %get3A_342 : vector<1x16xf32> to vector<16xf32>
        %mul3A_344 = arith.mulf %get3A_343, %gather3A_325 : vector<16xf32>
        %swap3A_345 = arith.index_cast %add3A_329 : i32 to index
        %swap3A_346 = arith.constant 16 : index
        %swap3A_347 = tpu.vector_load %arg10[%swap3A_345, %swap3A_346] {strides = array<i32>} : memref<80x128xf32, #tpu.memory_space<vmem>>, vector<1x16xf32>,
        %swap3A_348 = vector.shape_cast %swap3A_347 : vector<1x16xf32> to vector<16xf32>
        %swap3A_349 = vector.shape_cast %mul3A_344 : vector<16xf32> to vector<1x16xf32>
        tpu.vector_store %arg10[%swap3A_345, %swap3A_346], %swap3A_349 {strides = array<i32>} : memref<80x128xf32, #tpu.memory_space<vmem>>, vector<1x16xf32>,
        %get3A_350 = arith.index_cast %add3A_329 : i32 to index
        %get3A_351 = arith.constant 32 : index
        %get3A_352 = tpu.vector_load %arg10[%get3A_350, %get3A_351] {strides = array<i32>} : memref<80x128xf32, #tpu.memory_space<vmem>>, vector<1x16xf32>,
        %get3A_353 = vector.shape_cast %get3A_352 : vector<1x16xf32> to vector<16xf32>
        %mul3A_354 = arith.mulf %get3A_353, %gather3A_325 : vector<16xf32>
        %swap3A_355 = arith.index_cast %add3A_329 : i32 to index
        %swap3A_356 = arith.constant 32 : index
        %swap3A_357 = tpu.vector_load %arg10[%swap3A_355, %swap3A_356] {strides = array<i32>} : memref<80x128xf32, #tpu.memory_space<vmem>>, vector<1x16xf32>,
        %swap3A_358 = vector.shape_cast %swap3A_357 : vector<1x16xf32> to vector<16xf32>
        %swap3A_359 = vector.shape_cast %mul3A_354 : vector<16xf32> to vector<1x16xf32>
        tpu.vector_store %arg10[%swap3A_355, %swap3A_356], %swap3A_359 {strides = array<i32>} : memref<80x128xf32, #tpu.memory_space<vmem>>, vector<1x16xf32>,
        %get3A_360 = arith.index_cast %add3A_329 : i32 to index
        %get3A_361 = arith.constant 48 : index
        %get3A_362 = tpu.vector_load %arg10[%get3A_360, %get3A_361] {strides = array<i32>} : memref<80x128xf32, #tpu.memory_space<vmem>>, vector<1x16xf32>,
        %get3A_363 = vector.shape_cast %get3A_362 : vector<1x16xf32> to vector<16xf32>
        %mul3A_364 = arith.mulf %get3A_363, %gather3A_325 : vector<16xf32>
        %swap3A_365 = arith.index_cast %add3A_329 : i32 to index
        %swap3A_366 = arith.constant 48 : index
        %swap3A_367 = tpu.vector_load %arg10[%swap3A_365, %swap3A_366] {strides = array<i32>} : memref<80x128xf32, #tpu.memory_space<vmem>>, vector<1x16xf32>,
        %swap3A_368 = vector.shape_cast %swap3A_367 : vector<1x16xf32> to vector<16xf32>
        %swap3A_369 = vector.shape_cast %mul3A_364 : vector<16xf32> to vector<1x16xf32>
        tpu.vector_store %arg10[%swap3A_365, %swap3A_366], %swap3A_369 {strides = array<i32>} : memref<80x128xf32, #tpu.memory_space<vmem>>, vector<1x16xf32>,
        %get3A_370 = arith.index_cast %add3A_329 : i32 to index
        %get3A_371 = arith.constant 64 : index
        %get3A_372 = tpu.vector_load %arg10[%get3A_370, %get3A_371] {strides = array<i32>} : memref<80x128xf32, #tpu.memory_space<vmem>>, vector<1x16xf32>,
        %get3A_373 = vector.shape_cast %get3A_372 : vector<1x16xf32> to vector<16xf32>
        %mul3A_374 = arith.mulf %get3A_373, %gather3A_325 : vector<16xf32>
        %swap3A_375 = arith.index_cast %add3A_329 : i32 to index
        %swap3A_376 = arith.constant 64 : index
        %swap3A_377 = tpu.vector_load %arg10[%swap3A_375, %swap3A_376] {strides = array<i32>} : memref<80x128xf32, #tpu.memory_space<vmem>>, vector<1x16xf32>,
        %swap3A_378 = vector.shape_cast %swap3A_377 : vector<1x16xf32> to vector<16xf32>
        %swap3A_379 = vector.shape_cast %mul3A_374 : vector<16xf32> to vector<1x16xf32>
        tpu.vector_store %arg10[%swap3A_375, %swap3A_376], %swap3A_379 {strides = array<i32>} : memref<80x128xf32, #tpu.memory_space<vmem>>, vector<1x16xf32>,
        %get3A_380 = arith.index_cast %add3A_329 : i32 to index
        %get3A_381 = arith.constant 80 : index
        %get3A_382 = tpu.vector_load %arg10[%get3A_380, %get3A_381] {strides = array<i32>} : memref<80x128xf32, #tpu.memory_space<vmem>>, vector<1x16xf32>,
        %get3A_383 = vector.shape_cast %get3A_382 : vector<1x16xf32> to vector<16xf32>
        %mul3A_384 = arith.mulf %get3A_383, %gather3A_325 : vector<16xf32>
        %swap3A_385 = arith.index_cast %add3A_329 : i32 to index
        %swap3A_386 = arith.constant 80 : index
        %swap3A_387 = tpu.vector_load %arg10[%swap3A_385, %swap3A_386] {strides = array<i32>} : memref<80x128xf32, #tpu.memory_space<vmem>>, vector<1x16xf32>,
        %swap3A_388 = vector.shape_cast %swap3A_387 : vector<1x16xf32> to vector<16xf32>
        %swap3A_389 = vector.shape_cast %mul3A_384 : vector<16xf32> to vector<1x16xf32>
        tpu.vector_store %arg10[%swap3A_385, %swap3A_386], %swap3A_389 {strides = array<i32>} : memref<80x128xf32, #tpu.memory_space<vmem>>, vector<1x16xf32>,
        %get3A_390 = arith.index_cast %add3A_329 : i32 to index
        %get3A_391 = arith.constant 96 : index
        %get3A_392 = tpu.vector_load %arg10[%get3A_390, %get3A_391] {strides = array<i32>} : memref<80x128xf32, #tpu.memory_space<vmem>>, vector<1x16xf32>,
        %get3A_393 = vector.shape_cast %get3A_392 : vector<1x16xf32> to vector<16xf32>
        %mul3A_394 = arith.mulf %get3A_393, %gather3A_325 : vector<16xf32>
        %swap3A_395 = arith.index_cast %add3A_329 : i32 to index
        %swap3A_396 = arith.constant 96 : index
        %swap3A_397 = tpu.vector_load %arg10[%swap3A_395, %swap3A_396] {strides = array<i32>} : memref<80x128xf32, #tpu.memory_space<vmem>>, vector<1x16xf32>,
        %swap3A_398 = vector.shape_cast %swap3A_397 : vector<1x16xf32> to vector<16xf32>
        %swap3A_399 = vector.shape_cast %mul3A_394 : vector<16xf32> to vector<1x16xf32>
        tpu.vector_store %arg10[%swap3A_395, %swap3A_396], %swap3A_399 {strides = array<i32>} : memref<80x128xf32, #tpu.memory_space<vmem>>, vector<1x16xf32>,
        %get3A_400 = arith.index_cast %add3A_329 : i32 to index
        %get3A_401 = arith.constant 112 : index
        %get3A_402 = tpu.vector_load %arg10[%get3A_400, %get3A_401] {strides = array<i32>} : memref<80x128xf32, #tpu.memory_space<vmem>>, vector<1x16xf32>,
        %get3A_403 = vector.shape_cast %get3A_402 : vector<1x16xf32> to vector<16xf32>
        %mul3A_404 = arith.mulf %get3A_403, %gather3A_325 : vector<16xf32>
        %swap3A_405 = arith.index_cast %add3A_329 : i32 to index
        %swap3A_406 = arith.constant 112 : index
        %swap3A_407 = tpu.vector_load %arg10[%swap3A_405, %swap3A_406] {strides = array<i32>} : memref<80x128xf32, #tpu.memory_space<vmem>>, vector<1x16xf32>,
        %swap3A_408 = vector.shape_cast %swap3A_407 : vector<1x16xf32> to vector<16xf32>
        %swap3A_409 = vector.shape_cast %mul3A_404 : vector<16xf32> to vector<1x16xf32>
        tpu.vector_store %arg10[%swap3A_405, %swap3A_406], %swap3A_409 {strides = array<i32>} : memref<80x128xf32, #tpu.memory_space<vmem>>, vector<1x16xf32>,
        %broadcast_in_dim3A_410 = arith.constant 4 : i32
        %broadcast_in_dim3A_411 = vector.broadcast %broadcast_in_dim3A_410 : i32 to vector<16x1xi32>
        %gather3A_412 = vector.shape_cast %broadcast_in_dim3A_411 : vector<16x1xi32> to vector<16xi32>
        %gather3A_413 = tpu.dynamic_gather %get3A_59[%gather3A_412] in [0] : vector<16xf32>, vector<16xi32> -> vector<16xf32>
        %mul3A_414 = arith.constant 16 : i32
        %mul3A_415 = arith.muli %scan3A_55, %mul3A_414 : i32
        %add3A_416 = arith.constant 4 : i32
        %add3A_417 = arith.addi %mul3A_415, %add3A_416 : i32
        %get3A_418 = arith.index_cast %add3A_417 : i32 to index
        %get3A_419 = arith.constant 0 : index
        %get3A_420 = tpu.vector_load %arg10[%get3A_418, %get3A_419] {strides = array<i32>} : memref<80x128xf32, #tpu.memory_space<vmem>>, vector<1x16xf32>,
        %get3A_421 = vector.shape_cast %get3A_420 : vector<1x16xf32> to vector<16xf32>
        %mul3A_422 = arith.mulf %get3A_421, %gather3A_413 : vector<16xf32>
        %swap3A_423 = arith.index_cast %add3A_417 : i32 to index
        %swap3A_424 = arith.constant 0 : index
        %swap3A_425 = tpu.vector_load %arg10[%swap3A_423, %swap3A_424] {strides = array<i32>} : memref<80x128xf32, #tpu.memory_space<vmem>>, vector<1x16xf32>,
        %swap3A_426 = vector.shape_cast %swap3A_425 : vector<1x16xf32> to vector<16xf32>
        %swap3A_427 = vector.shape_cast %mul3A_422 : vector<16xf32> to vector<1x16xf32>
        tpu.vector_store %arg10[%swap3A_423, %swap3A_424], %swap3A_427 {strides = array<i32>} : memref<80x128xf32, #tpu.memory_space<vmem>>, vector<1x16xf32>,
        %get3A_428 = arith.index_cast %add3A_417 : i32 to index
        %get3A_429 = arith.constant 16 : index
        %get3A_430 = tpu.vector_load %arg10[%get3A_428, %get3A_429] {strides = array<i32>} : memref<80x128xf32, #tpu.memory_space<vmem>>, vector<1x16xf32>,
        %get3A_431 = vector.shape_cast %get3A_430 : vector<1x16xf32> to vector<16xf32>
        %mul3A_432 = arith.mulf %get3A_431, %gather3A_413 : vector<16xf32>
        %swap3A_433 = arith.index_cast %add3A_417 : i32 to index
        %swap3A_434 = arith.constant 16 : index
        %swap3A_435 = tpu.vector_load %arg10[%swap3A_433, %swap3A_434] {strides = array<i32>} : memref<80x128xf32, #tpu.memory_space<vmem>>, vector<1x16xf32>,
        %swap3A_436 = vector.shape_cast %swap3A_435 : vector<1x16xf32> to vector<16xf32>
        %swap3A_437 = vector.shape_cast %mul3A_432 : vector<16xf32> to vector<1x16xf32>
        tpu.vector_store %arg10[%swap3A_433, %swap3A_434], %swap3A_437 {strides = array<i32>} : memref<80x128xf32, #tpu.memory_space<vmem>>, vector<1x16xf32>,
        %get3A_438 = arith.index_cast %add3A_417 : i32 to index
        %get3A_439 = arith.constant 32 : index
        %get3A_440 = tpu.vector_load %arg10[%get3A_438, %get3A_439] {strides = array<i32>} : memref<80x128xf32, #tpu.memory_space<vmem>>, vector<1x16xf32>,
        %get3A_441 = vector.shape_cast %get3A_440 : vector<1x16xf32> to vector<16xf32>
        %mul3A_442 = arith.mulf %get3A_441, %gather3A_413 : vector<16xf32>
        %swap3A_443 = arith.index_cast %add3A_417 : i32 to index
        %swap3A_444 = arith.constant 32 : index
        %swap3A_445 = tpu.vector_load %arg10[%swap3A_443, %swap3A_444] {strides = array<i32>} : memref<80x128xf32, #tpu.memory_space<vmem>>, vector<1x16xf32>,
        %swap3A_446 = vector.shape_cast %swap3A_445 : vector<1x16xf32> to vector<16xf32>
        %swap3A_447 = vector.shape_cast %mul3A_442 : vector<16xf32> to vector<1x16xf32>
        tpu.vector_store %arg10[%swap3A_443, %swap3A_444], %swap3A_447 {strides = array<i32>} : memref<80x128xf32, #tpu.memory_space<vmem>>, vector<1x16xf32>,
        %get3A_448 = arith.index_cast %add3A_417 : i32 to index
        %get3A_449 = arith.constant 48 : index
        %get3A_450 = tpu.vector_load %arg10[%get3A_448, %get3A_449] {strides = array<i32>} : memref<80x128xf32, #tpu.memory_space<vmem>>, vector<1x16xf32>,
        %get3A_451 = vector.shape_cast %get3A_450 : vector<1x16xf32> to vector<16xf32>
        %mul3A_452 = arith.mulf %get3A_451, %gather3A_413 : vector<16xf32>
        %swap3A_453 = arith.index_cast %add3A_417 : i32 to index
        %swap3A_454 = arith.constant 48 : index
        %swap3A_455 = tpu.vector_load %arg10[%swap3A_453, %swap3A_454] {strides = array<i32>} : memref<80x128xf32, #tpu.memory_space<vmem>>, vector<1x16xf32>,
        %swap3A_456 = vector.shape_cast %swap3A_455 : vector<1x16xf32> to vector<16xf32>
        %swap3A_457 = vector.shape_cast %mul3A_452 : vector<16xf32> to vector<1x16xf32>
        tpu.vector_store %arg10[%swap3A_453, %swap3A_454], %swap3A_457 {strides = array<i32>} : memref<80x128xf32, #tpu.memory_space<vmem>>, vector<1x16xf32>,
        %get3A_458 = arith.index_cast %add3A_417 : i32 to index
        %get3A_459 = arith.constant 64 : index
        %get3A_460 = tpu.vector_load %arg10[%get3A_458, %get3A_459] {strides = array<i32>} : memref<80x128xf32, #tpu.memory_space<vmem>>, vector<1x16xf32>,
        %get3A_461 = vector.shape_cast %get3A_460 : vector<1x16xf32> to vector<16xf32>
        %mul3A_462 = arith.mulf %get3A_461, %gather3A_413 : vector<16xf32>
        %swap3A_463 = arith.index_cast %add3A_417 : i32 to index
        %swap3A_464 = arith.constant 64 : index
        %swap3A_465 = tpu.vector_load %arg10[%swap3A_463, %swap3A_464] {strides = array<i32>} : memref<80x128xf32, #tpu.memory_space<vmem>>, vector<1x16xf32>,
        %swap3A_466 = vector.shape_cast %swap3A_465 : vector<1x16xf32> to vector<16xf32>
        %swap3A_467 = vector.shape_cast %mul3A_462 : vector<16xf32> to vector<1x16xf32>
        tpu.vector_store %arg10[%swap3A_463, %swap3A_464], %swap3A_467 {strides = array<i32>} : memref<80x128xf32, #tpu.memory_space<vmem>>, vector<1x16xf32>,
        %get3A_468 = arith.index_cast %add3A_417 : i32 to index
        %get3A_469 = arith.constant 80 : index
        %get3A_470 = tpu.vector_load %arg10[%get3A_468, %get3A_469] {strides = array<i32>} : memref<80x128xf32, #tpu.memory_space<vmem>>, vector<1x16xf32>,
        %get3A_471 = vector.shape_cast %get3A_470 : vector<1x16xf32> to vector<16xf32>
        %mul3A_472 = arith.mulf %get3A_471, %gather3A_413 : vector<16xf32>
        %swap3A_473 = arith.index_cast %add3A_417 : i32 to index
        %swap3A_474 = arith.constant 80 : index
        %swap3A_475 = tpu.vector_load %arg10[%swap3A_473, %swap3A_474] {strides = array<i32>} : memref<80x128xf32, #tpu.memory_space<vmem>>, vector<1x16xf32>,
        %swap3A_476 = vector.shape_cast %swap3A_475 : vector<1x16xf32> to vector<16xf32>
        %swap3A_477 = vector.shape_cast %mul3A_472 : vector<16xf32> to vector<1x16xf32>
        tpu.vector_store %arg10[%swap3A_473, %swap3A_474], %swap3A_477 {strides = array<i32>} : memref<80x128xf32, #tpu.memory_space<vmem>>, vector<1x16xf32>,
        %get3A_478 = arith.index_cast %add3A_417 : i32 to index
        %get3A_479 = arith.constant 96 : index
        %get3A_480 = tpu.vector_load %arg10[%get3A_478, %get3A_479] {strides = array<i32>} : memref<80x128xf32, #tpu.memory_space<vmem>>, vector<1x16xf32>,
        %get3A_481 = vector.shape_cast %get3A_480 : vector<1x16xf32> to vector<16xf32>
        %mul3A_482 = arith.mulf %get3A_481, %gather3A_413 : vector<16xf32>
        %swap3A_483 = arith.index_cast %add3A_417 : i32 to index
        %swap3A_484 = arith.constant 96 : index
        %swap3A_485 = tpu.vector_load %arg10[%swap3A_483, %swap3A_484] {strides = array<i32>} : memref<80x128xf32, #tpu.memory_space<vmem>>, vector<1x16xf32>,
        %swap3A_486 = vector.shape_cast %swap3A_485 : vector<1x16xf32> to vector<16xf32>
        %swap3A_487 = vector.shape_cast %mul3A_482 : vector<16xf32> to vector<1x16xf32>
        tpu.vector_store %arg10[%swap3A_483, %swap3A_484], %swap3A_487 {strides = array<i32>} : memref<80x128xf32, #tpu.memory_space<vmem>>, vector<1x16xf32>,
        %get3A_488 = arith.index_cast %add3A_417 : i32 to index
        %get3A_489 = arith.constant 112 : index
        %get3A_490 = tpu.vector_load %arg10[%get3A_488, %get3A_489] {strides = array<i32>} : memref<80x128xf32, #tpu.memory_space<vmem>>, vector<1x16xf32>,
        %get3A_491 = vector.shape_cast %get3A_490 : vector<1x16xf32> to vector<16xf32>
        %mul3A_492 = arith.mulf %get3A_491, %gather3A_413 : vector<16xf32>
        %swap3A_493 = arith.index_cast %add3A_417 : i32 to index
        %swap3A_494 = arith.constant 112 : index
        %swap3A_495 = tpu.vector_load %arg10[%swap3A_493, %swap3A_494] {strides = array<i32>} : memref<80x128xf32, #tpu.memory_space<vmem>>, vector<1x16xf32>,
        %swap3A_496 = vector.shape_cast %swap3A_495 : vector<1x16xf32> to vector<16xf32>
        %swap3A_497 = vector.shape_cast %mul3A_492 : vector<16xf32> to vector<1x16xf32>
        tpu.vector_store %arg10[%swap3A_493, %swap3A_494], %swap3A_497 {strides = array<i32>} : memref<80x128xf32, #tpu.memory_space<vmem>>, vector<1x16xf32>,
        %broadcast_in_dim3A_498 = arith.constant 5 : i32
        %broadcast_in_dim3A_499 = vector.broadcast %broadcast_in_dim3A_498 : i32 to vector<16x1xi32>
        %gather3A_500 = vector.shape_cast %broadcast_in_dim3A_499 : vector<16x1xi32> to vector<16xi32>
        %gather3A_501 = tpu.dynamic_gather %get3A_59[%gather3A_500] in [0] : vector<16xf32>, vector<16xi32> -> vector<16xf32>
        %mul3A_502 = arith.constant 16 : i32
        %mul3A_503 = arith.muli %scan3A_55, %mul3A_502 : i32
        %add3A_504 = arith.constant 5 : i32
        %add3A_505 = arith.addi %mul3A_503, %add3A_504 : i32
        %get3A_506 = arith.index_cast %add3A_505 : i32 to index
        %get3A_507 = arith.constant 0 : index
        %get3A_508 = tpu.vector_load %arg10[%get3A_506, %get3A_507] {strides = array<i32>} : memref<80x128xf32, #tpu.memory_space<vmem>>, vector<1x16xf32>,
        %get3A_509 = vector.shape_cast %get3A_508 : vector<1x16xf32> to vector<16xf32>
        %mul3A_510 = arith.mulf %get3A_509, %gather3A_501 : vector<16xf32>
        %swap3A_511 = arith.index_cast %add3A_505 : i32 to index
        %swap3A_512 = arith.constant 0 : index
        %swap3A_513 = tpu.vector_load %arg10[%swap3A_511, %swap3A_512] {strides = array<i32>} : memref<80x128xf32, #tpu.memory_space<vmem>>, vector<1x16xf32>,
        %swap3A_514 = vector.shape_cast %swap3A_513 : vector<1x16xf32> to vector<16xf32>
        %swap3A_515 = vector.shape_cast %mul3A_510 : vector<16xf32> to vector<1x16xf32>
        tpu.vector_store %arg10[%swap3A_511, %swap3A_512], %swap3A_515 {strides = array<i32>} : memref<80x128xf32, #tpu.memory_space<vmem>>, vector<1x16xf32>,
        %get3A_516 = arith.index_cast %add3A_505 : i32 to index
        %get3A_517 = arith.constant 16 : index
        %get3A_518 = tpu.vector_load %arg10[%get3A_516, %get3A_517] {strides = array<i32>} : memref<80x128xf32, #tpu.memory_space<vmem>>, vector<1x16xf32>,
        %get3A_519 = vector.shape_cast %get3A_518 : vector<1x16xf32> to vector<16xf32>
        %mul3A_520 = arith.mulf %get3A_519, %gather3A_501 : vector<16xf32>
        %swap3A_521 = arith.index_cast %add3A_505 : i32 to index
        %swap3A_522 = arith.constant 16 : index
        %swap3A_523 = tpu.vector_load %arg10[%swap3A_521, %swap3A_522] {strides = array<i32>} : memref<80x128xf32, #tpu.memory_space<vmem>>, vector<1x16xf32>,
        %swap3A_524 = vector.shape_cast %swap3A_523 : vector<1x16xf32> to vector<16xf32>
        %swap3A_525 = vector.shape_cast %mul3A_520 : vector<16xf32> to vector<1x16xf32>
        tpu.vector_store %arg10[%swap3A_521, %swap3A_522], %swap3A_525 {strides = array<i32>} : memref<80x128xf32, #tpu.memory_space<vmem>>, vector<1x16xf32>,
        %get3A_526 = arith.index_cast %add3A_505 : i32 to index
        %get3A_527 = arith.constant 32 : index
        %get3A_528 = tpu.vector_load %arg10[%get3A_526, %get3A_527] {strides = array<i32>} : memref<80x128xf32, #tpu.memory_space<vmem>>, vector<1x16xf32>,
        %get3A_529 = vector.shape_cast %get3A_528 : vector<1x16xf32> to vector<16xf32>
        %mul3A_530 = arith.mulf %get3A_529, %gather3A_501 : vector<16xf32>
        %swap3A_531 = arith.index_cast %add3A_505 : i32 to index
        %swap3A_532 = arith.constant 32 : index
        %swap3A_533 = tpu.vector_load %arg10[%swap3A_531, %swap3A_532] {strides = array<i32>} : memref<80x128xf32, #tpu.memory_space<vmem>>, vector<1x16xf32>,
        %swap3A_534 = vector.shape_cast %swap3A_533 : vector<1x16xf32> to vector<16xf32>
        %swap3A_535 = vector.shape_cast %mul3A_530 : vector<16xf32> to vector<1x16xf32>
        tpu.vector_store %arg10[%swap3A_531, %swap3A_532], %swap3A_535 {strides = array<i32>} : memref<80x128xf32, #tpu.memory_space<vmem>>, vector<1x16xf32>,
        %get3A_536 = arith.index_cast %add3A_505 : i32 to index
        %get3A_537 = arith.constant 48 : index
        %get3A_538 = tpu.vector_load %arg10[%get3A_536, %get3A_537] {strides = array<i32>} : memref<80x128xf32, #tpu.memory_space<vmem>>, vector<1x16xf32>,
        %get3A_539 = vector.shape_cast %get3A_538 : vector<1x16xf32> to vector<16xf32>
        %mul3A_540 = arith.mulf %get3A_539, %gather3A_501 : vector<16xf32>
        %swap3A_541 = arith.index_cast %add3A_505 : i32 to index
        %swap3A_542 = arith.constant 48 : index
        %swap3A_543 = tpu.vector_load %arg10[%swap3A_541, %swap3A_542] {strides = array<i32>} : memref<80x128xf32, #tpu.memory_space<vmem>>, vector<1x16xf32>,
        %swap3A_544 = vector.shape_cast %swap3A_543 : vector<1x16xf32> to vector<16xf32>
        %swap3A_545 = vector.shape_cast %mul3A_540 : vector<16xf32> to vector<1x16xf32>
        tpu.vector_store %arg10[%swap3A_541, %swap3A_542], %swap3A_545 {strides = array<i32>} : memref<80x128xf32, #tpu.memory_space<vmem>>, vector<1x16xf32>,
        %get3A_546 = arith.index_cast %add3A_505 : i32 to index
        %get3A_547 = arith.constant 64 : index
        %get3A_548 = tpu.vector_load %arg10[%get3A_546, %get3A_547] {strides = array<i32>} : memref<80x128xf32, #tpu.memory_space<vmem>>, vector<1x16xf32>,
        %get3A_549 = vector.shape_cast %get3A_548 : vector<1x16xf32> to vector<16xf32>
        %mul3A_550 = arith.mulf %get3A_549, %gather3A_501 : vector<16xf32>
        %swap3A_551 = arith.index_cast %add3A_505 : i32 to index
        %swap3A_552 = arith.constant 64 : index
        %swap3A_553 = tpu.vector_load %arg10[%swap3A_551, %swap3A_552] {strides = array<i32>} : memref<80x128xf32, #tpu.memory_space<vmem>>, vector<1x16xf32>,
        %swap3A_554 = vector.shape_cast %swap3A_553 : vector<1x16xf32> to vector<16xf32>
        %swap3A_555 = vector.shape_cast %mul3A_550 : vector<16xf32> to vector<1x16xf32>
        tpu.vector_store %arg10[%swap3A_551, %swap3A_552], %swap3A_555 {strides = array<i32>} : memref<80x128xf32, #tpu.memory_space<vmem>>, vector<1x16xf32>,
        %get3A_556 = arith.index_cast %add3A_505 : i32 to index
        %get3A_557 = arith.constant 80 : index
        %get3A_558 = tpu.vector_load %arg10[%get3A_556, %get3A_557] {strides = array<i32>} : memref<80x128xf32, #tpu.memory_space<vmem>>, vector<1x16xf32>,
        %get3A_559 = vector.shape_cast %get3A_558 : vector<1x16xf32> to vector<16xf32>
        %mul3A_560 = arith.mulf %get3A_559, %gather3A_501 : vector<16xf32>
        %swap3A_561 = arith.index_cast %add3A_505 : i32 to index
        %swap3A_562 = arith.constant 80 : index
        %swap3A_563 = tpu.vector_load %arg10[%swap3A_561, %swap3A_562] {strides = array<i32>} : memref<80x128xf32, #tpu.memory_space<vmem>>, vector<1x16xf32>,
        %swap3A_564 = vector.shape_cast %swap3A_563 : vector<1x16xf32> to vector<16xf32>
        %swap3A_565 = vector.shape_cast %mul3A_560 : vector<16xf32> to vector<1x16xf32>
        tpu.vector_store %arg10[%swap3A_561, %swap3A_562], %swap3A_565 {strides = array<i32>} : memref<80x128xf32, #tpu.memory_space<vmem>>, vector<1x16xf32>,
        %get3A_566 = arith.index_cast %add3A_505 : i32 to index
        %get3A_567 = arith.constant 96 : index
        %get3A_568 = tpu.vector_load %arg10[%get3A_566, %get3A_567] {strides = array<i32>} : memref<80x128xf32, #tpu.memory_space<vmem>>, vector<1x16xf32>,
        %get3A_569 = vector.shape_cast %get3A_568 : vector<1x16xf32> to vector<16xf32>
        %mul3A_570 = arith.mulf %get3A_569, %gather3A_501 : vector<16xf32>
        %swap3A_571 = arith.index_cast %add3A_505 : i32 to index
        %swap3A_572 = arith.constant 96 : index
        %swap3A_573 = tpu.vector_load %arg10[%swap3A_571, %swap3A_572] {strides = array<i32>} : memref<80x128xf32, #tpu.memory_space<vmem>>, vector<1x16xf32>,
        %swap3A_574 = vector.shape_cast %swap3A_573 : vector<1x16xf32> to vector<16xf32>
        %swap3A_575 = vector.shape_cast %mul3A_570 : vector<16xf32> to vector<1x16xf32>
        tpu.vector_store %arg10[%swap3A_571, %swap3A_572], %swap3A_575 {strides = array<i32>} : memref<80x128xf32, #tpu.memory_space<vmem>>, vector<1x16xf32>,
        %get3A_576 = arith.index_cast %add3A_505 : i32 to index
        %get3A_577 = arith.constant 112 : index
        %get3A_578 = tpu.vector_load %arg10[%get3A_576, %get3A_577] {strides = array<i32>} : memref<80x128xf32, #tpu.memory_space<vmem>>, vector<1x16xf32>,
        %get3A_579 = vector.shape_cast %get3A_578 : vector<1x16xf32> to vector<16xf32>
        %mul3A_580 = arith.mulf %get3A_579, %gather3A_501 : vector<16xf32>
        %swap3A_581 = arith.index_cast %add3A_505 : i32 to index
        %swap3A_582 = arith.constant 112 : index
        %swap3A_583 = tpu.vector_load %arg10[%swap3A_581, %swap3A_582] {strides = array<i32>} : memref<80x128xf32, #tpu.memory_space<vmem>>, vector<1x16xf32>,
        %swap3A_584 = vector.shape_cast %swap3A_583 : vector<1x16xf32> to vector<16xf32>
        %swap3A_585 = vector.shape_cast %mul3A_580 : vector<16xf32> to vector<1x16xf32>
        tpu.vector_store %arg10[%swap3A_581, %swap3A_582], %swap3A_585 {strides = array<i32>} : memref<80x128xf32, #tpu.memory_space<vmem>>, vector<1x16xf32>,
        %broadcast_in_dim3A_586 = arith.constant 6 : i32
        %broadcast_in_dim3A_587 = vector.broadcast %broadcast_in_dim3A_586 : i32 to vector<16x1xi32>
        %gather3A_588 = vector.shape_cast %broadcast_in_dim3A_587 : vector<16x1xi32> to vector<16xi32>
        %gather3A_589 = tpu.dynamic_gather %get3A_59[%gather3A_588] in [0] : vector<16xf32>, vector<16xi32> -> vector<16xf32>
        %mul3A_590 = arith.constant 16 : i32
        %mul3A_591 = arith.muli %scan3A_55, %mul3A_590 : i32
        %add3A_592 = arith.constant 6 : i32
        %add3A_593 = arith.addi %mul3A_591, %add3A_592 : i32
        %get3A_594 = arith.index_cast %add3A_593 : i32 to index
        %get3A_595 = arith.constant 0 : index
        %get3A_596 = tpu.vector_load %arg10[%get3A_594, %get3A_595] {strides = array<i32>} : memref<80x128xf32, #tpu.memory_space<vmem>>, vector<1x16xf32>,
        %get3A_597 = vector.shape_cast %get3A_596 : vector<1x16xf32> to vector<16xf32>
        %mul3A_598 = arith.mulf %get3A_597, %gather3A_589 : vector<16xf32>
        %swap3A_599 = arith.index_cast %add3A_593 : i32 to index
        %swap3A_600 = arith.constant 0 : index
        %swap3A_601 = tpu.vector_load %arg10[%swap3A_599, %swap3A_600] {strides = array<i32>} : memref<80x128xf32, #tpu.memory_space<vmem>>, vector<1x16xf32>,
        %swap3A_602 = vector.shape_cast %swap3A_601 : vector<1x16xf32> to vector<16xf32>
        %swap3A_603 = vector.shape_cast %mul3A_598 : vector<16xf32> to vector<1x16xf32>
        tpu.vector_store %arg10[%swap3A_599, %swap3A_600], %swap3A_603 {strides = array<i32>} : memref<80x128xf32, #tpu.memory_space<vmem>>, vector<1x16xf32>,
        %get3A_604 = arith.index_cast %add3A_593 : i32 to index
        %get3A_605 = arith.constant 16 : index
        %get3A_606 = tpu.vector_load %arg10[%get3A_604, %get3A_605] {strides = array<i32>} : memref<80x128xf32, #tpu.memory_space<vmem>>, vector<1x16xf32>,
        %get3A_607 = vector.shape_cast %get3A_606 : vector<1x16xf32> to vector<16xf32>
        %mul3A_608 = arith.mulf %get3A_607, %gather3A_589 : vector<16xf32>
        %swap3A_609 = arith.index_cast %add3A_593 : i32 to index
        %swap3A_610 = arith.constant 16 : index
        %swap3A_611 = tpu.vector_load %arg10[%swap3A_609, %swap3A_610] {strides = array<i32>} : memref<80x128xf32, #tpu.memory_space<vmem>>, vector<1x16xf32>,
        %swap3A_612 = vector.shape_cast %swap3A_611 : vector<1x16xf32> to vector<16xf32>
        %swap3A_613 = vector.shape_cast %mul3A_608 : vector<16xf32> to vector<1x16xf32>
        tpu.vector_store %arg10[%swap3A_609, %swap3A_610], %swap3A_613 {strides = array<i32>} : memref<80x128xf32, #tpu.memory_space<vmem>>, vector<1x16xf32>,
        %get3A_614 = arith.index_cast %add3A_593 : i32 to index
        %get3A_615 = arith.constant 32 : index
        %get3A_616 = tpu.vector_load %arg10[%get3A_614, %get3A_615] {strides = array<i32>} : memref<80x128xf32, #tpu.memory_space<vmem>>, vector<1x16xf32>,
        %get3A_617 = vector.shape_cast %get3A_616 : vector<1x16xf32> to vector<16xf32>
        %mul3A_618 = arith.mulf %get3A_617, %gather3A_589 : vector<16xf32>
        %swap3A_619 = arith.index_cast %add3A_593 : i32 to index
        %swap3A_620 = arith.constant 32 : index
        %swap3A_621 = tpu.vector_load %arg10[%swap3A_619, %swap3A_620] {strides = array<i32>} : memref<80x128xf32, #tpu.memory_space<vmem>>, vector<1x16xf32>,
        %swap3A_622 = vector.shape_cast %swap3A_621 : vector<1x16xf32> to vector<16xf32>
        %swap3A_623 = vector.shape_cast %mul3A_618 : vector<16xf32> to vector<1x16xf32>
        tpu.vector_store %arg10[%swap3A_619, %swap3A_620], %swap3A_623 {strides = array<i32>} : memref<80x128xf32, #tpu.memory_space<vmem>>, vector<1x16xf32>,
        %get3A_624 = arith.index_cast %add3A_593 : i32 to index
        %get3A_625 = arith.constant 48 : index
        %get3A_626 = tpu.vector_load %arg10[%get3A_624, %get3A_625] {strides = array<i32>} : memref<80x128xf32, #tpu.memory_space<vmem>>, vector<1x16xf32>,
        %get3A_627 = vector.shape_cast %get3A_626 : vector<1x16xf32> to vector<16xf32>
        %mul3A_628 = arith.mulf %get3A_627, %gather3A_589 : vector<16xf32>
        %swap3A_629 = arith.index_cast %add3A_593 : i32 to index
        %swap3A_630 = arith.constant 48 : index
        %swap3A_631 = tpu.vector_load %arg10[%swap3A_629, %swap3A_630] {strides = array<i32>} : memref<80x128xf32, #tpu.memory_space<vmem>>, vector<1x16xf32>,
        %swap3A_632 = vector.shape_cast %swap3A_631 : vector<1x16xf32> to vector<16xf32>
        %swap3A_633 = vector.shape_cast %mul3A_628 : vector<16xf32> to vector<1x16xf32>
        tpu.vector_store %arg10[%swap3A_629, %swap3A_630], %swap3A_633 {strides = array<i32>} : memref<80x128xf32, #tpu.memory_space<vmem>>, vector<1x16xf32>,
        %get3A_634 = arith.index_cast %add3A_593 : i32 to index
        %get3A_635 = arith.constant 64 : index
        %get3A_636 = tpu.vector_load %arg10[%get3A_634, %get3A_635] {strides = array<i32>} : memref<80x128xf32, #tpu.memory_space<vmem>>, vector<1x16xf32>,
        %get3A_637 = vector.shape_cast %get3A_636 : vector<1x16xf32> to vector<16xf32>
        %mul3A_638 = arith.mulf %get3A_637, %gather3A_589 : vector<16xf32>
        %swap3A_639 = arith.index_cast %add3A_593 : i32 to index
        %swap3A_640 = arith.constant 64 : index
        %swap3A_641 = tpu.vector_load %arg10[%swap3A_639, %swap3A_640] {strides = array<i32>} : memref<80x128xf32, #tpu.memory_space<vmem>>, vector<1x16xf32>,
        %swap3A_642 = vector.shape_cast %swap3A_641 : vector<1x16xf32> to vector<16xf32>
        %swap3A_643 = vector.shape_cast %mul3A_638 : vector<16xf32> to vector<1x16xf32>
        tpu.vector_store %arg10[%swap3A_639, %swap3A_640], %swap3A_643 {strides = array<i32>} : memref<80x128xf32, #tpu.memory_space<vmem>>, vector<1x16xf32>,
        %get3A_644 = arith.index_cast %add3A_593 : i32 to index
        %get3A_645 = arith.constant 80 : index
        %get3A_646 = tpu.vector_load %arg10[%get3A_644, %get3A_645] {strides = array<i32>} : memref<80x128xf32, #tpu.memory_space<vmem>>, vector<1x16xf32>,
        %get3A_647 = vector.shape_cast %get3A_646 : vector<1x16xf32> to vector<16xf32>
        %mul3A_648 = arith.mulf %get3A_647, %gather3A_589 : vector<16xf32>
        %swap3A_649 = arith.index_cast %add3A_593 : i32 to index
        %swap3A_650 = arith.constant 80 : index
        %swap3A_651 = tpu.vector_load %arg10[%swap3A_649, %swap3A_650] {strides = array<i32>} : memref<80x128xf32, #tpu.memory_space<vmem>>, vector<1x16xf32>,
        %swap3A_652 = vector.shape_cast %swap3A_651 : vector<1x16xf32> to vector<16xf32>
        %swap3A_653 = vector.shape_cast %mul3A_648 : vector<16xf32> to vector<1x16xf32>
        tpu.vector_store %arg10[%swap3A_649, %swap3A_650], %swap3A_653 {strides = array<i32>} : memref<80x128xf32, #tpu.memory_space<vmem>>, vector<1x16xf32>,
        %get3A_654 = arith.index_cast %add3A_593 : i32 to index
        %get3A_655 = arith.constant 96 : index
        %get3A_656 = tpu.vector_load %arg10[%get3A_654, %get3A_655] {strides = array<i32>} : memref<80x128xf32, #tpu.memory_space<vmem>>, vector<1x16xf32>,
        %get3A_657 = vector.shape_cast %get3A_656 : vector<1x16xf32> to vector<16xf32>
        %mul3A_658 = arith.mulf %get3A_657, %gather3A_589 : vector<16xf32>
        %swap3A_659 = arith.index_cast %add3A_593 : i32 to index
        %swap3A_660 = arith.constant 96 : index
        %swap3A_661 = tpu.vector_load %arg10[%swap3A_659, %swap3A_660] {strides = array<i32>} : memref<80x128xf32, #tpu.memory_space<vmem>>, vector<1x16xf32>,
        %swap3A_662 = vector.shape_cast %swap3A_661 : vector<1x16xf32> to vector<16xf32>
        %swap3A_663 = vector.shape_cast %mul3A_658 : vector<16xf32> to vector<1x16xf32>
        tpu.vector_store %arg10[%swap3A_659, %swap3A_660], %swap3A_663 {strides = array<i32>} : memref<80x128xf32, #tpu.memory_space<vmem>>, vector<1x16xf32>,
        %get3A_664 = arith.index_cast %add3A_593 : i32 to index
        %get3A_665 = arith.constant 112 : index
        %get3A_666 = tpu.vector_load %arg10[%get3A_664, %get3A_665] {strides = array<i32>} : memref<80x128xf32, #tpu.memory_space<vmem>>, vector<1x16xf32>,
        %get3A_667 = vector.shape_cast %get3A_666 : vector<1x16xf32> to vector<16xf32>
        %mul3A_668 = arith.mulf %get3A_667, %gather3A_589 : vector<16xf32>
        %swap3A_669 = arith.index_cast %add3A_593 : i32 to index
        %swap3A_670 = arith.constant 112 : index
        %swap3A_671 = tpu.vector_load %arg10[%swap3A_669, %swap3A_670] {strides = array<i32>} : memref<80x128xf32, #tpu.memory_space<vmem>>, vector<1x16xf32>,
        %swap3A_672 = vector.shape_cast %swap3A_671 : vector<1x16xf32> to vector<16xf32>
        %swap3A_673 = vector.shape_cast %mul3A_668 : vector<16xf32> to vector<1x16xf32>
        tpu.vector_store %arg10[%swap3A_669, %swap3A_670], %swap3A_673 {strides = array<i32>} : memref<80x128xf32, #tpu.memory_space<vmem>>, vector<1x16xf32>,
        %broadcast_in_dim3A_674 = arith.constant 7 : i32
        %broadcast_in_dim3A_675 = vector.broadcast %broadcast_in_dim3A_674 : i32 to vector<16x1xi32>
        %gather3A_676 = vector.shape_cast %broadcast_in_dim3A_675 : vector<16x1xi32> to vector<16xi32>
        %gather3A_677 = tpu.dynamic_gather %get3A_59[%gather3A_676] in [0] : vector<16xf32>, vector<16xi32> -> vector<16xf32>
        %mul3A_678 = arith.constant 16 : i32
        %mul3A_679 = arith.muli %scan3A_55, %mul3A_678 : i32
        %add3A_680 = arith.constant 7 : i32
        %add3A_681 = arith.addi %mul3A_679, %add3A_680 : i32
        %get3A_682 = arith.index_cast %add3A_681 : i32 to index
        %get3A_683 = arith.constant 0 : index
        %get3A_684 = tpu.vector_load %arg10[%get3A_682, %get3A_683] {strides = array<i32>} : memref<80x128xf32, #tpu.memory_space<vmem>>, vector<1x16xf32>,
        %get3A_685 = vector.shape_cast %get3A_684 : vector<1x16xf32> to vector<16xf32>
        %mul3A_686 = arith.mulf %get3A_685, %gather3A_677 : vector<16xf32>
        %swap3A_687 = arith.index_cast %add3A_681 : i32 to index
        %swap3A_688 = arith.constant 0 : index
        %swap3A_689 = tpu.vector_load %arg10[%swap3A_687, %swap3A_688] {strides = array<i32>} : memref<80x128xf32, #tpu.memory_space<vmem>>, vector<1x16xf32>,
        %swap3A_690 = vector.shape_cast %swap3A_689 : vector<1x16xf32> to vector<16xf32>
        %swap3A_691 = vector.shape_cast %mul3A_686 : vector<16xf32> to vector<1x16xf32>
        tpu.vector_store %arg10[%swap3A_687, %swap3A_688], %swap3A_691 {strides = array<i32>} : memref<80x128xf32, #tpu.memory_space<vmem>>, vector<1x16xf32>,
        %get3A_692 = arith.index_cast %add3A_681 : i32 to index
        %get3A_693 = arith.constant 16 : index
        %get3A_694 = tpu.vector_load %arg10[%get3A_692, %get3A_693] {strides = array<i32>} : memref<80x128xf32, #tpu.memory_space<vmem>>, vector<1x16xf32>,
        %get3A_695 = vector.shape_cast %get3A_694 : vector<1x16xf32> to vector<16xf32>
        %mul3A_696 = arith.mulf %get3A_695, %gather3A_677 : vector<16xf32>
        %swap3A_697 = arith.index_cast %add3A_681 : i32 to index
        %swap3A_698 = arith.constant 16 : index
        %swap3A_699 = tpu.vector_load %arg10[%swap3A_697, %swap3A_698] {strides = array<i32>} : memref<80x128xf32, #tpu.memory_space<vmem>>, vector<1x16xf32>,
        %swap3A_700 = vector.shape_cast %swap3A_699 : vector<1x16xf32> to vector<16xf32>
        %swap3A_701 = vector.shape_cast %mul3A_696 : vector<16xf32> to vector<1x16xf32>
        tpu.vector_store %arg10[%swap3A_697, %swap3A_698], %swap3A_701 {strides = array<i32>} : memref<80x128xf32, #tpu.memory_space<vmem>>, vector<1x16xf32>,
        %get3A_702 = arith.index_cast %add3A_681 : i32 to index
        %get3A_703 = arith.constant 32 : index
        %get3A_704 = tpu.vector_load %arg10[%get3A_702, %get3A_703] {strides = array<i32>} : memref<80x128xf32, #tpu.memory_space<vmem>>, vector<1x16xf32>,
        %get3A_705 = vector.shape_cast %get3A_704 : vector<1x16xf32> to vector<16xf32>
        %mul3A_706 = arith.mulf %get3A_705, %gather3A_677 : vector<16xf32>
        %swap3A_707 = arith.index_cast %add3A_681 : i32 to index
        %swap3A_708 = arith.constant 32 : index
        %swap3A_709 = tpu.vector_load %arg10[%swap3A_707, %swap3A_708] {strides = array<i32>} : memref<80x128xf32, #tpu.memory_space<vmem>>, vector<1x16xf32>,
        %swap3A_710 = vector.shape_cast %swap3A_709 : vector<1x16xf32> to vector<16xf32>
        %swap3A_711 = vector.shape_cast %mul3A_706 : vector<16xf32> to vector<1x16xf32>
        tpu.vector_store %arg10[%swap3A_707, %swap3A_708], %swap3A_711 {strides = array<i32>} : memref<80x128xf32, #tpu.memory_space<vmem>>, vector<1x16xf32>,
        %get3A_712 = arith.index_cast %add3A_681 : i32 to index
        %get3A_713 = arith.constant 48 : index
        %get3A_714 = tpu.vector_load %arg10[%get3A_712, %get3A_713] {strides = array<i32>} : memref<80x128xf32, #tpu.memory_space<vmem>>, vector<1x16xf32>,
        %get3A_715 = vector.shape_cast %get3A_714 : vector<1x16xf32> to vector<16xf32>
        %mul3A_716 = arith.mulf %get3A_715, %gather3A_677 : vector<16xf32>
        %swap3A_717 = arith.index_cast %add3A_681 : i32 to index
        %swap3A_718 = arith.constant 48 : index
        %swap3A_719 = tpu.vector_load %arg10[%swap3A_717, %swap3A_718] {strides = array<i32>} : memref<80x128xf32, #tpu.memory_space<vmem>>, vector<1x16xf32>,
        %swap3A_720 = vector.shape_cast %swap3A_719 : vector<1x16xf32> to vector<16xf32>
        %swap3A_721 = vector.shape_cast %mul3A_716 : vector<16xf32> to vector<1x16xf32>
        tpu.vector_store %arg10[%swap3A_717, %swap3A_718], %swap3A_721 {strides = array<i32>} : memref<80x128xf32, #tpu.memory_space<vmem>>, vector<1x16xf32>,
        %get3A_722 = arith.index_cast %add3A_681 : i32 to index
        %get3A_723 = arith.constant 64 : index
        %get3A_724 = tpu.vector_load %arg10[%get3A_722, %get3A_723] {strides = array<i32>} : memref<80x128xf32, #tpu.memory_space<vmem>>, vector<1x16xf32>,
        %get3A_725 = vector.shape_cast %get3A_724 : vector<1x16xf32> to vector<16xf32>
        %mul3A_726 = arith.mulf %get3A_725, %gather3A_677 : vector<16xf32>
        %swap3A_727 = arith.index_cast %add3A_681 : i32 to index
        %swap3A_728 = arith.constant 64 : index
        %swap3A_729 = tpu.vector_load %arg10[%swap3A_727, %swap3A_728] {strides = array<i32>} : memref<80x128xf32, #tpu.memory_space<vmem>>, vector<1x16xf32>,
        %swap3A_730 = vector.shape_cast %swap3A_729 : vector<1x16xf32> to vector<16xf32>
        %swap3A_731 = vector.shape_cast %mul3A_726 : vector<16xf32> to vector<1x16xf32>
        tpu.vector_store %arg10[%swap3A_727, %swap3A_728], %swap3A_731 {strides = array<i32>} : memref<80x128xf32, #tpu.memory_space<vmem>>, vector<1x16xf32>,
        %get3A_732 = arith.index_cast %add3A_681 : i32 to index
        %get3A_733 = arith.constant 80 : index
        %get3A_734 = tpu.vector_load %arg10[%get3A_732, %get3A_733] {strides = array<i32>} : memref<80x128xf32, #tpu.memory_space<vmem>>, vector<1x16xf32>,
        %get3A_735 = vector.shape_cast %get3A_734 : vector<1x16xf32> to vector<16xf32>
        %mul3A_736 = arith.mulf %get3A_735, %gather3A_677 : vector<16xf32>
        %swap3A_737 = arith.index_cast %add3A_681 : i32 to index
        %swap3A_738 = arith.constant 80 : index
        %swap3A_739 = tpu.vector_load %arg10[%swap3A_737, %swap3A_738] {strides = array<i32>} : memref<80x128xf32, #tpu.memory_space<vmem>>, vector<1x16xf32>,
        %swap3A_740 = vector.shape_cast %swap3A_739 : vector<1x16xf32> to vector<16xf32>
        %swap3A_741 = vector.shape_cast %mul3A_736 : vector<16xf32> to vector<1x16xf32>
        tpu.vector_store %arg10[%swap3A_737, %swap3A_738], %swap3A_741 {strides = array<i32>} : memref<80x128xf32, #tpu.memory_space<vmem>>, vector<1x16xf32>,
        %get3A_742 = arith.index_cast %add3A_681 : i32 to index
        %get3A_743 = arith.constant 96 : index
        %get3A_744 = tpu.vector_load %arg10[%get3A_742, %get3A_743] {strides = array<i32>} : memref<80x128xf32, #tpu.memory_space<vmem>>, vector<1x16xf32>,
        %get3A_745 = vector.shape_cast %get3A_744 : vector<1x16xf32> to vector<16xf32>
        %mul3A_746 = arith.mulf %get3A_745, %gather3A_677 : vector<16xf32>
        %swap3A_747 = arith.index_cast %add3A_681 : i32 to index
        %swap3A_748 = arith.constant 96 : index
        %swap3A_749 = tpu.vector_load %arg10[%swap3A_747, %swap3A_748] {strides = array<i32>} : memref<80x128xf32, #tpu.memory_space<vmem>>, vector<1x16xf32>,
        %swap3A_750 = vector.shape_cast %swap3A_749 : vector<1x16xf32> to vector<16xf32>
        %swap3A_751 = vector.shape_cast %mul3A_746 : vector<16xf32> to vector<1x16xf32>
        tpu.vector_store %arg10[%swap3A_747, %swap3A_748], %swap3A_751 {strides = array<i32>} : memref<80x128xf32, #tpu.memory_space<vmem>>, vector<1x16xf32>,
        %get3A_752 = arith.index_cast %add3A_681 : i32 to index
        %get3A_753 = arith.constant 112 : index
        %get3A_754 = tpu.vector_load %arg10[%get3A_752, %get3A_753] {strides = array<i32>} : memref<80x128xf32, #tpu.memory_space<vmem>>, vector<1x16xf32>,
        %get3A_755 = vector.shape_cast %get3A_754 : vector<1x16xf32> to vector<16xf32>
        %mul3A_756 = arith.mulf %get3A_755, %gather3A_677 : vector<16xf32>
        %swap3A_757 = arith.index_cast %add3A_681 : i32 to index
        %swap3A_758 = arith.constant 112 : index
        %swap3A_759 = tpu.vector_load %arg10[%swap3A_757, %swap3A_758] {strides = array<i32>} : memref<80x128xf32, #tpu.memory_space<vmem>>, vector<1x16xf32>,
        %swap3A_760 = vector.shape_cast %swap3A_759 : vector<1x16xf32> to vector<16xf32>
        %swap3A_761 = vector.shape_cast %mul3A_756 : vector<16xf32> to vector<1x16xf32>
        tpu.vector_store %arg10[%swap3A_757, %swap3A_758], %swap3A_761 {strides = array<i32>} : memref<80x128xf32, #tpu.memory_space<vmem>>, vector<1x16xf32>,
        %broadcast_in_dim3A_762 = arith.constant 8 : i32
        %broadcast_in_dim3A_763 = vector.broadcast %broadcast_in_dim3A_762 : i32 to vector<16x1xi32>
        %gather3A_764 = vector.shape_cast %broadcast_in_dim3A_763 : vector<16x1xi32> to vector<16xi32>
        %gather3A_765 = tpu.dynamic_gather %get3A_59[%gather3A_764] in [0] : vector<16xf32>, vector<16xi32> -> vector<16xf32>
        %mul3A_766 = arith.constant 16 : i32
        %mul3A_767 = arith.muli %scan3A_55, %mul3A_766 : i32
        %add3A_768 = arith.constant 8 : i32
        %add3A_769 = arith.addi %mul3A_767, %add3A_768 : i32
        %get3A_770 = arith.index_cast %add3A_769 : i32 to index
        %get3A_771 = arith.constant 0 : index
        %get3A_772 = tpu.vector_load %arg10[%get3A_770, %get3A_771] {strides = array<i32>} : memref<80x128xf32, #tpu.memory_space<vmem>>, vector<1x16xf32>,
        %get3A_773 = vector.shape_cast %get3A_772 : vector<1x16xf32> to vector<16xf32>
        %mul3A_774 = arith.mulf %get3A_773, %gather3A_765 : vector<16xf32>
        %swap3A_775 = arith.index_cast %add3A_769 : i32 to index
        %swap3A_776 = arith.constant 0 : index
        %swap3A_777 = tpu.vector_load %arg10[%swap3A_775, %swap3A_776] {strides = array<i32>} : memref<80x128xf32, #tpu.memory_space<vmem>>, vector<1x16xf32>,
        %swap3A_778 = vector.shape_cast %swap3A_777 : vector<1x16xf32> to vector<16xf32>
        %swap3A_779 = vector.shape_cast %mul3A_774 : vector<16xf32> to vector<1x16xf32>
        tpu.vector_store %arg10[%swap3A_775, %swap3A_776], %swap3A_779 {strides = array<i32>} : memref<80x128xf32, #tpu.memory_space<vmem>>, vector<1x16xf32>,
        %get3A_780 = arith.index_cast %add3A_769 : i32 to index
        %get3A_781 = arith.constant 16 : index
        %get3A_782 = tpu.vector_load %arg10[%get3A_780, %get3A_781] {strides = array<i32>} : memref<80x128xf32, #tpu.memory_space<vmem>>, vector<1x16xf32>,
        %get3A_783 = vector.shape_cast %get3A_782 : vector<1x16xf32> to vector<16xf32>
        %mul3A_784 = arith.mulf %get3A_783, %gather3A_765 : vector<16xf32>
        %swap3A_785 = arith.index_cast %add3A_769 : i32 to index
        %swap3A_786 = arith.constant 16 : index
        %swap3A_787 = tpu.vector_load %arg10[%swap3A_785, %swap3A_786] {strides = array<i32>} : memref<80x128xf32, #tpu.memory_space<vmem>>, vector<1x16xf32>,
        %swap3A_788 = vector.shape_cast %swap3A_787 : vector<1x16xf32> to vector<16xf32>
        %swap3A_789 = vector.shape_cast %mul3A_784 : vector<16xf32> to vector<1x16xf32>
        tpu.vector_store %arg10[%swap3A_785, %swap3A_786], %swap3A_789 {strides = array<i32>} : memref<80x128xf32, #tpu.memory_space<vmem>>, vector<1x16xf32>,
        %get3A_790 = arith.index_cast %add3A_769 : i32 to index
        %get3A_791 = arith.constant 32 : index
        %get3A_792 = tpu.vector_load %arg10[%get3A_790, %get3A_791] {strides = array<i32>} : memref<80x128xf32, #tpu.memory_space<vmem>>, vector<1x16xf32>,
        %get3A_793 = vector.shape_cast %get3A_792 : vector<1x16xf32> to vector<16xf32>
        %mul3A_794 = arith.mulf %get3A_793, %gather3A_765 : vector<16xf32>
        %swap3A_795 = arith.index_cast %add3A_769 : i32 to index
        %swap3A_796 = arith.constant 32 : index
        %swap3A_797 = tpu.vector_load %arg10[%swap3A_795, %swap3A_796] {strides = array<i32>} : memref<80x128xf32, #tpu.memory_space<vmem>>, vector<1x16xf32>,
        %swap3A_798 = vector.shape_cast %swap3A_797 : vector<1x16xf32> to vector<16xf32>
        %swap3A_799 = vector.shape_cast %mul3A_794 : vector<16xf32> to vector<1x16xf32>
        tpu.vector_store %arg10[%swap3A_795, %swap3A_796], %swap3A_799 {strides = array<i32>} : memref<80x128xf32, #tpu.memory_space<vmem>>, vector<1x16xf32>,
        %get3A_800 = arith.index_cast %add3A_769 : i32 to index
        %get3A_801 = arith.constant 48 : index
        %get3A_802 = tpu.vector_load %arg10[%get3A_800, %get3A_801] {strides = array<i32>} : memref<80x128xf32, #tpu.memory_space<vmem>>, vector<1x16xf32>,
        %get3A_803 = vector.shape_cast %get3A_802 : vector<1x16xf32> to vector<16xf32>
        %mul3A_804 = arith.mulf %get3A_803, %gather3A_765 : vector<16xf32>
        %swap3A_805 = arith.index_cast %add3A_769 : i32 to index
        %swap3A_806 = arith.constant 48 : index
        %swap3A_807 = tpu.vector_load %arg10[%swap3A_805, %swap3A_806] {strides = array<i32>} : memref<80x128xf32, #tpu.memory_space<vmem>>, vector<1x16xf32>,
        %swap3A_808 = vector.shape_cast %swap3A_807 : vector<1x16xf32> to vector<16xf32>
        %swap3A_809 = vector.shape_cast %mul3A_804 : vector<16xf32> to vector<1x16xf32>
        tpu.vector_store %arg10[%swap3A_805, %swap3A_806], %swap3A_809 {strides = array<i32>} : memref<80x128xf32, #tpu.memory_space<vmem>>, vector<1x16xf32>,
        %get3A_810 = arith.index_cast %add3A_769 : i32 to index
        %get3A_811 = arith.constant 64 : index
        %get3A_812 = tpu.vector_load %arg10[%get3A_810, %get3A_811] {strides = array<i32>} : memref<80x128xf32, #tpu.memory_space<vmem>>, vector<1x16xf32>,
        %get3A_813 = vector.shape_cast %get3A_812 : vector<1x16xf32> to vector<16xf32>
        %mul3A_814 = arith.mulf %get3A_813, %gather3A_765 : vector<16xf32>
        %swap3A_815 = arith.index_cast %add3A_769 : i32 to index
        %swap3A_816 = arith.constant 64 : index
        %swap3A_817 = tpu.vector_load %arg10[%swap3A_815, %swap3A_816] {strides = array<i32>} : memref<80x128xf32, #tpu.memory_space<vmem>>, vector<1x16xf32>,
        %swap3A_818 = vector.shape_cast %swap3A_817 : vector<1x16xf32> to vector<16xf32>
        %swap3A_819 = vector.shape_cast %mul3A_814 : vector<16xf32> to vector<1x16xf32>
        tpu.vector_store %arg10[%swap3A_815, %swap3A_816], %swap3A_819 {strides = array<i32>} : memref<80x128xf32, #tpu.memory_space<vmem>>, vector<1x16xf32>,
        %get3A_820 = arith.index_cast %add3A_769 : i32 to index
        %get3A_821 = arith.constant 80 : index
        %get3A_822 = tpu.vector_load %arg10[%get3A_820, %get3A_821] {strides = array<i32>} : memref<80x128xf32, #tpu.memory_space<vmem>>, vector<1x16xf32>,
        %get3A_823 = vector.shape_cast %get3A_822 : vector<1x16xf32> to vector<16xf32>
        %mul3A_824 = arith.mulf %get3A_823, %gather3A_765 : vector<16xf32>
        %swap3A_825 = arith.index_cast %add3A_769 : i32 to index
        %swap3A_826 = arith.constant 80 : index
        %swap3A_827 = tpu.vector_load %arg10[%swap3A_825, %swap3A_826] {strides = array<i32>} : memref<80x128xf32, #tpu.memory_space<vmem>>, vector<1x16xf32>,
        %swap3A_828 = vector.shape_cast %swap3A_827 : vector<1x16xf32> to vector<16xf32>
        %swap3A_829 = vector.shape_cast %mul3A_824 : vector<16xf32> to vector<1x16xf32>
        tpu.vector_store %arg10[%swap3A_825, %swap3A_826], %swap3A_829 {strides = array<i32>} : memref<80x128xf32, #tpu.memory_space<vmem>>, vector<1x16xf32>,
        %get3A_830 = arith.index_cast %add3A_769 : i32 to index
        %get3A_831 = arith.constant 96 : index
        %get3A_832 = tpu.vector_load %arg10[%get3A_830, %get3A_831] {strides = array<i32>} : memref<80x128xf32, #tpu.memory_space<vmem>>, vector<1x16xf32>,
        %get3A_833 = vector.shape_cast %get3A_832 : vector<1x16xf32> to vector<16xf32>
        %mul3A_834 = arith.mulf %get3A_833, %gather3A_765 : vector<16xf32>
        %swap3A_835 = arith.index_cast %add3A_769 : i32 to index
        %swap3A_836 = arith.constant 96 : index
        %swap3A_837 = tpu.vector_load %arg10[%swap3A_835, %swap3A_836] {strides = array<i32>} : memref<80x128xf32, #tpu.memory_space<vmem>>, vector<1x16xf32>,
        %swap3A_838 = vector.shape_cast %swap3A_837 : vector<1x16xf32> to vector<16xf32>
        %swap3A_839 = vector.shape_cast %mul3A_834 : vector<16xf32> to vector<1x16xf32>
        tpu.vector_store %arg10[%swap3A_835, %swap3A_836], %swap3A_839 {strides = array<i32>} : memref<80x128xf32, #tpu.memory_space<vmem>>, vector<1x16xf32>,
        %get3A_840 = arith.index_cast %add3A_769 : i32 to index
        %get3A_841 = arith.constant 112 : index
        %get3A_842 = tpu.vector_load %arg10[%get3A_840, %get3A_841] {strides = array<i32>} : memref<80x128xf32, #tpu.memory_space<vmem>>, vector<1x16xf32>,
        %get3A_843 = vector.shape_cast %get3A_842 : vector<1x16xf32> to vector<16xf32>
        %mul3A_844 = arith.mulf %get3A_843, %gather3A_765 : vector<16xf32>
        %swap3A_845 = arith.index_cast %add3A_769 : i32 to index
        %swap3A_846 = arith.constant 112 : index
        %swap3A_847 = tpu.vector_load %arg10[%swap3A_845, %swap3A_846] {strides = array<i32>} : memref<80x128xf32, #tpu.memory_space<vmem>>, vector<1x16xf32>,
        %swap3A_848 = vector.shape_cast %swap3A_847 : vector<1x16xf32> to vector<16xf32>
        %swap3A_849 = vector.shape_cast %mul3A_844 : vector<16xf32> to vector<1x16xf32>
        tpu.vector_store %arg10[%swap3A_845, %swap3A_846], %swap3A_849 {strides = array<i32>} : memref<80x128xf32, #tpu.memory_space<vmem>>, vector<1x16xf32>,
        %broadcast_in_dim3A_850 = arith.constant 9 : i32
        %broadcast_in_dim3A_851 = vector.broadcast %broadcast_in_dim3A_850 : i32 to vector<16x1xi32>
        %gather3A_852 = vector.shape_cast %broadcast_in_dim3A_851 : vector<16x1xi32> to vector<16xi32>
        %gather3A_853 = tpu.dynamic_gather %get3A_59[%gather3A_852] in [0] : vector<16xf32>, vector<16xi32> -> vector<16xf32>
        %mul3A_854 = arith.constant 16 : i32
        %mul3A_855 = arith.muli %scan3A_55, %mul3A_854 : i32
        %add3A_856 = arith.constant 9 : i32
        %add3A_857 = arith.addi %mul3A_855, %add3A_856 : i32
        %get3A_858 = arith.index_cast %add3A_857 : i32 to index
        %get3A_859 = arith.constant 0 : index
        %get3A_860 = tpu.vector_load %arg10[%get3A_858, %get3A_859] {strides = array<i32>} : memref<80x128xf32, #tpu.memory_space<vmem>>, vector<1x16xf32>,
        %get3A_861 = vector.shape_cast %get3A_860 : vector<1x16xf32> to vector<16xf32>
        %mul3A_862 = arith.mulf %get3A_861, %gather3A_853 : vector<16xf32>
        %swap3A_863 = arith.index_cast %add3A_857 : i32 to index
        %swap3A_864 = arith.constant 0 : index
        %swap3A_865 = tpu.vector_load %arg10[%swap3A_863, %swap3A_864] {strides = array<i32>} : memref<80x128xf32, #tpu.memory_space<vmem>>, vector<1x16xf32>,
        %swap3A_866 = vector.shape_cast %swap3A_865 : vector<1x16xf32> to vector<16xf32>
        %swap3A_867 = vector.shape_cast %mul3A_862 : vector<16xf32> to vector<1x16xf32>
        tpu.vector_store %arg10[%swap3A_863, %swap3A_864], %swap3A_867 {strides = array<i32>} : memref<80x128xf32, #tpu.memory_space<vmem>>, vector<1x16xf32>,
        %get3A_868 = arith.index_cast %add3A_857 : i32 to index
        %get3A_869 = arith.constant 16 : index
        %get3A_870 = tpu.vector_load %arg10[%get3A_868, %get3A_869] {strides = array<i32>} : memref<80x128xf32, #tpu.memory_space<vmem>>, vector<1x16xf32>,
        %get3A_871 = vector.shape_cast %get3A_870 : vector<1x16xf32> to vector<16xf32>
        %mul3A_872 = arith.mulf %get3A_871, %gather3A_853 : vector<16xf32>
        %swap3A_873 = arith.index_cast %add3A_857 : i32 to index
        %swap3A_874 = arith.constant 16 : index
        %swap3A_875 = tpu.vector_load %arg10[%swap3A_873, %swap3A_874] {strides = array<i32>} : memref<80x128xf32, #tpu.memory_space<vmem>>, vector<1x16xf32>,
        %swap3A_876 = vector.shape_cast %swap3A_875 : vector<1x16xf32> to vector<16xf32>
        %swap3A_877 = vector.shape_cast %mul3A_872 : vector<16xf32> to vector<1x16xf32>
        tpu.vector_store %arg10[%swap3A_873, %swap3A_874], %swap3A_877 {strides = array<i32>} : memref<80x128xf32, #tpu.memory_space<vmem>>, vector<1x16xf32>,
        %get3A_878 = arith.index_cast %add3A_857 : i32 to index
        %get3A_879 = arith.constant 32 : index
        %get3A_880 = tpu.vector_load %arg10[%get3A_878, %get3A_879] {strides = array<i32>} : memref<80x128xf32, #tpu.memory_space<vmem>>, vector<1x16xf32>,
        %get3A_881 = vector.shape_cast %get3A_880 : vector<1x16xf32> to vector<16xf32>
        %mul3A_882 = arith.mulf %get3A_881, %gather3A_853 : vector<16xf32>
        %swap3A_883 = arith.index_cast %add3A_857 : i32 to index
        %swap3A_884 = arith.constant 32 : index
        %swap3A_885 = tpu.vector_load %arg10[%swap3A_883, %swap3A_884] {strides = array<i32>} : memref<80x128xf32, #tpu.memory_space<vmem>>, vector<1x16xf32>,
        %swap3A_886 = vector.shape_cast %swap3A_885 : vector<1x16xf32> to vector<16xf32>
        %swap3A_887 = vector.shape_cast %mul3A_882 : vector<16xf32> to vector<1x16xf32>
        tpu.vector_store %arg10[%swap3A_883, %swap3A_884], %swap3A_887 {strides = array<i32>} : memref<80x128xf32, #tpu.memory_space<vmem>>, vector<1x16xf32>,
        %get3A_888 = arith.index_cast %add3A_857 : i32 to index
        %get3A_889 = arith.constant 48 : index
        %get3A_890 = tpu.vector_load %arg10[%get3A_888, %get3A_889] {strides = array<i32>} : memref<80x128xf32, #tpu.memory_space<vmem>>, vector<1x16xf32>,
        %get3A_891 = vector.shape_cast %get3A_890 : vector<1x16xf32> to vector<16xf32>
        %mul3A_892 = arith.mulf %get3A_891, %gather3A_853 : vector<16xf32>
        %swap3A_893 = arith.index_cast %add3A_857 : i32 to index
        %swap3A_894 = arith.constant 48 : index
        %swap3A_895 = tpu.vector_load %arg10[%swap3A_893, %swap3A_894] {strides = array<i32>} : memref<80x128xf32, #tpu.memory_space<vmem>>, vector<1x16xf32>,
        %swap3A_896 = vector.shape_cast %swap3A_895 : vector<1x16xf32> to vector<16xf32>
        %swap3A_897 = vector.shape_cast %mul3A_892 : vector<16xf32> to vector<1x16xf32>
        tpu.vector_store %arg10[%swap3A_893, %swap3A_894], %swap3A_897 {strides = array<i32>} : memref<80x128xf32, #tpu.memory_space<vmem>>, vector<1x16xf32>,
        %get3A_898 = arith.index_cast %add3A_857 : i32 to index
        %get3A_899 = arith.constant 64 : index
        %get3A_900 = tpu.vector_load %arg10[%get3A_898, %get3A_899] {strides = array<i32>} : memref<80x128xf32, #tpu.memory_space<vmem>>, vector<1x16xf32>,
        %get3A_901 = vector.shape_cast %get3A_900 : vector<1x16xf32> to vector<16xf32>
        %mul3A_902 = arith.mulf %get3A_901, %gather3A_853 : vector<16xf32>
        %swap3A_903 = arith.index_cast %add3A_857 : i32 to index
        %swap3A_904 = arith.constant 64 : index
        %swap3A_905 = tpu.vector_load %arg10[%swap3A_903, %swap3A_904] {strides = array<i32>} : memref<80x128xf32, #tpu.memory_space<vmem>>, vector<1x16xf32>,
        %swap3A_906 = vector.shape_cast %swap3A_905 : vector<1x16xf32> to vector<16xf32>
        %swap3A_907 = vector.shape_cast %mul3A_902 : vector<16xf32> to vector<1x16xf32>
        tpu.vector_store %arg10[%swap3A_903, %swap3A_904], %swap3A_907 {strides = array<i32>} : memref<80x128xf32, #tpu.memory_space<vmem>>, vector<1x16xf32>,
        %get3A_908 = arith.index_cast %add3A_857 : i32 to index
        %get3A_909 = arith.constant 80 : index
        %get3A_910 = tpu.vector_load %arg10[%get3A_908, %get3A_909] {strides = array<i32>} : memref<80x128xf32, #tpu.memory_space<vmem>>, vector<1x16xf32>,
        %get3A_911 = vector.shape_cast %get3A_910 : vector<1x16xf32> to vector<16xf32>
        %mul3A_912 = arith.mulf %get3A_911, %gather3A_853 : vector<16xf32>
        %swap3A_913 = arith.index_cast %add3A_857 : i32 to index
        %swap3A_914 = arith.constant 80 : index
        %swap3A_915 = tpu.vector_load %arg10[%swap3A_913, %swap3A_914] {strides = array<i32>} : memref<80x128xf32, #tpu.memory_space<vmem>>, vector<1x16xf32>,
        %swap3A_916 = vector.shape_cast %swap3A_915 : vector<1x16xf32> to vector<16xf32>
        %swap3A_917 = vector.shape_cast %mul3A_912 : vector<16xf32> to vector<1x16xf32>
        tpu.vector_store %arg10[%swap3A_913, %swap3A_914], %swap3A_917 {strides = array<i32>} : memref<80x128xf32, #tpu.memory_space<vmem>>, vector<1x16xf32>,
        %get3A_918 = arith.index_cast %add3A_857 : i32 to index
        %get3A_919 = arith.constant 96 : index
        %get3A_920 = tpu.vector_load %arg10[%get3A_918, %get3A_919] {strides = array<i32>} : memref<80x128xf32, #tpu.memory_space<vmem>>, vector<1x16xf32>,
        %get3A_921 = vector.shape_cast %get3A_920 : vector<1x16xf32> to vector<16xf32>
        %mul3A_922 = arith.mulf %get3A_921, %gather3A_853 : vector<16xf32>
        %swap3A_923 = arith.index_cast %add3A_857 : i32 to index
        %swap3A_924 = arith.constant 96 : index
        %swap3A_925 = tpu.vector_load %arg10[%swap3A_923, %swap3A_924] {strides = array<i32>} : memref<80x128xf32, #tpu.memory_space<vmem>>, vector<1x16xf32>,
        %swap3A_926 = vector.shape_cast %swap3A_925 : vector<1x16xf32> to vector<16xf32>
        %swap3A_927 = vector.shape_cast %mul3A_922 : vector<16xf32> to vector<1x16xf32>
        tpu.vector_store %arg10[%swap3A_923, %swap3A_924], %swap3A_927 {strides = array<i32>} : memref<80x128xf32, #tpu.memory_space<vmem>>, vector<1x16xf32>,
        %get3A_928 = arith.index_cast %add3A_857 : i32 to index
        %get3A_929 = arith.constant 112 : index
        %get3A_930 = tpu.vector_load %arg10[%get3A_928, %get3A_929] {strides = array<i32>} : memref<80x128xf32, #tpu.memory_space<vmem>>, vector<1x16xf32>,
        %get3A_931 = vector.shape_cast %get3A_930 : vector<1x16xf32> to vector<16xf32>
        %mul3A_932 = arith.mulf %get3A_931, %gather3A_853 : vector<16xf32>
        %swap3A_933 = arith.index_cast %add3A_857 : i32 to index
        %swap3A_934 = arith.constant 112 : index
        %swap3A_935 = tpu.vector_load %arg10[%swap3A_933, %swap3A_934] {strides = array<i32>} : memref<80x128xf32, #tpu.memory_space<vmem>>, vector<1x16xf32>,
        %swap3A_936 = vector.shape_cast %swap3A_935 : vector<1x16xf32> to vector<16xf32>
        %swap3A_937 = vector.shape_cast %mul3A_932 : vector<16xf32> to vector<1x16xf32>
        tpu.vector_store %arg10[%swap3A_933, %swap3A_934], %swap3A_937 {strides = array<i32>} : memref<80x128xf32, #tpu.memory_space<vmem>>, vector<1x16xf32>,
        %broadcast_in_dim3A_938 = arith.constant 10 : i32
        %broadcast_in_dim3A_939 = vector.broadcast %broadcast_in_dim3A_938 : i32 to vector<16x1xi32>
        %gather3A_940 = vector.shape_cast %broadcast_in_dim3A_939 : vector<16x1xi32> to vector<16xi32>
        %gather3A_941 = tpu.dynamic_gather %get3A_59[%gather3A_940] in [0] : vector<16xf32>, vector<16xi32> -> vector<16xf32>
        %mul3A_942 = arith.constant 16 : i32
        %mul3A_943 = arith.muli %scan3A_55, %mul3A_942 : i32
        %add3A_944 = arith.constant 10 : i32
        %add3A_945 = arith.addi %mul3A_943, %add3A_944 : i32
        %get3A_946 = arith.index_cast %add3A_945 : i32 to index
        %get3A_947 = arith.constant 0 : index
        %get3A_948 = tpu.vector_load %arg10[%get3A_946, %get3A_947] {strides = array<i32>} : memref<80x128xf32, #tpu.memory_space<vmem>>, vector<1x16xf32>,
        %get3A_949 = vector.shape_cast %get3A_948 : vector<1x16xf32> to vector<16xf32>
        %mul3A_950 = arith.mulf %get3A_949, %gather3A_941 : vector<16xf32>
        %swap3A_951 = arith.index_cast %add3A_945 : i32 to index
        %swap3A_952 = arith.constant 0 : index
        %swap3A_953 = tpu.vector_load %arg10[%swap3A_951, %swap3A_952] {strides = array<i32>} : memref<80x128xf32, #tpu.memory_space<vmem>>, vector<1x16xf32>,
        %swap3A_954 = vector.shape_cast %swap3A_953 : vector<1x16xf32> to vector<16xf32>
        %swap3A_955 = vector.shape_cast %mul3A_950 : vector<16xf32> to vector<1x16xf32>
        tpu.vector_store %arg10[%swap3A_951, %swap3A_952], %swap3A_955 {strides = array<i32>} : memref<80x128xf32, #tpu.memory_space<vmem>>, vector<1x16xf32>,
        %get3A_956 = arith.index_cast %add3A_945 : i32 to index
        %get3A_957 = arith.constant 16 : index
        %get3A_958 = tpu.vector_load %arg10[%get3A_956, %get3A_957] {strides = array<i32>} : memref<80x128xf32, #tpu.memory_space<vmem>>, vector<1x16xf32>,
        %get3A_959 = vector.shape_cast %get3A_958 : vector<1x16xf32> to vector<16xf32>
        %mul3A_960 = arith.mulf %get3A_959, %gather3A_941 : vector<16xf32>
        %swap3A_961 = arith.index_cast %add3A_945 : i32 to index
        %swap3A_962 = arith.constant 16 : index
        %swap3A_963 = tpu.vector_load %arg10[%swap3A_961, %swap3A_962] {strides = array<i32>} : memref<80x128xf32, #tpu.memory_space<vmem>>, vector<1x16xf32>,
        %swap3A_964 = vector.shape_cast %swap3A_963 : vector<1x16xf32> to vector<16xf32>
        %swap3A_965 = vector.shape_cast %mul3A_960 : vector<16xf32> to vector<1x16xf32>
        tpu.vector_store %arg10[%swap3A_961, %swap3A_962], %swap3A_965 {strides = array<i32>} : memref<80x128xf32, #tpu.memory_space<vmem>>, vector<1x16xf32>,
        %get3A_966 = arith.index_cast %add3A_945 : i32 to index
        %get3A_967 = arith.constant 32 : index
        %get3A_968 = tpu.vector_load %arg10[%get3A_966, %get3A_967] {strides = array<i32>} : memref<80x128xf32, #tpu.memory_space<vmem>>, vector<1x16xf32>,
        %get3A_969 = vector.shape_cast %get3A_968 : vector<1x16xf32> to vector<16xf32>
        %mul3A_970 = arith.mulf %get3A_969, %gather3A_941 : vector<16xf32>
        %swap3A_971 = arith.index_cast %add3A_945 : i32 to index
        %swap3A_972 = arith.constant 32 : index
        %swap3A_973 = tpu.vector_load %arg10[%swap3A_971, %swap3A_972] {strides = array<i32>} : memref<80x128xf32, #tpu.memory_space<vmem>>, vector<1x16xf32>,
        %swap3A_974 = vector.shape_cast %swap3A_973 : vector<1x16xf32> to vector<16xf32>
        %swap3A_975 = vector.shape_cast %mul3A_970 : vector<16xf32> to vector<1x16xf32>
        tpu.vector_store %arg10[%swap3A_971, %swap3A_972], %swap3A_975 {strides = array<i32>} : memref<80x128xf32, #tpu.memory_space<vmem>>, vector<1x16xf32>,
        %get3A_976 = arith.index_cast %add3A_945 : i32 to index
        %get3A_977 = arith.constant 48 : index
        %get3A_978 = tpu.vector_load %arg10[%get3A_976, %get3A_977] {strides = array<i32>} : memref<80x128xf32, #tpu.memory_space<vmem>>, vector<1x16xf32>,
        %get3A_979 = vector.shape_cast %get3A_978 : vector<1x16xf32> to vector<16xf32>
        %mul3A_980 = arith.mulf %get3A_979, %gather3A_941 : vector<16xf32>
        %swap3A_981 = arith.index_cast %add3A_945 : i32 to index
        %swap3A_982 = arith.constant 48 : index
        %swap3A_983 = tpu.vector_load %arg10[%swap3A_981, %swap3A_982] {strides = array<i32>} : memref<80x128xf32, #tpu.memory_space<vmem>>, vector<1x16xf32>,
        %swap3A_984 = vector.shape_cast %swap3A_983 : vector<1x16xf32> to vector<16xf32>
        %swap3A_985 = vector.shape_cast %mul3A_980 : vector<16xf32> to vector<1x16xf32>
        tpu.vector_store %arg10[%swap3A_981, %swap3A_982], %swap3A_985 {strides = array<i32>} : memref<80x128xf32, #tpu.memory_space<vmem>>, vector<1x16xf32>,
        %get3A_986 = arith.index_cast %add3A_945 : i32 to index
        %get3A_987 = arith.constant 64 : index
        %get3A_988 = tpu.vector_load %arg10[%get3A_986, %get3A_987] {strides = array<i32>} : memref<80x128xf32, #tpu.memory_space<vmem>>, vector<1x16xf32>,
        %get3A_989 = vector.shape_cast %get3A_988 : vector<1x16xf32> to vector<16xf32>
        %mul3A_990 = arith.mulf %get3A_989, %gather3A_941 : vector<16xf32>
        %swap3A_991 = arith.index_cast %add3A_945 : i32 to index
        %swap3A_992 = arith.constant 64 : index
        %swap3A_993 = tpu.vector_load %arg10[%swap3A_991, %swap3A_992] {strides = array<i32>} : memref<80x128xf32, #tpu.memory_space<vmem>>, vector<1x16xf32>,
        %swap3A_994 = vector.shape_cast %swap3A_993 : vector<1x16xf32> to vector<16xf32>
        %swap3A_995 = vector.shape_cast %mul3A_990 : vector<16xf32> to vector<1x16xf32>
        tpu.vector_store %arg10[%swap3A_991, %swap3A_992], %swap3A_995 {strides = array<i32>} : memref<80x128xf32, #tpu.memory_space<vmem>>, vector<1x16xf32>,
        %get3A_996 = arith.index_cast %add3A_945 : i32 to index
        %get3A_997 = arith.constant 80 : index
        %get3A_998 = tpu.vector_load %arg10[%get3A_996, %get3A_997] {strides = array<i32>} : memref<80x128xf32, #tpu.memory_space<vmem>>, vector<1x16xf32>,
        %get3A_999 = vector.shape_cast %get3A_998 : vector<1x16xf32> to vector<16xf32>
        %mul3A_1000 = arith.mulf %get3A_999, %gather3A_941 : vector<16xf32>
        %swap3A_1001 = arith.index_cast %add3A_945 : i32 to index
        %swap3A_1002 = arith.constant 80 : index
        %swap3A_1003 = tpu.vector_load %arg10[%swap3A_1001, %swap3A_1002] {strides = array<i32>} : memref<80x128xf32, #tpu.memory_space<vmem>>, vector<1x16xf32>,
        %swap3A_1004 = vector.shape_cast %swap3A_1003 : vector<1x16xf32> to vector<16xf32>
        %swap3A_1005 = vector.shape_cast %mul3A_1000 : vector<16xf32> to vector<1x16xf32>
        tpu.vector_store %arg10[%swap3A_1001, %swap3A_1002], %swap3A_1005 {strides = array<i32>} : memref<80x128xf32, #tpu.memory_space<vmem>>, vector<1x16xf32>,
        %get3A_1006 = arith.index_cast %add3A_945 : i32 to index
        %get3A_1007 = arith.constant 96 : index
        %get3A_1008 = tpu.vector_load %arg10[%get3A_1006, %get3A_1007] {strides = array<i32>} : memref<80x128xf32, #tpu.memory_space<vmem>>, vector<1x16xf32>,
        %get3A_1009 = vector.shape_cast %get3A_1008 : vector<1x16xf32> to vector<16xf32>
        %mul3A_1010 = arith.mulf %get3A_1009, %gather3A_941 : vector<16xf32>
        %swap3A_1011 = arith.index_cast %add3A_945 : i32 to index
        %swap3A_1012 = arith.constant 96 : index
        %swap3A_1013 = tpu.vector_load %arg10[%swap3A_1011, %swap3A_1012] {strides = array<i32>} : memref<80x128xf32, #tpu.memory_space<vmem>>, vector<1x16xf32>,
        %swap3A_1014 = vector.shape_cast %swap3A_1013 : vector<1x16xf32> to vector<16xf32>
        %swap3A_1015 = vector.shape_cast %mul3A_1010 : vector<16xf32> to vector<1x16xf32>
        tpu.vector_store %arg10[%swap3A_1011, %swap3A_1012], %swap3A_1015 {strides = array<i32>} : memref<80x128xf32, #tpu.memory_space<vmem>>, vector<1x16xf32>,
        %get3A_1016 = arith.index_cast %add3A_945 : i32 to index
        %get3A_1017 = arith.constant 112 : index
        %get3A_1018 = tpu.vector_load %arg10[%get3A_1016, %get3A_1017] {strides = array<i32>} : memref<80x128xf32, #tpu.memory_space<vmem>>, vector<1x16xf32>,
        %get3A_1019 = vector.shape_cast %get3A_1018 : vector<1x16xf32> to vector<16xf32>
        %mul3A_1020 = arith.mulf %get3A_1019, %gather3A_941 : vector<16xf32>
        %swap3A_1021 = arith.index_cast %add3A_945 : i32 to index
        %swap3A_1022 = arith.constant 112 : index
        %swap3A_1023 = tpu.vector_load %arg10[%swap3A_1021, %swap3A_1022] {strides = array<i32>} : memref<80x128xf32, #tpu.memory_space<vmem>>, vector<1x16xf32>,
        %swap3A_1024 = vector.shape_cast %swap3A_1023 : vector<1x16xf32> to vector<16xf32>
        %swap3A_1025 = vector.shape_cast %mul3A_1020 : vector<16xf32> to vector<1x16xf32>
        tpu.vector_store %arg10[%swap3A_1021, %swap3A_1022], %swap3A_1025 {strides = array<i32>} : memref<80x128xf32, #tpu.memory_space<vmem>>, vector<1x16xf32>,
        %broadcast_in_dim3A_1026 = arith.constant 11 : i32
        %broadcast_in_dim3A_1027 = vector.broadcast %broadcast_in_dim3A_1026 : i32 to vector<16x1xi32>
        %gather3A_1028 = vector.shape_cast %broadcast_in_dim3A_1027 : vector<16x1xi32> to vector<16xi32>
        %gather3A_1029 = tpu.dynamic_gather %get3A_59[%gather3A_1028] in [0] : vector<16xf32>, vector<16xi32> -> vector<16xf32>
        %mul3A_1030 = arith.constant 16 : i32
        %mul3A_1031 = arith.muli %scan3A_55, %mul3A_1030 : i32
        %add3A_1032 = arith.constant 11 : i32
        %add3A_1033 = arith.addi %mul3A_1031, %add3A_1032 : i32
        %get3A_1034 = arith.index_cast %add3A_1033 : i32 to index
        %get3A_1035 = arith.constant 0 : index
        %get3A_1036 = tpu.vector_load %arg10[%get3A_1034, %get3A_1035] {strides = array<i32>} : memref<80x128xf32, #tpu.memory_space<vmem>>, vector<1x16xf32>,
        %get3A_1037 = vector.shape_cast %get3A_1036 : vector<1x16xf32> to vector<16xf32>
        %mul3A_1038 = arith.mulf %get3A_1037, %gather3A_1029 : vector<16xf32>
        %swap3A_1039 = arith.index_cast %add3A_1033 : i32 to index
        %swap3A_1040 = arith.constant 0 : index
        %swap3A_1041 = tpu.vector_load %arg10[%swap3A_1039, %swap3A_1040] {strides = array<i32>} : memref<80x128xf32, #tpu.memory_space<vmem>>, vector<1x16xf32>,
        %swap3A_1042 = vector.shape_cast %swap3A_1041 : vector<1x16xf32> to vector<16xf32>
        %swap3A_1043 = vector.shape_cast %mul3A_1038 : vector<16xf32> to vector<1x16xf32>
        tpu.vector_store %arg10[%swap3A_1039, %swap3A_1040], %swap3A_1043 {strides = array<i32>} : memref<80x128xf32, #tpu.memory_space<vmem>>, vector<1x16xf32>,
        %get3A_1044 = arith.index_cast %add3A_1033 : i32 to index
        %get3A_1045 = arith.constant 16 : index
        %get3A_1046 = tpu.vector_load %arg10[%get3A_1044, %get3A_1045] {strides = array<i32>} : memref<80x128xf32, #tpu.memory_space<vmem>>, vector<1x16xf32>,
        %get3A_1047 = vector.shape_cast %get3A_1046 : vector<1x16xf32> to vector<16xf32>
        %mul3A_1048 = arith.mulf %get3A_1047, %gather3A_1029 : vector<16xf32>
        %swap3A_1049 = arith.index_cast %add3A_1033 : i32 to index
        %swap3A_1050 = arith.constant 16 : index
        %swap3A_1051 = tpu.vector_load %arg10[%swap3A_1049, %swap3A_1050] {strides = array<i32>} : memref<80x128xf32, #tpu.memory_space<vmem>>, vector<1x16xf32>,
        %swap3A_1052 = vector.shape_cast %swap3A_1051 : vector<1x16xf32> to vector<16xf32>
        %swap3A_1053 = vector.shape_cast %mul3A_1048 : vector<16xf32> to vector<1x16xf32>
        tpu.vector_store %arg10[%swap3A_1049, %swap3A_1050], %swap3A_1053 {strides = array<i32>} : memref<80x128xf32, #tpu.memory_space<vmem>>, vector<1x16xf32>,
        %get3A_1054 = arith.index_cast %add3A_1033 : i32 to index
        %get3A_1055 = arith.constant 32 : index
        %get3A_1056 = tpu.vector_load %arg10[%get3A_1054, %get3A_1055] {strides = array<i32>} : memref<80x128xf32, #tpu.memory_space<vmem>>, vector<1x16xf32>,
        %get3A_1057 = vector.shape_cast %get3A_1056 : vector<1x16xf32> to vector<16xf32>
        %mul3A_1058 = arith.mulf %get3A_1057, %gather3A_1029 : vector<16xf32>
        %swap3A_1059 = arith.index_cast %add3A_1033 : i32 to index
        %swap3A_1060 = arith.constant 32 : index
        %swap3A_1061 = tpu.vector_load %arg10[%swap3A_1059, %swap3A_1060] {strides = array<i32>} : memref<80x128xf32, #tpu.memory_space<vmem>>, vector<1x16xf32>,
        %swap3A_1062 = vector.shape_cast %swap3A_1061 : vector<1x16xf32> to vector<16xf32>
        %swap3A_1063 = vector.shape_cast %mul3A_1058 : vector<16xf32> to vector<1x16xf32>
        tpu.vector_store %arg10[%swap3A_1059, %swap3A_1060], %swap3A_1063 {strides = array<i32>} : memref<80x128xf32, #tpu.memory_space<vmem>>, vector<1x16xf32>,
        %get3A_1064 = arith.index_cast %add3A_1033 : i32 to index
        %get3A_1065 = arith.constant 48 : index
        %get3A_1066 = tpu.vector_load %arg10[%get3A_1064, %get3A_1065] {strides = array<i32>} : memref<80x128xf32, #tpu.memory_space<vmem>>, vector<1x16xf32>,
        %get3A_1067 = vector.shape_cast %get3A_1066 : vector<1x16xf32> to vector<16xf32>
        %mul3A_1068 = arith.mulf %get3A_1067, %gather3A_1029 : vector<16xf32>
        %swap3A_1069 = arith.index_cast %add3A_1033 : i32 to index
        %swap3A_1070 = arith.constant 48 : index
        %swap3A_1071 = tpu.vector_load %arg10[%swap3A_1069, %swap3A_1070] {strides = array<i32>} : memref<80x128xf32, #tpu.memory_space<vmem>>, vector<1x16xf32>,
        %swap3A_1072 = vector.shape_cast %swap3A_1071 : vector<1x16xf32> to vector<16xf32>
        %swap3A_1073 = vector.shape_cast %mul3A_1068 : vector<16xf32> to vector<1x16xf32>
        tpu.vector_store %arg10[%swap3A_1069, %swap3A_1070], %swap3A_1073 {strides = array<i32>} : memref<80x128xf32, #tpu.memory_space<vmem>>, vector<1x16xf32>,
        %get3A_1074 = arith.index_cast %add3A_1033 : i32 to index
        %get3A_1075 = arith.constant 64 : index
        %get3A_1076 = tpu.vector_load %arg10[%get3A_1074, %get3A_1075] {strides = array<i32>} : memref<80x128xf32, #tpu.memory_space<vmem>>, vector<1x16xf32>,
        %get3A_1077 = vector.shape_cast %get3A_1076 : vector<1x16xf32> to vector<16xf32>
        %mul3A_1078 = arith.mulf %get3A_1077, %gather3A_1029 : vector<16xf32>
        %swap3A_1079 = arith.index_cast %add3A_1033 : i32 to index
        %swap3A_1080 = arith.constant 64 : index
        %swap3A_1081 = tpu.vector_load %arg10[%swap3A_1079, %swap3A_1080] {strides = array<i32>} : memref<80x128xf32, #tpu.memory_space<vmem>>, vector<1x16xf32>,
        %swap3A_1082 = vector.shape_cast %swap3A_1081 : vector<1x16xf32> to vector<16xf32>
        %swap3A_1083 = vector.shape_cast %mul3A_1078 : vector<16xf32> to vector<1x16xf32>
        tpu.vector_store %arg10[%swap3A_1079, %swap3A_1080], %swap3A_1083 {strides = array<i32>} : memref<80x128xf32, #tpu.memory_space<vmem>>, vector<1x16xf32>,
        %get3A_1084 = arith.index_cast %add3A_1033 : i32 to index
        %get3A_1085 = arith.constant 80 : index
        %get3A_1086 = tpu.vector_load %arg10[%get3A_1084, %get3A_1085] {strides = array<i32>} : memref<80x128xf32, #tpu.memory_space<vmem>>, vector<1x16xf32>,
        %get3A_1087 = vector.shape_cast %get3A_1086 : vector<1x16xf32> to vector<16xf32>
        %mul3A_1088 = arith.mulf %get3A_1087, %gather3A_1029 : vector<16xf32>
        %swap3A_1089 = arith.index_cast %add3A_1033 : i32 to index
        %swap3A_1090 = arith.constant 80 : index
        %swap3A_1091 = tpu.vector_load %arg10[%swap3A_1089, %swap3A_1090] {strides = array<i32>} : memref<80x128xf32, #tpu.memory_space<vmem>>, vector<1x16xf32>,
        %swap3A_1092 = vector.shape_cast %swap3A_1091 : vector<1x16xf32> to vector<16xf32>
        %swap3A_1093 = vector.shape_cast %mul3A_1088 : vector<16xf32> to vector<1x16xf32>
        tpu.vector_store %arg10[%swap3A_1089, %swap3A_1090], %swap3A_1093 {strides = array<i32>} : memref<80x128xf32, #tpu.memory_space<vmem>>, vector<1x16xf32>,
        %get3A_1094 = arith.index_cast %add3A_1033 : i32 to index
        %get3A_1095 = arith.constant 96 : index
        %get3A_1096 = tpu.vector_load %arg10[%get3A_1094, %get3A_1095] {strides = array<i32>} : memref<80x128xf32, #tpu.memory_space<vmem>>, vector<1x16xf32>,
        %get3A_1097 = vector.shape_cast %get3A_1096 : vector<1x16xf32> to vector<16xf32>
        %mul3A_1098 = arith.mulf %get3A_1097, %gather3A_1029 : vector<16xf32>
        %swap3A_1099 = arith.index_cast %add3A_1033 : i32 to index
        %swap3A_1100 = arith.constant 96 : index
        %swap3A_1101 = tpu.vector_load %arg10[%swap3A_1099, %swap3A_1100] {strides = array<i32>} : memref<80x128xf32, #tpu.memory_space<vmem>>, vector<1x16xf32>,
        %swap3A_1102 = vector.shape_cast %swap3A_1101 : vector<1x16xf32> to vector<16xf32>
        %swap3A_1103 = vector.shape_cast %mul3A_1098 : vector<16xf32> to vector<1x16xf32>
        tpu.vector_store %arg10[%swap3A_1099, %swap3A_1100], %swap3A_1103 {strides = array<i32>} : memref<80x128xf32, #tpu.memory_space<vmem>>, vector<1x16xf32>,
        %get3A_1104 = arith.index_cast %add3A_1033 : i32 to index
        %get3A_1105 = arith.constant 112 : index
        %get3A_1106 = tpu.vector_load %arg10[%get3A_1104, %get3A_1105] {strides = array<i32>} : memref<80x128xf32, #tpu.memory_space<vmem>>, vector<1x16xf32>,
        %get3A_1107 = vector.shape_cast %get3A_1106 : vector<1x16xf32> to vector<16xf32>
        %mul3A_1108 = arith.mulf %get3A_1107, %gather3A_1029 : vector<16xf32>
        %swap3A_1109 = arith.index_cast %add3A_1033 : i32 to index
        %swap3A_1110 = arith.constant 112 : index
        %swap3A_1111 = tpu.vector_load %arg10[%swap3A_1109, %swap3A_1110] {strides = array<i32>} : memref<80x128xf32, #tpu.memory_space<vmem>>, vector<1x16xf32>,
        %swap3A_1112 = vector.shape_cast %swap3A_1111 : vector<1x16xf32> to vector<16xf32>
        %swap3A_1113 = vector.shape_cast %mul3A_1108 : vector<16xf32> to vector<1x16xf32>
        tpu.vector_store %arg10[%swap3A_1109, %swap3A_1110], %swap3A_1113 {strides = array<i32>} : memref<80x128xf32, #tpu.memory_space<vmem>>, vector<1x16xf32>,
        %broadcast_in_dim3A_1114 = arith.constant 12 : i32
        %broadcast_in_dim3A_1115 = vector.broadcast %broadcast_in_dim3A_1114 : i32 to vector<16x1xi32>
        %gather3A_1116 = vector.shape_cast %broadcast_in_dim3A_1115 : vector<16x1xi32> to vector<16xi32>
        %gather3A_1117 = tpu.dynamic_gather %get3A_59[%gather3A_1116] in [0] : vector<16xf32>, vector<16xi32> -> vector<16xf32>
        %mul3A_1118 = arith.constant 16 : i32
        %mul3A_1119 = arith.muli %scan3A_55, %mul3A_1118 : i32
        %add3A_1120 = arith.constant 12 : i32
        %add3A_1121 = arith.addi %mul3A_1119, %add3A_1120 : i32
        %get3A_1122 = arith.index_cast %add3A_1121 : i32 to index
        %get3A_1123 = arith.constant 0 : index
        %get3A_1124 = tpu.vector_load %arg10[%get3A_1122, %get3A_1123] {strides = array<i32>} : memref<80x128xf32, #tpu.memory_space<vmem>>, vector<1x16xf32>,
        %get3A_1125 = vector.shape_cast %get3A_1124 : vector<1x16xf32> to vector<16xf32>
        %mul3A_1126 = arith.mulf %get3A_1125, %gather3A_1117 : vector<16xf32>
        %swap3A_1127 = arith.index_cast %add3A_1121 : i32 to index
        %swap3A_1128 = arith.constant 0 : index
        %swap3A_1129 = tpu.vector_load %arg10[%swap3A_1127, %swap3A_1128] {strides = array<i32>} : memref<80x128xf32, #tpu.memory_space<vmem>>, vector<1x16xf32>,
        %swap3A_1130 = vector.shape_cast %swap3A_1129 : vector<1x16xf32> to vector<16xf32>
        %swap3A_1131 = vector.shape_cast %mul3A_1126 : vector<16xf32> to vector<1x16xf32>
        tpu.vector_store %arg10[%swap3A_1127, %swap3A_1128], %swap3A_1131 {strides = array<i32>} : memref<80x128xf32, #tpu.memory_space<vmem>>, vector<1x16xf32>,
        %get3A_1132 = arith.index_cast %add3A_1121 : i32 to index
        %get3A_1133 = arith.constant 16 : index
        %get3A_1134 = tpu.vector_load %arg10[%get3A_1132, %get3A_1133] {strides = array<i32>} : memref<80x128xf32, #tpu.memory_space<vmem>>, vector<1x16xf32>,
        %get3A_1135 = vector.shape_cast %get3A_1134 : vector<1x16xf32> to vector<16xf32>
        %mul3A_1136 = arith.mulf %get3A_1135, %gather3A_1117 : vector<16xf32>
        %swap3A_1137 = arith.index_cast %add3A_1121 : i32 to index
        %swap3A_1138 = arith.constant 16 : index
        %swap3A_1139 = tpu.vector_load %arg10[%swap3A_1137, %swap3A_1138] {strides = array<i32>} : memref<80x128xf32, #tpu.memory_space<vmem>>, vector<1x16xf32>,
        %swap3A_1140 = vector.shape_cast %swap3A_1139 : vector<1x16xf32> to vector<16xf32>
        %swap3A_1141 = vector.shape_cast %mul3A_1136 : vector<16xf32> to vector<1x16xf32>
        tpu.vector_store %arg10[%swap3A_1137, %swap3A_1138], %swap3A_1141 {strides = array<i32>} : memref<80x128xf32, #tpu.memory_space<vmem>>, vector<1x16xf32>,
        %get3A_1142 = arith.index_cast %add3A_1121 : i32 to index
        %get3A_1143 = arith.constant 32 : index
        %get3A_1144 = tpu.vector_load %arg10[%get3A_1142, %get3A_1143] {strides = array<i32>} : memref<80x128xf32, #tpu.memory_space<vmem>>, vector<1x16xf32>,
        %get3A_1145 = vector.shape_cast %get3A_1144 : vector<1x16xf32> to vector<16xf32>
        %mul3A_1146 = arith.mulf %get3A_1145, %gather3A_1117 : vector<16xf32>
        %swap3A_1147 = arith.index_cast %add3A_1121 : i32 to index
        %swap3A_1148 = arith.constant 32 : index
        %swap3A_1149 = tpu.vector_load %arg10[%swap3A_1147, %swap3A_1148] {strides = array<i32>} : memref<80x128xf32, #tpu.memory_space<vmem>>, vector<1x16xf32>,
        %swap3A_1150 = vector.shape_cast %swap3A_1149 : vector<1x16xf32> to vector<16xf32>
        %swap3A_1151 = vector.shape_cast %mul3A_1146 : vector<16xf32> to vector<1x16xf32>
        tpu.vector_store %arg10[%swap3A_1147, %swap3A_1148], %swap3A_1151 {strides = array<i32>} : memref<80x128xf32, #tpu.memory_space<vmem>>, vector<1x16xf32>,
        %get3A_1152 = arith.index_cast %add3A_1121 : i32 to index
        %get3A_1153 = arith.constant 48 : index
        %get3A_1154 = tpu.vector_load %arg10[%get3A_1152, %get3A_1153] {strides = array<i32>} : memref<80x128xf32, #tpu.memory_space<vmem>>, vector<1x16xf32>,
        %get3A_1155 = vector.shape_cast %get3A_1154 : vector<1x16xf32> to vector<16xf32>
        %mul3A_1156 = arith.mulf %get3A_1155, %gather3A_1117 : vector<16xf32>
        %swap3A_1157 = arith.index_cast %add3A_1121 : i32 to index
        %swap3A_1158 = arith.constant 48 : index
        %swap3A_1159 = tpu.vector_load %arg10[%swap3A_1157, %swap3A_1158] {strides = array<i32>} : memref<80x128xf32, #tpu.memory_space<vmem>>, vector<1x16xf32>,
        %swap3A_1160 = vector.shape_cast %swap3A_1159 : vector<1x16xf32> to vector<16xf32>
        %swap3A_1161 = vector.shape_cast %mul3A_1156 : vector<16xf32> to vector<1x16xf32>
        tpu.vector_store %arg10[%swap3A_1157, %swap3A_1158], %swap3A_1161 {strides = array<i32>} : memref<80x128xf32, #tpu.memory_space<vmem>>, vector<1x16xf32>,
        %get3A_1162 = arith.index_cast %add3A_1121 : i32 to index
        %get3A_1163 = arith.constant 64 : index
        %get3A_1164 = tpu.vector_load %arg10[%get3A_1162, %get3A_1163] {strides = array<i32>} : memref<80x128xf32, #tpu.memory_space<vmem>>, vector<1x16xf32>,
        %get3A_1165 = vector.shape_cast %get3A_1164 : vector<1x16xf32> to vector<16xf32>
        %mul3A_1166 = arith.mulf %get3A_1165, %gather3A_1117 : vector<16xf32>
        %swap3A_1167 = arith.index_cast %add3A_1121 : i32 to index
        %swap3A_1168 = arith.constant 64 : index
        %swap3A_1169 = tpu.vector_load %arg10[%swap3A_1167, %swap3A_1168] {strides = array<i32>} : memref<80x128xf32, #tpu.memory_space<vmem>>, vector<1x16xf32>,
        %swap3A_1170 = vector.shape_cast %swap3A_1169 : vector<1x16xf32> to vector<16xf32>
        %swap3A_1171 = vector.shape_cast %mul3A_1166 : vector<16xf32> to vector<1x16xf32>
        tpu.vector_store %arg10[%swap3A_1167, %swap3A_1168], %swap3A_1171 {strides = array<i32>} : memref<80x128xf32, #tpu.memory_space<vmem>>, vector<1x16xf32>,
        %get3A_1172 = arith.index_cast %add3A_1121 : i32 to index
        %get3A_1173 = arith.constant 80 : index
        %get3A_1174 = tpu.vector_load %arg10[%get3A_1172, %get3A_1173] {strides = array<i32>} : memref<80x128xf32, #tpu.memory_space<vmem>>, vector<1x16xf32>,
        %get3A_1175 = vector.shape_cast %get3A_1174 : vector<1x16xf32> to vector<16xf32>
        %mul3A_1176 = arith.mulf %get3A_1175, %gather3A_1117 : vector<16xf32>
        %swap3A_1177 = arith.index_cast %add3A_1121 : i32 to index
        %swap3A_1178 = arith.constant 80 : index
        %swap3A_1179 = tpu.vector_load %arg10[%swap3A_1177, %swap3A_1178] {strides = array<i32>} : memref<80x128xf32, #tpu.memory_space<vmem>>, vector<1x16xf32>,
        %swap3A_1180 = vector.shape_cast %swap3A_1179 : vector<1x16xf32> to vector<16xf32>
        %swap3A_1181 = vector.shape_cast %mul3A_1176 : vector<16xf32> to vector<1x16xf32>
        tpu.vector_store %arg10[%swap3A_1177, %swap3A_1178], %swap3A_1181 {strides = array<i32>} : memref<80x128xf32, #tpu.memory_space<vmem>>, vector<1x16xf32>,
        %get3A_1182 = arith.index_cast %add3A_1121 : i32 to index
        %get3A_1183 = arith.constant 96 : index
        %get3A_1184 = tpu.vector_load %arg10[%get3A_1182, %get3A_1183] {strides = array<i32>} : memref<80x128xf32, #tpu.memory_space<vmem>>, vector<1x16xf32>,
        %get3A_1185 = vector.shape_cast %get3A_1184 : vector<1x16xf32> to vector<16xf32>
        %mul3A_1186 = arith.mulf %get3A_1185, %gather3A_1117 : vector<16xf32>
        %swap3A_1187 = arith.index_cast %add3A_1121 : i32 to index
        %swap3A_1188 = arith.constant 96 : index
        %swap3A_1189 = tpu.vector_load %arg10[%swap3A_1187, %swap3A_1188] {strides = array<i32>} : memref<80x128xf32, #tpu.memory_space<vmem>>, vector<1x16xf32>,
        %swap3A_1190 = vector.shape_cast %swap3A_1189 : vector<1x16xf32> to vector<16xf32>
        %swap3A_1191 = vector.shape_cast %mul3A_1186 : vector<16xf32> to vector<1x16xf32>
        tpu.vector_store %arg10[%swap3A_1187, %swap3A_1188], %swap3A_1191 {strides = array<i32>} : memref<80x128xf32, #tpu.memory_space<vmem>>, vector<1x16xf32>,
        %get3A_1192 = arith.index_cast %add3A_1121 : i32 to index
        %get3A_1193 = arith.constant 112 : index
        %get3A_1194 = tpu.vector_load %arg10[%get3A_1192, %get3A_1193] {strides = array<i32>} : memref<80x128xf32, #tpu.memory_space<vmem>>, vector<1x16xf32>,
        %get3A_1195 = vector.shape_cast %get3A_1194 : vector<1x16xf32> to vector<16xf32>
        %mul3A_1196 = arith.mulf %get3A_1195, %gather3A_1117 : vector<16xf32>
        %swap3A_1197 = arith.index_cast %add3A_1121 : i32 to index
        %swap3A_1198 = arith.constant 112 : index
        %swap3A_1199 = tpu.vector_load %arg10[%swap3A_1197, %swap3A_1198] {strides = array<i32>} : memref<80x128xf32, #tpu.memory_space<vmem>>, vector<1x16xf32>,
        %swap3A_1200 = vector.shape_cast %swap3A_1199 : vector<1x16xf32> to vector<16xf32>
        %swap3A_1201 = vector.shape_cast %mul3A_1196 : vector<16xf32> to vector<1x16xf32>
        tpu.vector_store %arg10[%swap3A_1197, %swap3A_1198], %swap3A_1201 {strides = array<i32>} : memref<80x128xf32, #tpu.memory_space<vmem>>, vector<1x16xf32>,
        %broadcast_in_dim3A_1202 = arith.constant 13 : i32
        %broadcast_in_dim3A_1203 = vector.broadcast %broadcast_in_dim3A_1202 : i32 to vector<16x1xi32>
        %gather3A_1204 = vector.shape_cast %broadcast_in_dim3A_1203 : vector<16x1xi32> to vector<16xi32>
        %gather3A_1205 = tpu.dynamic_gather %get3A_59[%gather3A_1204] in [0] : vector<16xf32>, vector<16xi32> -> vector<16xf32>
        %mul3A_1206 = arith.constant 16 : i32
        %mul3A_1207 = arith.muli %scan3A_55, %mul3A_1206 : i32
        %add3A_1208 = arith.constant 13 : i32
        %add3A_1209 = arith.addi %mul3A_1207, %add3A_1208 : i32
        %get3A_1210 = arith.index_cast %add3A_1209 : i32 to index
        %get3A_1211 = arith.constant 0 : index
        %get3A_1212 = tpu.vector_load %arg10[%get3A_1210, %get3A_1211] {strides = array<i32>} : memref<80x128xf32, #tpu.memory_space<vmem>>, vector<1x16xf32>,
        %get3A_1213 = vector.shape_cast %get3A_1212 : vector<1x16xf32> to vector<16xf32>
        %mul3A_1214 = arith.mulf %get3A_1213, %gather3A_1205 : vector<16xf32>
        %swap3A_1215 = arith.index_cast %add3A_1209 : i32 to index
        %swap3A_1216 = arith.constant 0 : index
        %swap3A_1217 = tpu.vector_load %arg10[%swap3A_1215, %swap3A_1216] {strides = array<i32>} : memref<80x128xf32, #tpu.memory_space<vmem>>, vector<1x16xf32>,
        %swap3A_1218 = vector.shape_cast %swap3A_1217 : vector<1x16xf32> to vector<16xf32>
        %swap3A_1219 = vector.shape_cast %mul3A_1214 : vector<16xf32> to vector<1x16xf32>
        tpu.vector_store %arg10[%swap3A_1215, %swap3A_1216], %swap3A_1219 {strides = array<i32>} : memref<80x128xf32, #tpu.memory_space<vmem>>, vector<1x16xf32>,
        %get3A_1220 = arith.index_cast %add3A_1209 : i32 to index
        %get3A_1221 = arith.constant 16 : index
        %get3A_1222 = tpu.vector_load %arg10[%get3A_1220, %get3A_1221] {strides = array<i32>} : memref<80x128xf32, #tpu.memory_space<vmem>>, vector<1x16xf32>,
        %get3A_1223 = vector.shape_cast %get3A_1222 : vector<1x16xf32> to vector<16xf32>
        %mul3A_1224 = arith.mulf %get3A_1223, %gather3A_1205 : vector<16xf32>
        %swap3A_1225 = arith.index_cast %add3A_1209 : i32 to index
        %swap3A_1226 = arith.constant 16 : index
        %swap3A_1227 = tpu.vector_load %arg10[%swap3A_1225, %swap3A_1226] {strides = array<i32>} : memref<80x128xf32, #tpu.memory_space<vmem>>, vector<1x16xf32>,
        %swap3A_1228 = vector.shape_cast %swap3A_1227 : vector<1x16xf32> to vector<16xf32>
        %swap3A_1229 = vector.shape_cast %mul3A_1224 : vector<16xf32> to vector<1x16xf32>
        tpu.vector_store %arg10[%swap3A_1225, %swap3A_1226], %swap3A_1229 {strides = array<i32>} : memref<80x128xf32, #tpu.memory_space<vmem>>, vector<1x16xf32>,
        %get3A_1230 = arith.index_cast %add3A_1209 : i32 to index
        %get3A_1231 = arith.constant 32 : index
        %get3A_1232 = tpu.vector_load %arg10[%get3A_1230, %get3A_1231] {strides = array<i32>} : memref<80x128xf32, #tpu.memory_space<vmem>>, vector<1x16xf32>,
        %get3A_1233 = vector.shape_cast %get3A_1232 : vector<1x16xf32> to vector<16xf32>
        %mul3A_1234 = arith.mulf %get3A_1233, %gather3A_1205 : vector<16xf32>
        %swap3A_1235 = arith.index_cast %add3A_1209 : i32 to index
        %swap3A_1236 = arith.constant 32 : index
        %swap3A_1237 = tpu.vector_load %arg10[%swap3A_1235, %swap3A_1236] {strides = array<i32>} : memref<80x128xf32, #tpu.memory_space<vmem>>, vector<1x16xf32>,
        %swap3A_1238 = vector.shape_cast %swap3A_1237 : vector<1x16xf32> to vector<16xf32>
        %swap3A_1239 = vector.shape_cast %mul3A_1234 : vector<16xf32> to vector<1x16xf32>
        tpu.vector_store %arg10[%swap3A_1235, %swap3A_1236], %swap3A_1239 {strides = array<i32>} : memref<80x128xf32, #tpu.memory_space<vmem>>, vector<1x16xf32>,
        %get3A_1240 = arith.index_cast %add3A_1209 : i32 to index
        %get3A_1241 = arith.constant 48 : index
        %get3A_1242 = tpu.vector_load %arg10[%get3A_1240, %get3A_1241] {strides = array<i32>} : memref<80x128xf32, #tpu.memory_space<vmem>>, vector<1x16xf32>,
        %get3A_1243 = vector.shape_cast %get3A_1242 : vector<1x16xf32> to vector<16xf32>
        %mul3A_1244 = arith.mulf %get3A_1243, %gather3A_1205 : vector<16xf32>
        %swap3A_1245 = arith.index_cast %add3A_1209 : i32 to index
        %swap3A_1246 = arith.constant 48 : index
        %swap3A_1247 = tpu.vector_load %arg10[%swap3A_1245, %swap3A_1246] {strides = array<i32>} : memref<80x128xf32, #tpu.memory_space<vmem>>, vector<1x16xf32>,
        %swap3A_1248 = vector.shape_cast %swap3A_1247 : vector<1x16xf32> to vector<16xf32>
        %swap3A_1249 = vector.shape_cast %mul3A_1244 : vector<16xf32> to vector<1x16xf32>
        tpu.vector_store %arg10[%swap3A_1245, %swap3A_1246], %swap3A_1249 {strides = array<i32>} : memref<80x128xf32, #tpu.memory_space<vmem>>, vector<1x16xf32>,
        %get3A_1250 = arith.index_cast %add3A_1209 : i32 to index
        %get3A_1251 = arith.constant 64 : index
        %get3A_1252 = tpu.vector_load %arg10[%get3A_1250, %get3A_1251] {strides = array<i32>} : memref<80x128xf32, #tpu.memory_space<vmem>>, vector<1x16xf32>,
        %get3A_1253 = vector.shape_cast %get3A_1252 : vector<1x16xf32> to vector<16xf32>
        %mul3A_1254 = arith.mulf %get3A_1253, %gather3A_1205 : vector<16xf32>
        %swap3A_1255 = arith.index_cast %add3A_1209 : i32 to index
        %swap3A_1256 = arith.constant 64 : index
        %swap3A_1257 = tpu.vector_load %arg10[%swap3A_1255, %swap3A_1256] {strides = array<i32>} : memref<80x128xf32, #tpu.memory_space<vmem>>, vector<1x16xf32>,
        %swap3A_1258 = vector.shape_cast %swap3A_1257 : vector<1x16xf32> to vector<16xf32>
        %swap3A_1259 = vector.shape_cast %mul3A_1254 : vector<16xf32> to vector<1x16xf32>
        tpu.vector_store %arg10[%swap3A_1255, %swap3A_1256], %swap3A_1259 {strides = array<i32>} : memref<80x128xf32, #tpu.memory_space<vmem>>, vector<1x16xf32>,
        %get3A_1260 = arith.index_cast %add3A_1209 : i32 to index
        %get3A_1261 = arith.constant 80 : index
        %get3A_1262 = tpu.vector_load %arg10[%get3A_1260, %get3A_1261] {strides = array<i32>} : memref<80x128xf32, #tpu.memory_space<vmem>>, vector<1x16xf32>,
        %get3A_1263 = vector.shape_cast %get3A_1262 : vector<1x16xf32> to vector<16xf32>
        %mul3A_1264 = arith.mulf %get3A_1263, %gather3A_1205 : vector<16xf32>
        %swap3A_1265 = arith.index_cast %add3A_1209 : i32 to index
        %swap3A_1266 = arith.constant 80 : index
        %swap3A_1267 = tpu.vector_load %arg10[%swap3A_1265, %swap3A_1266] {strides = array<i32>} : memref<80x128xf32, #tpu.memory_space<vmem>>, vector<1x16xf32>,
        %swap3A_1268 = vector.shape_cast %swap3A_1267 : vector<1x16xf32> to vector<16xf32>
        %swap3A_1269 = vector.shape_cast %mul3A_1264 : vector<16xf32> to vector<1x16xf32>
        tpu.vector_store %arg10[%swap3A_1265, %swap3A_1266], %swap3A_1269 {strides = array<i32>} : memref<80x128xf32, #tpu.memory_space<vmem>>, vector<1x16xf32>,
        %get3A_1270 = arith.index_cast %add3A_1209 : i32 to index
        %get3A_1271 = arith.constant 96 : index
        %get3A_1272 = tpu.vector_load %arg10[%get3A_1270, %get3A_1271] {strides = array<i32>} : memref<80x128xf32, #tpu.memory_space<vmem>>, vector<1x16xf32>,
        %get3A_1273 = vector.shape_cast %get3A_1272 : vector<1x16xf32> to vector<16xf32>
        %mul3A_1274 = arith.mulf %get3A_1273, %gather3A_1205 : vector<16xf32>
        %swap3A_1275 = arith.index_cast %add3A_1209 : i32 to index
        %swap3A_1276 = arith.constant 96 : index
        %swap3A_1277 = tpu.vector_load %arg10[%swap3A_1275, %swap3A_1276] {strides = array<i32>} : memref<80x128xf32, #tpu.memory_space<vmem>>, vector<1x16xf32>,
        %swap3A_1278 = vector.shape_cast %swap3A_1277 : vector<1x16xf32> to vector<16xf32>
        %swap3A_1279 = vector.shape_cast %mul3A_1274 : vector<16xf32> to vector<1x16xf32>
        tpu.vector_store %arg10[%swap3A_1275, %swap3A_1276], %swap3A_1279 {strides = array<i32>} : memref<80x128xf32, #tpu.memory_space<vmem>>, vector<1x16xf32>,
        %get3A_1280 = arith.index_cast %add3A_1209 : i32 to index
        %get3A_1281 = arith.constant 112 : index
        %get3A_1282 = tpu.vector_load %arg10[%get3A_1280, %get3A_1281] {strides = array<i32>} : memref<80x128xf32, #tpu.memory_space<vmem>>, vector<1x16xf32>,
        %get3A_1283 = vector.shape_cast %get3A_1282 : vector<1x16xf32> to vector<16xf32>
        %mul3A_1284 = arith.mulf %get3A_1283, %gather3A_1205 : vector<16xf32>
        %swap3A_1285 = arith.index_cast %add3A_1209 : i32 to index
        %swap3A_1286 = arith.constant 112 : index
        %swap3A_1287 = tpu.vector_load %arg10[%swap3A_1285, %swap3A_1286] {strides = array<i32>} : memref<80x128xf32, #tpu.memory_space<vmem>>, vector<1x16xf32>,
        %swap3A_1288 = vector.shape_cast %swap3A_1287 : vector<1x16xf32> to vector<16xf32>
        %swap3A_1289 = vector.shape_cast %mul3A_1284 : vector<16xf32> to vector<1x16xf32>
        tpu.vector_store %arg10[%swap3A_1285, %swap3A_1286], %swap3A_1289 {strides = array<i32>} : memref<80x128xf32, #tpu.memory_space<vmem>>, vector<1x16xf32>,
        %broadcast_in_dim3A_1290 = arith.constant 14 : i32
        %broadcast_in_dim3A_1291 = vector.broadcast %broadcast_in_dim3A_1290 : i32 to vector<16x1xi32>
        %gather3A_1292 = vector.shape_cast %broadcast_in_dim3A_1291 : vector<16x1xi32> to vector<16xi32>
        %gather3A_1293 = tpu.dynamic_gather %get3A_59[%gather3A_1292] in [0] : vector<16xf32>, vector<16xi32> -> vector<16xf32>
        %mul3A_1294 = arith.constant 16 : i32
        %mul3A_1295 = arith.muli %scan3A_55, %mul3A_1294 : i32
        %add3A_1296 = arith.constant 14 : i32
        %add3A_1297 = arith.addi %mul3A_1295, %add3A_1296 : i32
        %get3A_1298 = arith.index_cast %add3A_1297 : i32 to index
        %get3A_1299 = arith.constant 0 : index
        %get3A_1300 = tpu.vector_load %arg10[%get3A_1298, %get3A_1299] {strides = array<i32>} : memref<80x128xf32, #tpu.memory_space<vmem>>, vector<1x16xf32>,
        %get3A_1301 = vector.shape_cast %get3A_1300 : vector<1x16xf32> to vector<16xf32>
        %mul3A_1302 = arith.mulf %get3A_1301, %gather3A_1293 : vector<16xf32>
        %swap3A_1303 = arith.index_cast %add3A_1297 : i32 to index
        %swap3A_1304 = arith.constant 0 : index
        %swap3A_1305 = tpu.vector_load %arg10[%swap3A_1303, %swap3A_1304] {strides = array<i32>} : memref<80x128xf32, #tpu.memory_space<vmem>>, vector<1x16xf32>,
        %swap3A_1306 = vector.shape_cast %swap3A_1305 : vector<1x16xf32> to vector<16xf32>
        %swap3A_1307 = vector.shape_cast %mul3A_1302 : vector<16xf32> to vector<1x16xf32>
        tpu.vector_store %arg10[%swap3A_1303, %swap3A_1304], %swap3A_1307 {strides = array<i32>} : memref<80x128xf32, #tpu.memory_space<vmem>>, vector<1x16xf32>,
        %get3A_1308 = arith.index_cast %add3A_1297 : i32 to index
        %get3A_1309 = arith.constant 16 : index
        %get3A_1310 = tpu.vector_load %arg10[%get3A_1308, %get3A_1309] {strides = array<i32>} : memref<80x128xf32, #tpu.memory_space<vmem>>, vector<1x16xf32>,
        %get3A_1311 = vector.shape_cast %get3A_1310 : vector<1x16xf32> to vector<16xf32>
        %mul3A_1312 = arith.mulf %get3A_1311, %gather3A_1293 : vector<16xf32>
        %swap3A_1313 = arith.index_cast %add3A_1297 : i32 to index
        %swap3A_1314 = arith.constant 16 : index
        %swap3A_1315 = tpu.vector_load %arg10[%swap3A_1313, %swap3A_1314] {strides = array<i32>} : memref<80x128xf32, #tpu.memory_space<vmem>>, vector<1x16xf32>,
        %swap3A_1316 = vector.shape_cast %swap3A_1315 : vector<1x16xf32> to vector<16xf32>
        %swap3A_1317 = vector.shape_cast %mul3A_1312 : vector<16xf32> to vector<1x16xf32>
        tpu.vector_store %arg10[%swap3A_1313, %swap3A_1314], %swap3A_1317 {strides = array<i32>} : memref<80x128xf32, #tpu.memory_space<vmem>>, vector<1x16xf32>,
        %get3A_1318 = arith.index_cast %add3A_1297 : i32 to index
        %get3A_1319 = arith.constant 32 : index
        %get3A_1320 = tpu.vector_load %arg10[%get3A_1318, %get3A_1319] {strides = array<i32>} : memref<80x128xf32, #tpu.memory_space<vmem>>, vector<1x16xf32>,
        %get3A_1321 = vector.shape_cast %get3A_1320 : vector<1x16xf32> to vector<16xf32>
        %mul3A_1322 = arith.mulf %get3A_1321, %gather3A_1293 : vector<16xf32>
        %swap3A_1323 = arith.index_cast %add3A_1297 : i32 to index
        %swap3A_1324 = arith.constant 32 : index
        %swap3A_1325 = tpu.vector_load %arg10[%swap3A_1323, %swap3A_1324] {strides = array<i32>} : memref<80x128xf32, #tpu.memory_space<vmem>>, vector<1x16xf32>,
        %swap3A_1326 = vector.shape_cast %swap3A_1325 : vector<1x16xf32> to vector<16xf32>
        %swap3A_1327 = vector.shape_cast %mul3A_1322 : vector<16xf32> to vector<1x16xf32>
        tpu.vector_store %arg10[%swap3A_1323, %swap3A_1324], %swap3A_1327 {strides = array<i32>} : memref<80x128xf32, #tpu.memory_space<vmem>>, vector<1x16xf32>,
        %get3A_1328 = arith.index_cast %add3A_1297 : i32 to index
        %get3A_1329 = arith.constant 48 : index
        %get3A_1330 = tpu.vector_load %arg10[%get3A_1328, %get3A_1329] {strides = array<i32>} : memref<80x128xf32, #tpu.memory_space<vmem>>, vector<1x16xf32>,
        %get3A_1331 = vector.shape_cast %get3A_1330 : vector<1x16xf32> to vector<16xf32>
        %mul3A_1332 = arith.mulf %get3A_1331, %gather3A_1293 : vector<16xf32>
        %swap3A_1333 = arith.index_cast %add3A_1297 : i32 to index
        %swap3A_1334 = arith.constant 48 : index
        %swap3A_1335 = tpu.vector_load %arg10[%swap3A_1333, %swap3A_1334] {strides = array<i32>} : memref<80x128xf32, #tpu.memory_space<vmem>>, vector<1x16xf32>,
        %swap3A_1336 = vector.shape_cast %swap3A_1335 : vector<1x16xf32> to vector<16xf32>
        %swap3A_1337 = vector.shape_cast %mul3A_1332 : vector<16xf32> to vector<1x16xf32>
        tpu.vector_store %arg10[%swap3A_1333, %swap3A_1334], %swap3A_1337 {strides = array<i32>} : memref<80x128xf32, #tpu.memory_space<vmem>>, vector<1x16xf32>,
        %get3A_1338 = arith.index_cast %add3A_1297 : i32 to index
        %get3A_1339 = arith.constant 64 : index
        %get3A_1340 = tpu.vector_load %arg10[%get3A_1338, %get3A_1339] {strides = array<i32>} : memref<80x128xf32, #tpu.memory_space<vmem>>, vector<1x16xf32>,
        %get3A_1341 = vector.shape_cast %get3A_1340 : vector<1x16xf32> to vector<16xf32>
        %mul3A_1342 = arith.mulf %get3A_1341, %gather3A_1293 : vector<16xf32>
        %swap3A_1343 = arith.index_cast %add3A_1297 : i32 to index
        %swap3A_1344 = arith.constant 64 : index
        %swap3A_1345 = tpu.vector_load %arg10[%swap3A_1343, %swap3A_1344] {strides = array<i32>} : memref<80x128xf32, #tpu.memory_space<vmem>>, vector<1x16xf32>,
        %swap3A_1346 = vector.shape_cast %swap3A_1345 : vector<1x16xf32> to vector<16xf32>
        %swap3A_1347 = vector.shape_cast %mul3A_1342 : vector<16xf32> to vector<1x16xf32>
        tpu.vector_store %arg10[%swap3A_1343, %swap3A_1344], %swap3A_1347 {strides = array<i32>} : memref<80x128xf32, #tpu.memory_space<vmem>>, vector<1x16xf32>,
        %get3A_1348 = arith.index_cast %add3A_1297 : i32 to index
        %get3A_1349 = arith.constant 80 : index
        %get3A_1350 = tpu.vector_load %arg10[%get3A_1348, %get3A_1349] {strides = array<i32>} : memref<80x128xf32, #tpu.memory_space<vmem>>, vector<1x16xf32>,
        %get3A_1351 = vector.shape_cast %get3A_1350 : vector<1x16xf32> to vector<16xf32>
        %mul3A_1352 = arith.mulf %get3A_1351, %gather3A_1293 : vector<16xf32>
        %swap3A_1353 = arith.index_cast %add3A_1297 : i32 to index
        %swap3A_1354 = arith.constant 80 : index
        %swap3A_1355 = tpu.vector_load %arg10[%swap3A_1353, %swap3A_1354] {strides = array<i32>} : memref<80x128xf32, #tpu.memory_space<vmem>>, vector<1x16xf32>,
        %swap3A_1356 = vector.shape_cast %swap3A_1355 : vector<1x16xf32> to vector<16xf32>
        %swap3A_1357 = vector.shape_cast %mul3A_1352 : vector<16xf32> to vector<1x16xf32>
        tpu.vector_store %arg10[%swap3A_1353, %swap3A_1354], %swap3A_1357 {strides = array<i32>} : memref<80x128xf32, #tpu.memory_space<vmem>>, vector<1x16xf32>,
        %get3A_1358 = arith.index_cast %add3A_1297 : i32 to index
        %get3A_1359 = arith.constant 96 : index
        %get3A_1360 = tpu.vector_load %arg10[%get3A_1358, %get3A_1359] {strides = array<i32>} : memref<80x128xf32, #tpu.memory_space<vmem>>, vector<1x16xf32>,
        %get3A_1361 = vector.shape_cast %get3A_1360 : vector<1x16xf32> to vector<16xf32>
        %mul3A_1362 = arith.mulf %get3A_1361, %gather3A_1293 : vector<16xf32>
        %swap3A_1363 = arith.index_cast %add3A_1297 : i32 to index
        %swap3A_1364 = arith.constant 96 : index
        %swap3A_1365 = tpu.vector_load %arg10[%swap3A_1363, %swap3A_1364] {strides = array<i32>} : memref<80x128xf32, #tpu.memory_space<vmem>>, vector<1x16xf32>,
        %swap3A_1366 = vector.shape_cast %swap3A_1365 : vector<1x16xf32> to vector<16xf32>
        %swap3A_1367 = vector.shape_cast %mul3A_1362 : vector<16xf32> to vector<1x16xf32>
        tpu.vector_store %arg10[%swap3A_1363, %swap3A_1364], %swap3A_1367 {strides = array<i32>} : memref<80x128xf32, #tpu.memory_space<vmem>>, vector<1x16xf32>,
        %get3A_1368 = arith.index_cast %add3A_1297 : i32 to index
        %get3A_1369 = arith.constant 112 : index
        %get3A_1370 = tpu.vector_load %arg10[%get3A_1368, %get3A_1369] {strides = array<i32>} : memref<80x128xf32, #tpu.memory_space<vmem>>, vector<1x16xf32>,
        %get3A_1371 = vector.shape_cast %get3A_1370 : vector<1x16xf32> to vector<16xf32>
        %mul3A_1372 = arith.mulf %get3A_1371, %gather3A_1293 : vector<16xf32>
        %swap3A_1373 = arith.index_cast %add3A_1297 : i32 to index
        %swap3A_1374 = arith.constant 112 : index
        %swap3A_1375 = tpu.vector_load %arg10[%swap3A_1373, %swap3A_1374] {strides = array<i32>} : memref<80x128xf32, #tpu.memory_space<vmem>>, vector<1x16xf32>,
        %swap3A_1376 = vector.shape_cast %swap3A_1375 : vector<1x16xf32> to vector<16xf32>
        %swap3A_1377 = vector.shape_cast %mul3A_1372 : vector<16xf32> to vector<1x16xf32>
        tpu.vector_store %arg10[%swap3A_1373, %swap3A_1374], %swap3A_1377 {strides = array<i32>} : memref<80x128xf32, #tpu.memory_space<vmem>>, vector<1x16xf32>,
        %broadcast_in_dim3A_1378 = arith.constant 15 : i32
        %broadcast_in_dim3A_1379 = vector.broadcast %broadcast_in_dim3A_1378 : i32 to vector<16x1xi32>
        %gather3A_1380 = vector.shape_cast %broadcast_in_dim3A_1379 : vector<16x1xi32> to vector<16xi32>
        %gather3A_1381 = tpu.dynamic_gather %get3A_59[%gather3A_1380] in [0] : vector<16xf32>, vector<16xi32> -> vector<16xf32>
        %mul3A_1382 = arith.constant 16 : i32
        %mul3A_1383 = arith.muli %scan3A_55, %mul3A_1382 : i32
        %add3A_1384 = arith.constant 15 : i32
        %add3A_1385 = arith.addi %mul3A_1383, %add3A_1384 : i32
        %get3A_1386 = arith.index_cast %add3A_1385 : i32 to index
        %get3A_1387 = arith.constant 0 : index
        %get3A_1388 = tpu.vector_load %arg10[%get3A_1386, %get3A_1387] {strides = array<i32>} : memref<80x128xf32, #tpu.memory_space<vmem>>, vector<1x16xf32>,
        %get3A_1389 = vector.shape_cast %get3A_1388 : vector<1x16xf32> to vector<16xf32>
        %mul3A_1390 = arith.mulf %get3A_1389, %gather3A_1381 : vector<16xf32>
        %swap3A_1391 = arith.index_cast %add3A_1385 : i32 to index
        %swap3A_1392 = arith.constant 0 : index
        %swap3A_1393 = tpu.vector_load %arg10[%swap3A_1391, %swap3A_1392] {strides = array<i32>} : memref<80x128xf32, #tpu.memory_space<vmem>>, vector<1x16xf32>,
        %swap3A_1394 = vector.shape_cast %swap3A_1393 : vector<1x16xf32> to vector<16xf32>
        %swap3A_1395 = vector.shape_cast %mul3A_1390 : vector<16xf32> to vector<1x16xf32>
        tpu.vector_store %arg10[%swap3A_1391, %swap3A_1392], %swap3A_1395 {strides = array<i32>} : memref<80x128xf32, #tpu.memory_space<vmem>>, vector<1x16xf32>,
        %get3A_1396 = arith.index_cast %add3A_1385 : i32 to index
        %get3A_1397 = arith.constant 16 : index
        %get3A_1398 = tpu.vector_load %arg10[%get3A_1396, %get3A_1397] {strides = array<i32>} : memref<80x128xf32, #tpu.memory_space<vmem>>, vector<1x16xf32>,
        %get3A_1399 = vector.shape_cast %get3A_1398 : vector<1x16xf32> to vector<16xf32>
        %mul3A_1400 = arith.mulf %get3A_1399, %gather3A_1381 : vector<16xf32>
        %swap3A_1401 = arith.index_cast %add3A_1385 : i32 to index
        %swap3A_1402 = arith.constant 16 : index
        %swap3A_1403 = tpu.vector_load %arg10[%swap3A_1401, %swap3A_1402] {strides = array<i32>} : memref<80x128xf32, #tpu.memory_space<vmem>>, vector<1x16xf32>,
        %swap3A_1404 = vector.shape_cast %swap3A_1403 : vector<1x16xf32> to vector<16xf32>
        %swap3A_1405 = vector.shape_cast %mul3A_1400 : vector<16xf32> to vector<1x16xf32>
        tpu.vector_store %arg10[%swap3A_1401, %swap3A_1402], %swap3A_1405 {strides = array<i32>} : memref<80x128xf32, #tpu.memory_space<vmem>>, vector<1x16xf32>,
        %get3A_1406 = arith.index_cast %add3A_1385 : i32 to index
        %get3A_1407 = arith.constant 32 : index
        %get3A_1408 = tpu.vector_load %arg10[%get3A_1406, %get3A_1407] {strides = array<i32>} : memref<80x128xf32, #tpu.memory_space<vmem>>, vector<1x16xf32>,
        %get3A_1409 = vector.shape_cast %get3A_1408 : vector<1x16xf32> to vector<16xf32>
        %mul3A_1410 = arith.mulf %get3A_1409, %gather3A_1381 : vector<16xf32>
        %swap3A_1411 = arith.index_cast %add3A_1385 : i32 to index
        %swap3A_1412 = arith.constant 32 : index
        %swap3A_1413 = tpu.vector_load %arg10[%swap3A_1411, %swap3A_1412] {strides = array<i32>} : memref<80x128xf32, #tpu.memory_space<vmem>>, vector<1x16xf32>,
        %swap3A_1414 = vector.shape_cast %swap3A_1413 : vector<1x16xf32> to vector<16xf32>
        %swap3A_1415 = vector.shape_cast %mul3A_1410 : vector<16xf32> to vector<1x16xf32>
        tpu.vector_store %arg10[%swap3A_1411, %swap3A_1412], %swap3A_1415 {strides = array<i32>} : memref<80x128xf32, #tpu.memory_space<vmem>>, vector<1x16xf32>,
        %get3A_1416 = arith.index_cast %add3A_1385 : i32 to index
        %get3A_1417 = arith.constant 48 : index
        %get3A_1418 = tpu.vector_load %arg10[%get3A_1416, %get3A_1417] {strides = array<i32>} : memref<80x128xf32, #tpu.memory_space<vmem>>, vector<1x16xf32>,
        %get3A_1419 = vector.shape_cast %get3A_1418 : vector<1x16xf32> to vector<16xf32>
        %mul3A_1420 = arith.mulf %get3A_1419, %gather3A_1381 : vector<16xf32>
        %swap3A_1421 = arith.index_cast %add3A_1385 : i32 to index
        %swap3A_1422 = arith.constant 48 : index
        %swap3A_1423 = tpu.vector_load %arg10[%swap3A_1421, %swap3A_1422] {strides = array<i32>} : memref<80x128xf32, #tpu.memory_space<vmem>>, vector<1x16xf32>,
        %swap3A_1424 = vector.shape_cast %swap3A_1423 : vector<1x16xf32> to vector<16xf32>
        %swap3A_1425 = vector.shape_cast %mul3A_1420 : vector<16xf32> to vector<1x16xf32>
        tpu.vector_store %arg10[%swap3A_1421, %swap3A_1422], %swap3A_1425 {strides = array<i32>} : memref<80x128xf32, #tpu.memory_space<vmem>>, vector<1x16xf32>,
        %get3A_1426 = arith.index_cast %add3A_1385 : i32 to index
        %get3A_1427 = arith.constant 64 : index
        %get3A_1428 = tpu.vector_load %arg10[%get3A_1426, %get3A_1427] {strides = array<i32>} : memref<80x128xf32, #tpu.memory_space<vmem>>, vector<1x16xf32>,
        %get3A_1429 = vector.shape_cast %get3A_1428 : vector<1x16xf32> to vector<16xf32>
        %mul3A_1430 = arith.mulf %get3A_1429, %gather3A_1381 : vector<16xf32>
        %swap3A_1431 = arith.index_cast %add3A_1385 : i32 to index
        %swap3A_1432 = arith.constant 64 : index
        %swap3A_1433 = tpu.vector_load %arg10[%swap3A_1431, %swap3A_1432] {strides = array<i32>} : memref<80x128xf32, #tpu.memory_space<vmem>>, vector<1x16xf32>,
        %swap3A_1434 = vector.shape_cast %swap3A_1433 : vector<1x16xf32> to vector<16xf32>
        %swap3A_1435 = vector.shape_cast %mul3A_1430 : vector<16xf32> to vector<1x16xf32>
        tpu.vector_store %arg10[%swap3A_1431, %swap3A_1432], %swap3A_1435 {strides = array<i32>} : memref<80x128xf32, #tpu.memory_space<vmem>>, vector<1x16xf32>,
        %get3A_1436 = arith.index_cast %add3A_1385 : i32 to index
        %get3A_1437 = arith.constant 80 : index
        %get3A_1438 = tpu.vector_load %arg10[%get3A_1436, %get3A_1437] {strides = array<i32>} : memref<80x128xf32, #tpu.memory_space<vmem>>, vector<1x16xf32>,
        %get3A_1439 = vector.shape_cast %get3A_1438 : vector<1x16xf32> to vector<16xf32>
        %mul3A_1440 = arith.mulf %get3A_1439, %gather3A_1381 : vector<16xf32>
        %swap3A_1441 = arith.index_cast %add3A_1385 : i32 to index
        %swap3A_1442 = arith.constant 80 : index
        %swap3A_1443 = tpu.vector_load %arg10[%swap3A_1441, %swap3A_1442] {strides = array<i32>} : memref<80x128xf32, #tpu.memory_space<vmem>>, vector<1x16xf32>,
        %swap3A_1444 = vector.shape_cast %swap3A_1443 : vector<1x16xf32> to vector<16xf32>
        %swap3A_1445 = vector.shape_cast %mul3A_1440 : vector<16xf32> to vector<1x16xf32>
        tpu.vector_store %arg10[%swap3A_1441, %swap3A_1442], %swap3A_1445 {strides = array<i32>} : memref<80x128xf32, #tpu.memory_space<vmem>>, vector<1x16xf32>,
        %get3A_1446 = arith.index_cast %add3A_1385 : i32 to index
        %get3A_1447 = arith.constant 96 : index
        %get3A_1448 = tpu.vector_load %arg10[%get3A_1446, %get3A_1447] {strides = array<i32>} : memref<80x128xf32, #tpu.memory_space<vmem>>, vector<1x16xf32>,
        %get3A_1449 = vector.shape_cast %get3A_1448 : vector<1x16xf32> to vector<16xf32>
        %mul3A_1450 = arith.mulf %get3A_1449, %gather3A_1381 : vector<16xf32>
        %swap3A_1451 = arith.index_cast %add3A_1385 : i32 to index
        %swap3A_1452 = arith.constant 96 : index
        %swap3A_1453 = tpu.vector_load %arg10[%swap3A_1451, %swap3A_1452] {strides = array<i32>} : memref<80x128xf32, #tpu.memory_space<vmem>>, vector<1x16xf32>,
        %swap3A_1454 = vector.shape_cast %swap3A_1453 : vector<1x16xf32> to vector<16xf32>
        %swap3A_1455 = vector.shape_cast %mul3A_1450 : vector<16xf32> to vector<1x16xf32>
        tpu.vector_store %arg10[%swap3A_1451, %swap3A_1452], %swap3A_1455 {strides = array<i32>} : memref<80x128xf32, #tpu.memory_space<vmem>>, vector<1x16xf32>,
        %get3A_1456 = arith.index_cast %add3A_1385 : i32 to index
        %get3A_1457 = arith.constant 112 : index
        %get3A_1458 = tpu.vector_load %arg10[%get3A_1456, %get3A_1457] {strides = array<i32>} : memref<80x128xf32, #tpu.memory_space<vmem>>, vector<1x16xf32>,
        %get3A_1459 = vector.shape_cast %get3A_1458 : vector<1x16xf32> to vector<16xf32>
        %mul3A_1460 = arith.mulf %get3A_1459, %gather3A_1381 : vector<16xf32>
        %swap3A_1461 = arith.index_cast %add3A_1385 : i32 to index
        %swap3A_1462 = arith.constant 112 : index
        %swap3A_1463 = tpu.vector_load %arg10[%swap3A_1461, %swap3A_1462] {strides = array<i32>} : memref<80x128xf32, #tpu.memory_space<vmem>>, vector<1x16xf32>,
        %swap3A_1464 = vector.shape_cast %swap3A_1463 : vector<1x16xf32> to vector<16xf32>
        %swap3A_1465 = vector.shape_cast %mul3A_1460 : vector<16xf32> to vector<1x16xf32>
        tpu.vector_store %arg10[%swap3A_1461, %swap3A_1462], %swap3A_1465 {strides = array<i32>} : memref<80x128xf32, #tpu.memory_space<vmem>>, vector<1x16xf32>,
      }
      %scan3A_54 = arith.constant 5 : i32
      "tpu.region"() ({
        %run_scoped3A = tpu.sem_alloc : memref<!tpu.dma_semaphore, #tpu.memory_space<semaphore_mem>>
        %dma_start3A_55 = arith.constant 0 : i32
        %dma_start3A_56 = arith.constant 0 : i32
        %dma_start3A_57 = tpu.memref_slice %arg12[%dma_start3A_55, %dma_start3A_56] : memref<10000x128xf32, #tpu.memory_space<vmem_shared>> -> memref<10000x128xf32, #tpu.memory_space<vmem_shared>>
        tpu.enqueue_indirect_dma source(%arg10 : memref<80x128xf32, #tpu.memory_space<vmem>>) target(%dma_start3A_57 : memref<10000x128xf32, #tpu.memory_space<vmem_shared>>) offsets(%arg8 : memref<80xi32, #tpu.memory_space<vmem>>) semaphore(%run_scoped3A : memref<!tpu.dma_semaphore, #tpu.memory_space<semaphore_mem>>) {add = true}
        %dma_wait3A_58 = arith.constant 0 : i32
        %dma_wait3A_59 = arith.constant 0 : i32
        %dma_wait3A_60 = tpu.memref_slice %arg12[%dma_wait3A_58, %dma_wait3A_59] : memref<10000x128xf32, #tpu.memory_space<vmem_shared>> -> memref<10000x128xf32, #tpu.memory_space<vmem_shared>>
        tpu.wait_indirect_dma semaphore(%run_scoped3A : memref<!tpu.dma_semaphore, #tpu.memory_space<semaphore_mem>>) src(%arg10 : memref<80x128xf32, #tpu.memory_space<vmem>>) dst(%dma_wait3A_60 : memref<10000x128xf32, #tpu.memory_space<vmem_shared>>)
        tpu.yield
      }) : () -> ()
    }
    %scan3A_34 = arith.constant 250 : i32
    %barrier3A_35 = arith.constant 0 : index
    tpu.barrier barrier_id(%barrier3A_35)
    "tpu.region"() ({
      %run_scoped3A = tpu.sem_alloc : memref<!tpu.dma_semaphore, #tpu.memory_space<semaphore_mem>>
      %dma_start3A = arith.constant 0 : i32
      %dma_start3A_41 = tpu.memref_slice %arg6[%arg0, %mul3A_6, %dma_start3A] : memref<2x10000x128xf32, #tpu.memory_space<hbm>> -> memref<1x624x128xf32, #tpu.memory_space<hbm>>
      %dma_start3A_42 = tpu.memref_squeeze %dma_start3A_41 : memref<1x624x128xf32, #tpu.memory_space<hbm>> -> memref<624x128xf32, #tpu.memory_space<hbm>>
      %dma_start3A_43 = arith.constant 0 : i32
      %dma_start3A_44 = tpu.memref_slice %arg12[%mul3A_6, %dma_start3A_43] : memref<10000x128xf32, #tpu.memory_space<vmem_shared>> -> memref<624x128xf32, #tpu.memory_space<vmem_shared>>
      tpu.enqueue_dma source(%dma_start3A_44 : memref<624x128xf32, #tpu.memory_space<vmem_shared>>) target(%dma_start3A_42 : memref<624x128xf32, #tpu.memory_space<hbm>>) target_semaphore(%run_scoped3A : memref<!tpu.dma_semaphore, #tpu.memory_space<semaphore_mem>>)
      %dma_wait3A = arith.constant 0 : i32
      %dma_wait3A_45 = tpu.memref_slice %arg6[%arg0, %mul3A_6, %dma_wait3A] : memref<2x10000x128xf32, #tpu.memory_space<hbm>> -> memref<1x624x128xf32, #tpu.memory_space<hbm>>
      %dma_wait3A_46 = tpu.memref_squeeze %dma_wait3A_45 : memref<1x624x128xf32, #tpu.memory_space<hbm>> -> memref<624x128xf32, #tpu.memory_space<hbm>>
      %dma_wait3A_47 = arith.constant 0 : i32
      %dma_wait3A_48 = tpu.memref_slice %arg12[%mul3A_6, %dma_wait3A_47] : memref<10000x128xf32, #tpu.memory_space<vmem_shared>> -> memref<624x128xf32, #tpu.memory_space<vmem_shared>>
      tpu.wait_dma2 semaphore(%run_scoped3A : memref<!tpu.dma_semaphore, #tpu.memory_space<semaphore_mem>>) src(%dma_wait3A_48 : memref<624x128xf32, #tpu.memory_space<vmem_shared>>) dst(%dma_wait3A_46 : memref<624x128xf32, #tpu.memory_space<hbm>>)
      tpu.yield
    }) : () -> ()
    %eq3A_36 = arith.constant 15 : i32
    %eq3A_37 = arith.cmpi eq, %arg1, %eq3A_36 : i32
    %convert_element_type3A_38 = arith.extui %eq3A_37 : i1 to i32
    %cond3A_39 = arith.constant 0 : i32
    %cond3A_40 = arith.cmpi ne, %convert_element_type3A_38, %cond3A_39 : i32
    scf.if %cond3A_40 {
      %add3A_41 = arith.constant 624 : i32
      %add3A_42 = arith.addi %mul3A_6, %add3A_41 : i32
      %add3A_43 = arith.constant 624 : i32
      %add3A_44 = arith.addi %mul3A_6, %add3A_43 : i32
      "tpu.region"() ({
        %run_scoped3A = tpu.sem_alloc : memref<!tpu.dma_semaphore, #tpu.memory_space<semaphore_mem>>
        %dma_start3A = arith.constant 0 : i32
        %dma_start3A_45 = tpu.memref_slice %arg6[%arg0, %add3A_44, %dma_start3A] : memref<2x10000x128xf32, #tpu.memory_space<hbm>> -> memref<1x16x128xf32, #tpu.memory_space<hbm>>
        %dma_start3A_46 = tpu.memref_squeeze %dma_start3A_45 : memref<1x16x128xf32, #tpu.memory_space<hbm>> -> memref<16x128xf32, #tpu.memory_space<hbm>>
        %dma_start3A_47 = arith.constant 0 : i32
        %dma_start3A_48 = tpu.memref_slice %arg12[%add3A_42, %dma_start3A_47] : memref<10000x128xf32, #tpu.memory_space<vmem_shared>> -> memref<16x128xf32, #tpu.memory_space<vmem_shared>>
        tpu.enqueue_dma source(%dma_start3A_48 : memref<16x128xf32, #tpu.memory_space<vmem_shared>>) target(%dma_start3A_46 : memref<16x128xf32, #tpu.memory_space<hbm>>) target_semaphore(%run_scoped3A : memref<!tpu.dma_semaphore, #tpu.memory_space<semaphore_mem>>)
        %dma_wait3A = arith.constant 0 : i32
        %dma_wait3A_49 = tpu.memref_slice %arg6[%arg0, %add3A_44, %dma_wait3A] : memref<2x10000x128xf32, #tpu.memory_space<hbm>> -> memref<1x16x128xf32, #tpu.memory_space<hbm>>
        %dma_wait3A_50 = tpu.memref_squeeze %dma_wait3A_49 : memref<1x16x128xf32, #tpu.memory_space<hbm>> -> memref<16x128xf32, #tpu.memory_space<hbm>>
        %dma_wait3A_51 = arith.constant 0 : i32
        %dma_wait3A_52 = tpu.memref_slice %arg12[%add3A_42, %dma_wait3A_51] : memref<10000x128xf32, #tpu.memory_space<vmem_shared>> -> memref<16x128xf32, #tpu.memory_space<vmem_shared>>
        tpu.wait_dma2 semaphore(%run_scoped3A : memref<!tpu.dma_semaphore, #tpu.memory_space<semaphore_mem>>) src(%dma_wait3A_52 : memref<16x128xf32, #tpu.memory_space<vmem_shared>>) dst(%dma_wait3A_50 : memref<16x128xf32, #tpu.memory_space<hbm>>)
        tpu.yield
      }) : () -> ()
    } else {
    }
    return
  }
}

module attributes {stable_mosaic.version = 14 : i64} {
  func.func @_mm_body(%arg0: i32, %arg1: memref<1000x128xf32, #tpu.memory_space<vmem>>, %arg2: memref<128x128xf32, #tpu.memory_space<vmem>>, %arg3: memref<128x128xf32, #tpu.memory_space<vmem>>, %arg4: memref<2x1000x128xf32, #tpu.memory_space<vmem>>) attributes {dimension_semantics = [#tpu.dimension_semantics<arbitrary>], iteration_bounds = array<i64: 10>, scalar_prefetch = 0 : i64, scratch_operands = 0 : i64, tpu.core_type = #tpu.core_type<tc>, window_params = [{transform_indices = @transform_0, window_bounds = array<i64: 1000, 128>}, {pipeline_mode = #tpu.pipeline_mode<synchronous>, transform_indices = @transform_1, window_bounds = array<i64: 128, 128>}, {pipeline_mode = #tpu.pipeline_mode<synchronous>, transform_indices = @transform_2, window_bounds = array<i64: 128, 128>}, {transform_indices = @transform_3, window_bounds = array<i64: 2, 1000, 128>}]} {
    %get3A = arith.constant 0 : index
    %get3A_0 = arith.constant 0 : index
    %get3A_1 = vector.load %arg1[%get3A, %get3A_0] : memref<1000x128xf32, #tpu.memory_space<vmem>>, vector<1000x128xf32>
    %get3A_2 = arith.constant 0 : index
    %get3A_3 = arith.constant 0 : index
    %get3A_4 = vector.load %arg2[%get3A_2, %get3A_3] : memref<128x128xf32, #tpu.memory_space<vmem>>, vector<128x128xf32>
    %dot_general3A = arith.constant dense<0.000000e+00> : vector<1000x128xf32>
    %dot_general3A_5 = tpu.matmul %get3A_1, %get3A_4, %dot_general3A {dimension_numbers = #tpu.dot_dimension_numbers<[1], [0], [0], [1], [0, 0, 1, 1], [], []>, transpose_lhs_hint = false} : vector<1000x128xf32>, vector<128x128xf32>, vector<1000x128xf32> -> vector<1000x128xf32>
    %swap3A = arith.constant 0 : index
    %swap3A_6 = arith.constant 0 : index
    %swap3A_7 = arith.constant 0 : index
    %swap3A_8 = vector.load %arg4[%swap3A, %swap3A_6, %swap3A_7] : memref<2x1000x128xf32, #tpu.memory_space<vmem>>, vector<1x1000x128xf32>
    %swap3A_9 = vector.shape_cast %swap3A_8 : vector<1x1000x128xf32> to vector<1000x128xf32>
    %swap3A_10 = vector.shape_cast %dot_general3A_5 : vector<1000x128xf32> to vector<1x1000x128xf32>
    tpu.vector_store %arg4[%swap3A, %swap3A_6, %swap3A_7], %swap3A_10 {strides = array<i32>} : memref<2x1000x128xf32, #tpu.memory_space<vmem>>, vector<1x1000x128xf32>,
    %get3A_11 = arith.constant 0 : index
    %get3A_12 = arith.constant 0 : index
    %get3A_13 = vector.load %arg3[%get3A_11, %get3A_12] : memref<128x128xf32, #tpu.memory_space<vmem>>, vector<128x128xf32>
    %dot_general3A_14 = arith.constant dense<0.000000e+00> : vector<1000x128xf32>
    %dot_general3A_15 = tpu.matmul %get3A_1, %get3A_13, %dot_general3A_14 {dimension_numbers = #tpu.dot_dimension_numbers<[1], [0], [0], [1], [0, 0, 1, 1], [], []>, transpose_lhs_hint = false} : vector<1000x128xf32>, vector<128x128xf32>, vector<1000x128xf32> -> vector<1000x128xf32>
    %swap3A_16 = arith.constant 1 : index
    %swap3A_17 = arith.constant 0 : index
    %swap3A_18 = arith.constant 0 : index
    %swap3A_19 = vector.load %arg4[%swap3A_16, %swap3A_17, %swap3A_18] : memref<2x1000x128xf32, #tpu.memory_space<vmem>>, vector<1x1000x128xf32>
    %swap3A_20 = vector.shape_cast %swap3A_19 : vector<1x1000x128xf32> to vector<1000x128xf32>
    %swap3A_21 = vector.shape_cast %dot_general3A_15 : vector<1000x128xf32> to vector<1x1000x128xf32>
    tpu.vector_store %arg4[%swap3A_16, %swap3A_17, %swap3A_18], %swap3A_21 {strides = array<i32>} : memref<2x1000x128xf32, #tpu.memory_space<vmem>>, vector<1x1000x128xf32>,
    return
  }
  func.func @transform_0(%arg0: i32) -> (i32, i32) {
    %c0_i32 = arith.constant 0 : i32
    %c0_i32_0 = arith.constant 0 : i32
    return %arg0, %c0_i32 : i32, i32
  }
  func.func @transform_1(%arg0: i32) -> (i32, i32) {
    %c0_i32 = arith.constant 0 : i32
    %c0_i32_0 = arith.constant 0 : i32
    %c0_i32_1 = arith.constant 0 : i32
    return %c0_i32, %c0_i32_0 : i32, i32
  }
  func.func @transform_2(%arg0: i32) -> (i32, i32) {
    %c0_i32 = arith.constant 0 : i32
    %c0_i32_0 = arith.constant 0 : i32
    %c0_i32_1 = arith.constant 0 : i32
    return %c0_i32, %c0_i32_0 : i32, i32
  }
  func.func @transform_3(%arg0: i32) -> (i32, i32, i32) {
    %c0_i32 = arith.constant 0 : i32
    %c0_i32_0 = arith.constant 0 : i32
    %c0_i32_1 = arith.constant 0 : i32
    return %c0_i32, %arg0, %c0_i32_0 : i32, i32, i32
  }
}

module attributes {stable_mosaic.version = 14 : i64} {
  func.func @_combine_body(%arg0: i32, %arg1: memref<1000x128xf32, #tpu.memory_space<vmem>>, %arg2: memref<1000x128xf32, #tpu.memory_space<vmem>>, %arg3: memref<1000x128xf32, #tpu.memory_space<vmem>>) attributes {dimension_semantics = [#tpu.dimension_semantics<arbitrary>], iteration_bounds = array<i64: 10>, scalar_prefetch = 0 : i64, scratch_operands = 0 : i64, tpu.core_type = #tpu.core_type<tc>, window_params = [{transform_indices = @transform_0, window_bounds = array<i64: 1000, 128>}, {transform_indices = @transform_1, window_bounds = array<i64: 1000, 128>}, {transform_indices = @transform_2, window_bounds = array<i64: 1000, 128>}]} {
    %get3A = arith.constant 0 : index
    %get3A_0 = arith.constant 0 : index
    %get3A_1 = vector.load %arg1[%get3A, %get3A_0] : memref<1000x128xf32, #tpu.memory_space<vmem>>, vector<1000x128xf32>
    %get3A_2 = arith.constant 0 : index
    %get3A_3 = arith.constant 0 : index
    %get3A_4 = vector.load %arg2[%get3A_2, %get3A_3] : memref<1000x128xf32, #tpu.memory_space<vmem>>, vector<1000x128xf32>
    %add3A = arith.addf %get3A_1, %get3A_4 : vector<1000x128xf32>
    %max3A = arith.constant 0.000000e+00 : f32
    %max3A_5 = vector.broadcast %max3A : f32 to vector<1000x128xf32>
    %max3A_6 = arith.maximumf %add3A, %max3A_5 : vector<1000x128xf32>
    %swap3A = arith.constant 0 : index
    %swap3A_7 = arith.constant 0 : index
    %swap3A_8 = vector.load %arg3[%swap3A, %swap3A_7] : memref<1000x128xf32, #tpu.memory_space<vmem>>, vector<1000x128xf32>
    tpu.vector_store %arg3[%swap3A, %swap3A_7], %max3A_6 {strides = array<i32>} : memref<1000x128xf32, #tpu.memory_space<vmem>>, vector<1000x128xf32>,
    return
  }
  func.func @transform_0(%arg0: i32) -> (i32, i32) {
    %c0_i32 = arith.constant 0 : i32
    %c0_i32_0 = arith.constant 0 : i32
    return %arg0, %c0_i32 : i32, i32
  }
  func.func @transform_1(%arg0: i32) -> (i32, i32) {
    %c0_i32 = arith.constant 0 : i32
    %c0_i32_0 = arith.constant 0 : i32
    return %arg0, %c0_i32 : i32, i32
  }
  func.func @transform_2(%arg0: i32) -> (i32, i32) {
    %c0_i32 = arith.constant 0 : i32
    %c0_i32_0 = arith.constant 0 : i32
    return %arg0, %c0_i32 : i32, i32
  }
}

</mosaic_0001>

<sc_bundles>
// kernel: kernel.5.cloned.1.call-start
scs
__scs_entry_jumppad:
0x0: {  	(pc) =	sbr.rel $0x88, $3  }
0x1: {  	(tag) =	ssettag $0x0;
	lr =	simm.s32 $0x1  }
0x2: {  	[smem:$0x3F9A] =	sst lr;
	_ =	strace $0xD0000000  }
0x3: {  	_ = 	snop  }
0x4: {  	_ = 	snop  }
0x5: {  	_ = 	snop  }
0x6: {  	_ = 	snop  }
0x7: {  	_ = 	snop  }
__scs_overlays_trampoline_lowered:
0x8: {  	[smem:$0x3FA9] =	sst s0  }
0x9: {  	[smem:$0x3FAA] =	sst s1  }
0xa: {  	[smem:$0x3FAB] =	sst s2  }
0xb: {  	[smem:$0x3FAC] =	sst s3  }
0xc: {  	[smem:$0x3FAD] =	sst s4  }
0xd: {  	[smem:$0x3FAE] =	sst s5  }
0xe: {  	[smem:$0x3FAF] =	sst s6  }
0xf: {  	[smem:$0x3FB0] =	sst s7  }
0x10: {  	[smem:$0x3FB1] =	sst s8  }
0x11: {  	[smem:$0x3FB2] =	sst s9;
	s0 =	simm.s32 @!p0 $0x0  }
0x12: {  	s1 =	sld [smem:$0x3F98];
	s0 =	simm.s32 @p0 $0x1  }
0x13: {  	[smem:$0x3FB3] =	sst s0;
	s0 =	simm.s32 @!p1 $0x0  }
0x14: {  	s2 =	sld [smem:$0x3F97];
	s0 =	simm.s32 @p1 $0x1  }
0x15: {  	[smem:$0x3FB4] =	sst s0;
	s0 =	simm.s32 @!p2 $0x0  }
0x16: {  	s3 =	sld [smem:$0x3FDB];
	s0 =	simm.s32 @p2 $0x1  }
0x17: {  	s4 =	simm.s32 $0x1BF5;
	[smem:$0x3FB6] =	sst s0  }
0x18: {  	s0 =	sld [smem:$0x3F99];
	_ =	swait.ge [sflag:s4], $0x0  }
0x19: {  	s7 =	sld [smem:$0x3F9A]  }
0x1a: {  	s8 =	sadd.s32 $0xFFFFE003, lr  }
0x1b: {  	s9 =	sadd.s32 $0xFFFFFEF7, lr;
	s5 =	simm.s32 $0xFFFFFFFF;
	p2 =	slt.u32 s8, $0xFFFFF086  }
0x1c: {  	p1 =	slt.u32 s9, $0xF7A;
	s5 =	simm.s32 @!p2 $0x0  }
0x1d: {  	s5 =	simm.s32 @p1 $0x1;
	p0 =	seq.s32 s7, s2  }
0x1e: {  	s7 =	smul.u32 @!p0 $0xF7A, s2;
	p2 =	seq.s32 @!p0 s5, $0x0  }
0x1f: {  	s9 =	smul.u32 $0xF7A, s1;
	s8 =	simm.s32 @!p0 $0x1BF5;
	p2 =	por !p2, p0  }
0x20: {  	[sflag:s8] =	ssyncset.s32 @!p0 $0xFFFFF086;
	s6 =	sadd.s32 @!p0 s3, s7;
	s7 =	simm.s32 @!p0 $0x108  }
0x21: {  	s3 =	sadd.s32 s3, s9;
	s6 =	sadd.s32 @!p0 $0x88, s6;
	s7 =	simm.s32 @p2 $0x1082  }
0x22: {  	[simem:s7], [sflag:s8] =	dma.local @!p0 [hbm:s6], $0xF7A  }
0x23: {  	s9 =	sor.u32 $0xD0000000, s2;
	s6 =	simm.s32 $0x108;
	_ =	swait.ge @!p0 [sflag:s8], $0x0  }
0x24: {  	s3 =	sadd.s32 $0x88, s3;
	s6 =	simm.s32 @!p1 $0x1082;
	[sflag:s4] =	ssyncset.s32 $0xFFFFF086  }
0x25: {  	[simem:s6], [sflag:s4] =	dma.local [hbm:s3], $0xF7A  }
0x26: {  	[smem:$0x3F9A] =	sst s1;
	(tag) =	ssettag s2;
	_ =	strace s9  }
0x27: {  	s1 =	sld [smem:$0x3FAA]  }
0x28: {  	s2 =	sld [smem:$0x3FAB]  }
0x29: {  	s4 =	sld [smem:$0x3FAD]  }
0x2a: {  	p0 =	seq.s32 s5, $0x0;
	s5 =	sld [smem:$0x3FAE]  }
0x2b: {  	s6 =	sld [smem:$0x3FAF]  }
0x2c: {  	s7 =	sld [smem:$0x3FB0]  }
0x2d: {  	s3 =	simm.s32 $0x108;
	s8 =	sld [smem:$0x3FB1]  }
0x2e: {  	s3 =	simm.s32 @!p0 $0x1082;
	s9 =	sld [smem:$0x3FB2]  }
0x2f: {  	lr =	sadd.s32 s0, s3;
	s0 =	sld [smem:$0x3FA9]  }
0x30: {  	s3 =	sld [smem:$0x3FAC]  }
0x31: {  	[smem:$0x3FB5] =	sst s10  }
0x32: {  	s10 =	sld [smem:$0x3FB3];
	_ =	sdelay $0x3  }
0x33: {  	p0 =	seq.s32 s10, $0x1;
	s10 =	sld [smem:$0x3FB5];
	_ =	sdelay $0x3  }
0x34: {  	[smem:$0x3FB5] =	sst s10  }
0x35: {  	s10 =	sld [smem:$0x3FB4];
	_ =	sdelay $0x3  }
0x36: {  	p1 =	seq.s32 s10, $0x1;
	s10 =	sld [smem:$0x3FB5];
	_ =	sdelay $0x3  }
0x37: {  	[smem:$0x3FB5] =	sst s10  }
0x38: {  	s10 =	sld [smem:$0x3FB6]  }
0x39: {  	_ = 	snop;
	(pc) =	sbr.ind lr, $3  }
0x3a: {  	_ = 	snop  }
0x3b: {  	_ = 	snop  }
0x3c: {  	p2 =	seq.s32 s10, $0x1;
	s10 =	sld [smem:$0x3FB5]  }
0x3d: {  	_ =	shalt  }
0x3e: {  	_ =	shalt  }
0x3f: {  	_ =	shalt  }
0x40: {  	_ =	shalt  }
0x41: {  	_ =	shalt  }
0x42: {  	_ =	shalt  }
0x43: {  	_ =	shalt  }
0x44: {  	_ =	shalt  }
0x45: {  	_ =	shalt  }
0x46: {  	_ =	shalt  }
0x47: {  	_ =	shalt  }
0x48: {  	_ =	shalt  }
0x49: {  	_ =	shalt  }
0x4a: {  	_ =	shalt  }
0x4b: {  	_ =	shalt  }
0x4c: {  	_ =	shalt  }
0x4d: {  	_ =	shalt  }
0x4e: {  	_ =	shalt  }
0x4f: {  	_ =	shalt  }
0x50: {  	_ =	shalt  }
0x51: {  	_ =	shalt  }
0x52: {  	_ =	shalt  }
0x53: {  	_ =	shalt  }
0x54: {  	_ =	shalt  }
0x55: {  	_ =	shalt  }
0x56: {  	_ =	shalt  }
0x57: {  	_ =	shalt  }
0x58: {  	_ =	shalt  }
0x59: {  	_ =	shalt  }
0x5a: {  	_ =	shalt  }
0x5b: {  	_ =	shalt  }
0x5c: {  	_ =	shalt  }
0x5d: {  	_ =	shalt  }
0x5e: {  	_ =	shalt  }
0x5f: {  	_ =	shalt  }
0x60: {  	_ =	shalt  }
0x61: {  	_ =	shalt  }
0x62: {  	_ =	shalt  }
0x63: {  	_ =	shalt  }
0x64: {  	_ =	shalt  }
0x65: {  	_ =	shalt  }
0x66: {  	_ =	shalt  }
0x67: {  	_ =	shalt  }
0x68: {  	_ =	shalt  }
0x69: {  	_ =	shalt  }
0x6a: {  	_ =	shalt  }
0x6b: {  	_ =	shalt  }
0x6c: {  	_ =	shalt  }
0x6d: {  	_ =	shalt  }
0x6e: {  	_ =	shalt  }
0x6f: {  	_ =	shalt  }
0x70: {  	_ =	shalt  }
0x71: {  	_ =	shalt  }
0x72: {  	_ =	shalt  }
0x73: {  	_ =	shalt  }
0x74: {  	_ =	shalt  }
0x75: {  	_ =	shalt  }
0x76: {  	_ =	shalt  }
0x77: {  	_ =	shalt  }
0x78: {  	_ =	shalt  }
0x79: {  	_ =	shalt  }
0x7a: {  	_ =	shalt  }
0x7b: {  	_ =	shalt  }
0x7c: {  	_ =	shalt  }
0x7d: {  	_ =	shalt  }
0x7e: {  	_ =	shalt  }
0x7f: {  	_ =	shalt  }
0x80: {  	_ =	shalt  }
0x81: {  	_ =	shalt  }
0x82: {  	_ =	shalt  }
0x83: {  	_ =	shalt  }
0x84: {  	_ =	shalt  }
0x85: {  	_ =	shalt  }
0x86: {  	_ =	shalt  }
0x87: {  	_ =	shalt  }
.Lfunc_end0:
.L_simem_size_0:
called_computation_lowered:
.L_overlay_start_0:
0x88: {  	s2 =	sld [smem:$0x3FD9]  }
0x89: {  	s3 =	sld [smem:$0x3FFE];
	_ =	sdelay $0x1  }
0x8a: {  	s1 =	srdreg.scid  }
0x8b: {  	s0 =	sand.u32 $0x1, s1  }
0x8c: {  	s17 =	sshll.u32 s0, $0xA;
	s2 =	sadd.s32 s3, s2  }
0x8d: {  	s2 =	sadd.s32 s2, s17  }
0x8e: {  	[smem:$0x3FC1] =	sst s2  }
0x8f: {  	_ = 	snop  }
0x90: {  	s2 =	sld [smem:$0x3FD0];
	(tm) =	ssettm $0x1  }
0x91: {  	s18 =	sld [smem:$0x3FFB];
	_ =	sdelay $0x3  }
0x92: {  	_ =	strace s18  }
0x93: {  	s3 =	sld [smem:$0x3FFC];
	_ =	sdelay $0x3  }
0x94: {  	_ =	strace s3  }
0x95: {  	s3 =	sld [smem:$0x3FFD];
	_ =	sdelay $0x3  }
0x96: {  	_ =	strace s3  }
0x97: {  	_ =	strace $0x8FFFFFFF  }
0x98: {  	s19 =	sld [smem:$0x3FDB];
	_ =	sdelay $0x1  }
0x99: {  	s4 =	simm.s32 $_scs_section_size  }
0x9a: {  	s5 =	simm.s32 $_size__tile_overlayer_lowered;
	s6 =	simm.s32 $_tile_overlayer_lowered  }
0x9b: {  	s22 =	simm.s32 $0x1BFF;
	s21 =	sshll.u32 s6, $0x1;
	s3 =	sadd.s32 s4, s19  }
0x9c: {  	s7 =	simm.s32 $0x0;
	s20 =	sshll.u32 s5, $0x1;
	s5 =	sadd.s32 s21, s3  }
0x9d: {  	[timem:s7], [sflag:s22] =	dma.local [hbm:s5], s20  }
0x9e: {  	_ =	swait.ge [sflag:s22], s20  }
0x9f: {  	s4 =	ssub.s32 $0x0, s20;
	[sflag:s22] =	ssyncset.done $0x0  }
0xa0: {  	[sflag:s22] =	ssyncadd.s32 s4;
	_ =	sdelay $0x1  }
0xa1: {  	s23 =	simm.s32 $0x1B8B  }
0xa2: {  	_ =	swait.ge [sflag:s23], $0x1  }
0xa3: {  	[sflag:s23] =	ssyncset.done $0x0  }
0xa4: {  	s25 =	simm.s32 $0x1B8E;
	s24 =	sld [smem:$0x3FFE];
	[sflag:s23] =	ssyncadd.s32 $0xFFFFFFFF  }
0xa5: {  	s26 =	simm.s32 $execute0_lowered;
	[smem:$0x3FD2] =	sst s25  }
0xa6: {  	s5 =	sshll.u32 s26, $0x1;
	_ =	strace $0x80000046;
	[dreg:$0x1] =	wrdreg $0xFFFFFFFF  }
0xa7: {  	s28 =	simm.s32 $_size_execute0_lowered;
	s3 =	sadd.s32 s3, s5;
	[dreg:$0x0] =	wrdreg $0x0  }
0xa8: {  	s5 =	sshll.u32 s28, $0x1;
	[dreg:$0x2] =	wrdreg s3  }
0xa9: {  	[dreg:$0x3] =	wrdreg s5  }
0xaa: {  	[dreg:$0x4] =	wrdreg $0xC0  }
0xab: {  	_ =	task [dreg:s7], $0x5FFFF  }
0xac: {  	[dreg:$0x1] =	wrdreg $0xFFFFFFFF  }
0xad: {  	[dreg:$0x0] =	wrdreg $0x60  }
0xae: {  	[dreg:$0x2] =	wrdreg s24  }
0xaf: {  	[dreg:$0x3] =	wrdreg s2  }
0xb0: {  	[dreg:$0x4] =	wrdreg $0x51800  }
0xb1: {  	[dreg:$0x5] =	wrdreg $0x9  }
0xb2: {  	_ =	task.clear_ibuf [dreg:s7], $0x6FFFF;
	_ =	strace $0x90000046  }
0xb3: {  	s29 =	simm.s32 $0x9;
	_ =	strace $0x80000048  }
0xb4: {  	_ =	swait.ge [sflag:s29], $0x1  }
0xb5: {  	[sflag:s29] =	ssyncadd.s32 $0xFFFFFFFF  }
0xb6: {  	_ =	strace $0x90000048  }
0xb7: {  	_ =	sfence  }
0xb8: {  	s30 =	sld [smem:$0x0];
	_ =	sdelay $0x2  }
0xb9: {  	s31 =	sshll.u32 s1, $0xD;
	s1 =	sshrl.u32 s1, $0x2  }
0xba: {  	s3 =	sand.u32 $0x4000, s31;
	s1 =	sadd.s32 s1, s30  }
0xbb: {  	s0 =	sor.u32 s3, s0;
	s1 =	sshll.u32 s1, $0x11  }
0xbc: {  	s0 =	sor.u32 s1, s0  }
0xbd: {  	s0 =	sadd.s32 $0x8F2B, s0  }
0xbe: {  	[sflag:s0] =	ssyncadd.remote.s32 $0x1  }
0xbf: {  	_ =	sfence.sel $0xFFFF  }
0xc0: {  	[dreg:$0x0] =	wrdreg $0xFFFFFFFF;
	(pc) =	sbr.abs _section_cstart, $3  }
0xc1: {  	[dreg:$0x1] =	wrdreg $0xFFFFFFFF  }
0xc2: {  	_ =	task.clear_ibuf [dreg:s7], $0x2FFFF;
	_ =	strace $0x9FFFFFFF  }
0xc3: {  	(tm) =	ssettm $0x7FFFFFFF  }
tec
execute0_lowered:
.L_overlay_start_1:
0x0: {  	(tag) =	ssettag $0x1  }
0x1: {  	s0 =	rddreg [dreg:$0x0]  }
0x2: {  	s1 =	rddreg [dreg:$0x1]  }
0x3: {  	s3 =	rddreg [dreg:$0x2]  }
0x4: {  	s4 =	simm.s32 $0x0;
	s21 =	stileid.u32;
	s2 =	srdreg.scid  }
0x5: {  	s22 =	simm.s32 $0x2;
	s23 =	simm.s32 $0x80;
	s24 =	simm.s32 $0x100  }
0x6: {  	s25 =	simm.s32 $0x50;
	s26 =	simm.s32 $0x180;
	s28 =	simm.s32 $0x1  }
0x7: {  	s29 =	simm.s32 $0x0;
	[smem:$0x7FF] =	sst s4;
	s8 =	smul.u32 $0x4E000, s21  }
0x8: {  	s5 =	sadd.s32 $0x14200, s0;
	s6 =	sadd.s32 $0x62400, s0;
	s2 =	sand.u32 $0x1, s2  }
0x9: {  	s7 =	sadd.s32 $0x800, s0;
	s0 =	sadd.s32 $0x75E00, s0;
	s18 =	smul.u32 $0x13800, s21  }
0xa: {  	s16 =	sadd.s32 $0x138000, s3;
	p0 =	sne.s32 s21, $0xF;
	_ =	strace $0x80000047  }
0xb: {  	s9 =	ssub.s32 $0x2, s2;
	s17 =	smul.u32 $0x138800, s2;
	s2 =	sshll.u32 s2, $0x4  }
0xc: {  	s8 =	sshrl.u32 s8, $0x2;
	s10 =	sshrl.u32 s9, $0x1;
	s2 =	sor.u32 s21, s2  }
0xd: {  	v0 =	vimm.f32 $0.0e+00;
	v1 =	vimm.s32 $0x0;
	s21 =	simm.s32 $0x2980;
	s8 =	sadd.s32 s8, s3;
	s20 =	ssub.s32 s9, s10  }
0xe: {  	v2 =	vimm.s32 $0x1;
	v3 =	vimm.s32 $0x2;
	v4 =	vimm.s32 $0x3;
	s18 =	sadd.s32 s18, s17;
	s19 =	sshrl.u32 s17, $0x3;
	s17 =	smul.u32 $0x4E20, s2  }
0xf: {  	v5 =	vimm.s32 $0x4;
	v6 =	vimm.s32 $0x5;
	v7 =	vimm.s32 $0x6;
	s9 =	sadd.s32 $0x2800, s8;
	s10 =	sadd.s32 $0x5000, s8;
	s11 =	sadd.s32 $0x7800, s8  }
0x10: {  	v8 =	vimm.s32 $0x7;
	v9 =	vimm.s32 $0x8;
	v10 =	vimm.s32 $0x9;
	s12 =	sadd.s32 $0xA000, s8;
	s13 =	sadd.s32 $0xC800, s8;
	s14 =	sadd.s32 $0xF000, s8  }
0x11: {  	v11 =	vimm.s32 $0xA;
	v12 =	vimm.s32 $0xB;
	v13 =	vimm.s32 $0xC;
	s15 =	sadd.s32 $0x11800, s8;
	s31 =	sshrl.u32 s18, $0x3;
	s19 =	sadd.s32 s0, s19  }
0x12: {  	v14 =	vimm.s32 $0xD;
	v15 =	vimm.s32 $0xE;
	v16 =	vimm.s32 $0xF;
	s20 =	smax.u32 s20, $0x1;
	s18 =	sadd.s32 s0, s31;
	s19 =	sadd.s32 $0x27000, s19  }
.LBB2_1:
0x13: {  	s0 =	sand.u32 $0xFE00, s4  }
0x14: {  	s2 =	sand.u32 $0x70, s4;
	s30 =	sshrl.u32 s0, $0x2  }
0x15: {  	s0 =	simm.s32 $0x40;
	s30 =	sor.u32 s2, s30;
	s2 =	simm.s32 $0x0  }
.LBB2_2:
0x16: {  	p1 =	sne.s32 s0, $0x9FC0  }
0x17: {  	[tilespmem:s30+$0x2980] =	vst v0;
	s2 =	sadd.s32 $0x10, s2;
	s30 =	smov.u32 s0;
	s0 =	sadd.s32 $0x40, s0  }
.Ltmp0:
0x18: {  	(pc) =	sbr.rel @p1 .LBB2_2-.Ltmp0, $4  }
0x19: {  	_ = 	snop  }
0x1a: {  	s30 =	sand.u32 $0xFE00, s30  }
0x1b: {  	s31 =	sand.u32 $0x70, s2;
	s30 =	sshrl.u32 s30, $0x2  }
0x1c: {  	s30 =	sor.u32 s31, s30  }
0x1d: {  	[tilespmem:s30+$0x2980] =	vst v0  }
0x1e: {  	[spmem:s8] =	stream.linear.scatter [tilespmem:s21], [sflag:$0x2], $0x2800, $0x38;
	[tilespmem:$0x18A00] =	vst v63  }
0x1f: {  	_ =	swait.ge [sflag:s22], $0x2800  }
0x20: {  	[sflag:s22] =	ssyncset.done $0x0  }
0x21: {  	[sflag:s22] =	ssyncadd.s32 $0xFFFFD800  }
0x22: {  	[spmem:s9] =	stream.linear.scatter [tilespmem:s21], [sflag:$0x2], $0x2800, $0x38;
	[tilespmem:$0x18A00] =	vst v63  }
0x23: {  	_ =	swait.ge [sflag:s22], $0x2800  }
0x24: {  	[sflag:s22] =	ssyncset.done $0x0  }
0x25: {  	[sflag:s22] =	ssyncadd.s32 $0xFFFFD800  }
0x26: {  	[spmem:s10] =	stream.linear.scatter [tilespmem:s21], [sflag:$0x2], $0x2800, $0x38;
	[tilespmem:$0x18A00] =	vst v63  }
0x27: {  	_ =	swait.ge [sflag:s22], $0x2800  }
0x28: {  	[sflag:s22] =	ssyncset.done $0x0  }
0x29: {  	[sflag:s22] =	ssyncadd.s32 $0xFFFFD800  }
0x2a: {  	[spmem:s11] =	stream.linear.scatter [tilespmem:s21], [sflag:$0x2], $0x2800, $0x38;
	[tilespmem:$0x18A00] =	vst v63  }
0x2b: {  	_ =	swait.ge [sflag:s22], $0x2800  }
0x2c: {  	[sflag:s22] =	ssyncset.done $0x0  }
0x2d: {  	[sflag:s22] =	ssyncadd.s32 $0xFFFFD800  }
0x2e: {  	[spmem:s12] =	stream.linear.scatter [tilespmem:s21], [sflag:$0x2], $0x2800, $0x38;
	[tilespmem:$0x18A00] =	vst v63  }
0x2f: {  	_ =	swait.ge [sflag:s22], $0x2800  }
0x30: {  	[sflag:s22] =	ssyncset.done $0x0  }
0x31: {  	[sflag:s22] =	ssyncadd.s32 $0xFFFFD800  }
0x32: {  	[spmem:s13] =	stream.linear.scatter [tilespmem:s21], [sflag:$0x2], $0x2800, $0x38;
	[tilespmem:$0x18A00] =	vst v63  }
0x33: {  	_ =	swait.ge [sflag:s22], $0x2800  }
0x34: {  	[sflag:s22] =	ssyncset.done $0x0  }
0x35: {  	[sflag:s22] =	ssyncadd.s32 $0xFFFFD800  }
0x36: {  	[spmem:s14] =	stream.linear.scatter [tilespmem:s21], [sflag:$0x2], $0x2800, $0x38;
	[tilespmem:$0x18A00] =	vst v63  }
0x37: {  	_ =	swait.ge [sflag:s22], $0x2800  }
0x38: {  	[sflag:s22] =	ssyncset.done $0x0  }
0x39: {  	[sflag:s22] =	ssyncadd.s32 $0xFFFFD800  }
0x3a: {  	[spmem:s15] =	stream.linear.scatter [tilespmem:s21], [sflag:$0x2], $0x2000, $0x38;
	[tilespmem:$0x18A00] =	vst v63  }
0x3b: {  	_ =	swait.ge [sflag:s22], $0x2000  }
0x3c: {  	[sflag:s22] =	ssyncset.done $0x0  }
0x3d: {  	s0 =	simm.s32 @!p0 $0x2980;
	[sflag:s22] =	ssyncadd.s32 $0xFFFFE000  }
0x3e: {  	[spmem:s16] =	stream.linear.scatter @!p0 [tilespmem:s0], [sflag:$0x2], $0x800, $0x38;
	[tilespmem:$0x18A00] =	vst v63  }
0x3f: {  	s0 =	simm.s32 @!p0 $0x2  }
0x40: {  	_ =	swait.ge @!p0 [sflag:s0], $0x800  }
0x41: {  	[sflag:s0] =	ssyncset.done @!p0 $0x0  }
0x42: {  	[sflag:s0] =	ssyncadd.s32 @!p0 $0xFFFFF800  }
0x43: {  	s30 =	simm.s32 $0x0;
	s31 =	simm.s32 $0x0;
	[bflag:$0x0] =	sbarrier.arrive $0xFFFF  }
.LBB2_4:
0x44: {  	s0 =	smul.u32 $0x50, s31;
	_ =	sdelay $0x1  }
0x45: {  	s0 =	sadd.s32 s17, s0  }
0x46: {  	s0 =	sshrl.u32 s0, $0x3  }
0x47: {  	s2 =	sadd.s32 s6, s0  }
0x48: {  	[tilespmem:s30], [sflag:$0x2] =	stream.linear.gather [hbm4b:s2+s30], $0x50, $0x38;
	[tilespmem:$0x18A00] =	vst v63  }
0x49: {  	_ =	swait.ge [sflag:s22], $0x50  }
0x4a: {  	[sflag:s22] =	ssyncset.done $0x0  }
0x4b: {  	s2 =	sadd.s32 s1, s0;
	[sflag:s22] =	ssyncadd.s32 $0xFFFFFFB0  }
0x4c: {  	[tilespmem:s23], [sflag:$0x2] =	stream.linear.gather [hbm4b:s2+s30], $0x50, $0x38;
	[tilespmem:$0x18A00] =	vst v63  }
0x4d: {  	_ =	swait.ge [sflag:s22], $0x50  }
0x4e: {  	[sflag:s22] =	ssyncset.done $0x0  }
0x4f: {  	s0 =	sadd.s32 s7, s0;
	[sflag:s22] =	ssyncadd.s32 $0xFFFFFFB0  }
0x50: {  	[tilespmem:s24], [sflag:$0x2] =	stream.linear.gather [hbm4b:s0+s30], $0x50, $0x38;
	[tilespmem:$0x18A00] =	vst v63  }
0x51: {  	_ =	swait.ge [sflag:s22], $0x50  }
0x52: {  	[sflag:s22] =	ssyncset.done $0x0  }
0x53: {  	[sflag:s22] =	ssyncadd.s32 $0xFFFFFFB0  }
0x54: {  	[tilespmem:s26], [sflag:$0x1] =	stream.indirect.gather [hbm4b:s5+s25], $0x80, s30, s25, $0xb8;
	[tilespmem:$0x18A00] =	vst v63  }
0x55: {  	_ =	swait.ge [sflag:s28], $0x2800  }
0x56: {  	[sflag:s28] =	ssyncset.done $0x0  }
0x57: {  	s0 =	simm.s32 $0x0;
	[sflag:s28] =	ssyncadd.s32 $0xFFFFD800  }
.LBB2_5:
0x58: {  	s2 =	sshll.u32 s0, $0x4  }
0x59: {  	s2 =	sand.u32 $0x3FFFFFF0, s2  }
0x5a: {  	v17 =	vld [tilespmem:s2+$0x100];
	s2 =	sshll.u32 s0, $0xB  }
0x5b: {  	s2 =	sand.u32 $0x3FFFF800, s2  }
0x5c: {  	v18 =	vld [tilespmem:s2+$0x180]  }
0x5d: {  	v19 =	vld [tilespmem:s2+$0x190]  }
0x5e: {  	v20 =	vld [tilespmem:s2+$0x1A0]  }
0x5f: {  	v22 =	vld [tilespmem:s2+$0x1B0];
	v21 =	vperm.xlane v17, v1  }
0x60: {  	v23 =	vld [tilespmem:s2+$0x1C0]  }
0x61: {  	v24 =	vld [tilespmem:s2+$0x1D0];
	v18 =	vmul.f32 v18, v21  }
0x62: {  	v25 =	vld [tilespmem:s2+$0x1E0];
	v19 =	vmul.f32 v19, v21  }
0x63: {  	v38 =	vld [tilespmem:s2+$0x1F0];
	[tilespmem:s2+$0x180] =	vst v18;
	v18 =	vmul.f32 v20, v21  }
0x64: {  	v39 =	vld [tilespmem:s2+$0x200];
	[tilespmem:s2+$0x190] =	vst v19;
	v19 =	vmul.f32 v22, v21  }
0x65: {  	v40 =	vld [tilespmem:s2+$0x210];
	[tilespmem:s2+$0x1A0] =	vst v18;
	v18 =	vmul.f32 v23, v21  }
0x66: {  	v41 =	vld [tilespmem:s2+$0x220];
	[tilespmem:s2+$0x1B0] =	vst v19;
	v19 =	vmul.f32 v24, v21  }
0x67: {  	v26 =	vld [tilespmem:s2+$0x230];
	v42 =	vperm.xlane v17, v2;
	[tilespmem:s2+$0x1C0] =	vst v18;
	v18 =	vmul.f32 v25, v21  }
0x68: {  	v43 =	vld [tilespmem:s2+$0x240];
	[tilespmem:s2+$0x1D0] =	vst v19;
	v19 =	vmul.f32 v38, v21  }
0x69: {  	v44 =	vld [tilespmem:s2+$0x250];
	[tilespmem:s2+$0x1E0] =	vst v18;
	v18 =	vmul.f32 v39, v42  }
0x6a: {  	v45 =	vld [tilespmem:s2+$0x260];
	[tilespmem:s2+$0x1F0] =	vst v19;
	v19 =	vmul.f32 v40, v42  }
0x6b: {  	v46 =	vld [tilespmem:s2+$0x270];
	[tilespmem:s2+$0x200] =	vst v18;
	v18 =	vmul.f32 v41, v42  }
0x6c: {  	v47 =	vld [tilespmem:s2+$0x280];
	[tilespmem:s2+$0x210] =	vst v19;
	v19 =	vmul.f32 v26, v42  }
0x6d: {  	v48 =	vld [tilespmem:s2+$0x290];
	[tilespmem:s2+$0x220] =	vst v18;
	v18 =	vmul.f32 v43, v42  }
0x6e: {  	v49 =	vld [tilespmem:s2+$0x2A0];
	[tilespmem:s2+$0x230] =	vst v19;
	v19 =	vmul.f32 v44, v42  }
0x6f: {  	v51 =	vld [tilespmem:s2+$0x2B0];
	v50 =	vperm.xlane v17, v3;
	[tilespmem:s2+$0x240] =	vst v18;
	v18 =	vmul.f32 v45, v42  }
0x70: {  	v52 =	vld [tilespmem:s2+$0x2C0];
	[tilespmem:s2+$0x250] =	vst v19;
	v19 =	vmul.f32 v46, v42  }
0x71: {  	v53 =	vld [tilespmem:s2+$0x2D0];
	[tilespmem:s2+$0x260] =	vst v18;
	v18 =	vmul.f32 v47, v50  }
0x72: {  	v54 =	vld [tilespmem:s2+$0x2E0];
	[tilespmem:s2+$0x270] =	vst v19;
	v19 =	vmul.f32 v48, v50  }
0x73: {  	v55 =	vld [tilespmem:s2+$0x2F0];
	[tilespmem:s2+$0x280] =	vst v18;
	v18 =	vmul.f32 v49, v50  }
0x74: {  	v56 =	vld [tilespmem:s2+$0x300];
	[tilespmem:s2+$0x290] =	vst v19;
	v19 =	vmul.f32 v51, v50  }
0x75: {  	v57 =	vld [tilespmem:s2+$0x310];
	[tilespmem:s2+$0x2A0] =	vst v18;
	v18 =	vmul.f32 v52, v50  }
0x76: {  	v58 =	vld [tilespmem:s2+$0x320];
	[tilespmem:s2+$0x2B0] =	vst v19;
	v19 =	vmul.f32 v53, v50  }
0x77: {  	v60 =	vld [tilespmem:s2+$0x330];
	v59 =	vperm.xlane v17, v4;
	[tilespmem:s2+$0x2C0] =	vst v18;
	v18 =	vmul.f32 v54, v50  }
0x78: {  	v61 =	vld [tilespmem:s2+$0x340];
	[tilespmem:s2+$0x2D0] =	vst v19;
	v19 =	vmul.f32 v55, v50  }
0x79: {  	v62 =	vld [tilespmem:s2+$0x350];
	[tilespmem:s2+$0x2E0] =	vst v18;
	v18 =	vmul.f32 v56, v59  }
0x7a: {  	v63 =	vld [tilespmem:s2+$0x360];
	[tilespmem:s2+$0x2F0] =	vst v19;
	v19 =	vmul.f32 v57, v59  }
0x7b: {  	v28 =	vld [tilespmem:s2+$0x370];
	[tilespmem:s2+$0x300] =	vst v18;
	v18 =	vmul.f32 v58, v59  }
0x7c: {  	v29 =	vld [tilespmem:s2+$0x380];
	[tilespmem:s2+$0x310] =	vst v19;
	v19 =	vmul.f32 v60, v59  }
0x7d: {  	v30 =	vld [tilespmem:s2+$0x390];
	[tilespmem:s2+$0x320] =	vst v18;
	v18 =	vmul.f32 v61, v59  }
0x7e: {  	v31 =	vld [tilespmem:s2+$0x3A0];
	[tilespmem:s2+$0x330] =	vst v19;
	v19 =	vmul.f32 v62, v59  }
0x7f: {  	v33 =	vld [tilespmem:s2+$0x3B0];
	v32 =	vperm.xlane v17, v5;
	[tilespmem:s2+$0x340] =	vst v18;
	v18 =	vmul.f32 v63, v59  }
0x80: {  	v34 =	vld [tilespmem:s2+$0x3C0];
	[tilespmem:s2+$0x350] =	vst v19;
	v19 =	vmul.f32 v28, v59  }
0x81: {  	v35 =	vld [tilespmem:s2+$0x3D0];
	[tilespmem:s2+$0x360] =	vst v18;
	v18 =	vmul.f32 v29, v32  }
0x82: {  	v36 =	vld [tilespmem:s2+$0x3E0];
	[tilespmem:s2+$0x370] =	vst v19;
	v19 =	vmul.f32 v30, v32  }
0x83: {  	v37 =	vld [tilespmem:s2+$0x3F0];
	[tilespmem:s2+$0x380] =	vst v18;
	v18 =	vmul.f32 v31, v32  }
0x84: {  	v38 =	vld [tilespmem:s2+$0x400];
	[tilespmem:s2+$0x390] =	vst v19;
	v19 =	vmul.f32 v33, v32  }
0x85: {  	v39 =	vld [tilespmem:s2+$0x410];
	[tilespmem:s2+$0x3A0] =	vst v18;
	v18 =	vmul.f32 v34, v32  }
0x86: {  	v40 =	vld [tilespmem:s2+$0x420];
	[tilespmem:s2+$0x3B0] =	vst v19;
	v19 =	vmul.f32 v35, v32  }
0x87: {  	v41 =	vperm.xlane v17, v6;
	v42 =	vld [tilespmem:s2+$0x430];
	[tilespmem:s2+$0x3C0] =	vst v18;
	v18 =	vmul.f32 v36, v32  }
0x88: {  	v43 =	vld [tilespmem:s2+$0x440];
	[tilespmem:s2+$0x3D0] =	vst v19;
	v19 =	vmul.f32 v37, v32  }
0x89: {  	v44 =	vld [tilespmem:s2+$0x450];
	[tilespmem:s2+$0x3E0] =	vst v18;
	v18 =	vmul.f32 v38, v41  }
0x8a: {  	v45 =	vld [tilespmem:s2+$0x460];
	[tilespmem:s2+$0x3F0] =	vst v19;
	v19 =	vmul.f32 v39, v41  }
0x8b: {  	v46 =	vld [tilespmem:s2+$0x470];
	[tilespmem:s2+$0x400] =	vst v18;
	v18 =	vmul.f32 v40, v41  }
0x8c: {  	v47 =	vld [tilespmem:s2+$0x480];
	[tilespmem:s2+$0x410] =	vst v19;
	v19 =	vmul.f32 v42, v41  }
0x8d: {  	v48 =	vld [tilespmem:s2+$0x490];
	[tilespmem:s2+$0x420] =	vst v18;
	v18 =	vmul.f32 v43, v41  }
0x8e: {  	v49 =	vld [tilespmem:s2+$0x4A0];
	[tilespmem:s2+$0x430] =	vst v19;
	v19 =	vmul.f32 v44, v41  }
0x8f: {  	v51 =	vld [tilespmem:s2+$0x4B0];
	v50 =	vperm.xlane v17, v7;
	[tilespmem:s2+$0x440] =	vst v18;
	v18 =	vmul.f32 v45, v41  }
0x90: {  	v52 =	vld [tilespmem:s2+$0x4C0];
	[tilespmem:s2+$0x450] =	vst v19;
	v19 =	vmul.f32 v46, v41  }
0x91: {  	v53 =	vld [tilespmem:s2+$0x4D0];
	[tilespmem:s2+$0x460] =	vst v18;
	v18 =	vmul.f32 v47, v50  }
0x92: {  	v54 =	vld [tilespmem:s2+$0x4E0];
	[tilespmem:s2+$0x470] =	vst v19;
	v19 =	vmul.f32 v48, v50  }
0x93: {  	v55 =	vld [tilespmem:s2+$0x4F0];
	[tilespmem:s2+$0x480] =	vst v18;
	v18 =	vmul.f32 v49, v50  }
0x94: {  	v56 =	vld [tilespmem:s2+$0x500];
	[tilespmem:s2+$0x490] =	vst v19;
	v19 =	vmul.f32 v51, v50  }
0x95: {  	v57 =	vld [tilespmem:s2+$0x510];
	[tilespmem:s2+$0x4A0] =	vst v18;
	v18 =	vmul.f32 v52, v50  }
0x96: {  	v58 =	vld [tilespmem:s2+$0x520];
	[tilespmem:s2+$0x4B0] =	vst v19;
	v19 =	vmul.f32 v53, v50  }
0x97: {  	v60 =	vld [tilespmem:s2+$0x530];
	v59 =	vperm.xlane v17, v8;
	[tilespmem:s2+$0x4C0] =	vst v18;
	v18 =	vmul.f32 v54, v50  }
0x98: {  	v61 =	vld [tilespmem:s2+$0x540];
	[tilespmem:s2+$0x4D0] =	vst v19;
	v19 =	vmul.f32 v55, v50  }
0x99: {  	v62 =	vld [tilespmem:s2+$0x550];
	[tilespmem:s2+$0x4E0] =	vst v18;
	v18 =	vmul.f32 v56, v59  }
0x9a: {  	v63 =	vld [tilespmem:s2+$0x560];
	[tilespmem:s2+$0x4F0] =	vst v19;
	v19 =	vmul.f32 v57, v59  }
0x9b: {  	v28 =	vld [tilespmem:s2+$0x570];
	[tilespmem:s2+$0x500] =	vst v18;
	v18 =	vmul.f32 v58, v59  }
0x9c: {  	v29 =	vld [tilespmem:s2+$0x580];
	[tilespmem:s2+$0x510] =	vst v19;
	v19 =	vmul.f32 v60, v59  }
0x9d: {  	v30 =	vld [tilespmem:s2+$0x590];
	[tilespmem:s2+$0x520] =	vst v18;
	v18 =	vmul.f32 v61, v59  }
0x9e: {  	v31 =	vld [tilespmem:s2+$0x5A0];
	[tilespmem:s2+$0x530] =	vst v19;
	v19 =	vmul.f32 v62, v59  }
0x9f: {  	v33 =	vld [tilespmem:s2+$0x5B0];
	v32 =	vperm.xlane v17, v9;
	[tilespmem:s2+$0x540] =	vst v18;
	v18 =	vmul.f32 v63, v59  }
0xa0: {  	v34 =	vld [tilespmem:s2+$0x5C0];
	[tilespmem:s2+$0x550] =	vst v19;
	v19 =	vmul.f32 v28, v59  }
0xa1: {  	v35 =	vld [tilespmem:s2+$0x5D0];
	[tilespmem:s2+$0x560] =	vst v18;
	v18 =	vmul.f32 v29, v32  }
0xa2: {  	v36 =	vld [tilespmem:s2+$0x5E0];
	[tilespmem:s2+$0x570] =	vst v19;
	v19 =	vmul.f32 v30, v32  }
0xa3: {  	v37 =	vld [tilespmem:s2+$0x5F0];
	[tilespmem:s2+$0x580] =	vst v18;
	v18 =	vmul.f32 v31, v32  }
0xa4: {  	v38 =	vld [tilespmem:s2+$0x600];
	[tilespmem:s2+$0x590] =	vst v19;
	v19 =	vmul.f32 v33, v32  }
0xa5: {  	v39 =	vld [tilespmem:s2+$0x610];
	[tilespmem:s2+$0x5A0] =	vst v18;
	v18 =	vmul.f32 v34, v32  }
0xa6: {  	v40 =	vld [tilespmem:s2+$0x620];
	[tilespmem:s2+$0x5B0] =	vst v19;
	v19 =	vmul.f32 v35, v32  }
0xa7: {  	v42 =	vld [tilespmem:s2+$0x630];
	v41 =	vperm.xlane v17, v10;
	[tilespmem:s2+$0x5C0] =	vst v18;
	v18 =	vmul.f32 v36, v32  }
0xa8: {  	v43 =	vld [tilespmem:s2+$0x640];
	[tilespmem:s2+$0x5D0] =	vst v19;
	v19 =	vmul.f32 v37, v32  }
0xa9: {  	v44 =	vld [tilespmem:s2+$0x650];
	[tilespmem:s2+$0x5E0] =	vst v18;
	v18 =	vmul.f32 v38, v41  }
0xaa: {  	v45 =	vld [tilespmem:s2+$0x660];
	[tilespmem:s2+$0x5F0] =	vst v19;
	v19 =	vmul.f32 v39, v41  }
0xab: {  	v46 =	vld [tilespmem:s2+$0x670];
	[tilespmem:s2+$0x600] =	vst v18;
	v18 =	vmul.f32 v40, v41  }
0xac: {  	v47 =	vld [tilespmem:s2+$0x680];
	[tilespmem:s2+$0x610] =	vst v19;
	v19 =	vmul.f32 v42, v41  }
0xad: {  	v48 =	vld [tilespmem:s2+$0x690];
	[tilespmem:s2+$0x620] =	vst v18;
	v18 =	vmul.f32 v43, v41  }
0xae: {  	v49 =	vld [tilespmem:s2+$0x6A0];
	[tilespmem:s2+$0x630] =	vst v19;
	v19 =	vmul.f32 v44, v41  }
0xaf: {  	v51 =	vld [tilespmem:s2+$0x6B0];
	v50 =	vperm.xlane v17, v11;
	[tilespmem:s2+$0x640] =	vst v18;
	v18 =	vmul.f32 v45, v41  }
0xb0: {  	v52 =	vld [tilespmem:s2+$0x6C0];
	[tilespmem:s2+$0x650] =	vst v19;
	v19 =	vmul.f32 v46, v41  }
0xb1: {  	v53 =	vld [tilespmem:s2+$0x6D0];
	[tilespmem:s2+$0x660] =	vst v18;
	v18 =	vmul.f32 v47, v50  }
0xb2: {  	v54 =	vld [tilespmem:s2+$0x6E0];
	[tilespmem:s2+$0x670] =	vst v19;
	v19 =	vmul.f32 v48, v50  }
0xb3: {  	v55 =	vld [tilespmem:s2+$0x6F0];
	[tilespmem:s2+$0x680] =	vst v18;
	v18 =	vmul.f32 v49, v50  }
0xb4: {  	v56 =	vld [tilespmem:s2+$0x700];
	[tilespmem:s2+$0x690] =	vst v19;
	v19 =	vmul.f32 v51, v50  }
0xb5: {  	v57 =	vld [tilespmem:s2+$0x710];
	[tilespmem:s2+$0x6A0] =	vst v18;
	v18 =	vmul.f32 v52, v50  }
0xb6: {  	v58 =	vld [tilespmem:s2+$0x720];
	[tilespmem:s2+$0x6B0] =	vst v19;
	v19 =	vmul.f32 v53, v50  }
0xb7: {  	v60 =	vld [tilespmem:s2+$0x730];
	v59 =	vperm.xlane v17, v12;
	[tilespmem:s2+$0x6C0] =	vst v18;
	v18 =	vmul.f32 v54, v50  }
0xb8: {  	v61 =	vld [tilespmem:s2+$0x740];
	[tilespmem:s2+$0x6D0] =	vst v19;
	v19 =	vmul.f32 v55, v50  }
0xb9: {  	v62 =	vld [tilespmem:s2+$0x750];
	[tilespmem:s2+$0x6E0] =	vst v18;
	v18 =	vmul.f32 v56, v59  }
0xba: {  	v63 =	vld [tilespmem:s2+$0x760];
	[tilespmem:s2+$0x6F0] =	vst v19;
	v19 =	vmul.f32 v57, v59  }
0xbb: {  	v28 =	vld [tilespmem:s2+$0x770];
	[tilespmem:s2+$0x700] =	vst v18;
	v18 =	vmul.f32 v58, v59  }
0xbc: {  	v29 =	vld [tilespmem:s2+$0x780];
	[tilespmem:s2+$0x710] =	vst v19;
	v19 =	vmul.f32 v60, v59  }
0xbd: {  	v30 =	vld [tilespmem:s2+$0x790];
	[tilespmem:s2+$0x720] =	vst v18;
	v18 =	vmul.f32 v61, v59  }
0xbe: {  	v31 =	vld [tilespmem:s2+$0x7A0];
	[tilespmem:s2+$0x730] =	vst v19;
	v19 =	vmul.f32 v62, v59  }
0xbf: {  	v33 =	vld [tilespmem:s2+$0x7B0];
	v32 =	vperm.xlane v17, v13;
	[tilespmem:s2+$0x740] =	vst v18;
	v18 =	vmul.f32 v63, v59  }
0xc0: {  	v34 =	vld [tilespmem:s2+$0x7C0];
	[tilespmem:s2+$0x750] =	vst v19;
	v19 =	vmul.f32 v28, v59  }
0xc1: {  	v35 =	vld [tilespmem:s2+$0x7D0];
	[tilespmem:s2+$0x760] =	vst v18;
	v18 =	vmul.f32 v29, v32  }
0xc2: {  	v36 =	vld [tilespmem:s2+$0x7E0];
	[tilespmem:s2+$0x770] =	vst v19;
	v19 =	vmul.f32 v30, v32  }
0xc3: {  	v37 =	vld [tilespmem:s2+$0x7F0];
	[tilespmem:s2+$0x780] =	vst v18;
	v18 =	vmul.f32 v31, v32  }
0xc4: {  	v38 =	vld [tilespmem:s2+$0x800];
	[tilespmem:s2+$0x790] =	vst v19;
	v19 =	vmul.f32 v33, v32  }
0xc5: {  	v39 =	vld [tilespmem:s2+$0x810];
	[tilespmem:s2+$0x7A0] =	vst v18;
	v18 =	vmul.f32 v34, v32  }
0xc6: {  	v40 =	vld [tilespmem:s2+$0x820];
	[tilespmem:s2+$0x7B0] =	vst v19;
	v19 =	vmul.f32 v35, v32  }
0xc7: {  	v42 =	vld [tilespmem:s2+$0x830];
	v41 =	vperm.xlane v17, v14;
	[tilespmem:s2+$0x7C0] =	vst v18;
	v18 =	vmul.f32 v36, v32  }
0xc8: {  	v43 =	vld [tilespmem:s2+$0x840];
	[tilespmem:s2+$0x7D0] =	vst v19;
	v19 =	vmul.f32 v37, v32  }
0xc9: {  	v44 =	vld [tilespmem:s2+$0x850];
	[tilespmem:s2+$0x7E0] =	vst v18;
	v18 =	vmul.f32 v38, v41  }
0xca: {  	v45 =	vld [tilespmem:s2+$0x860];
	[tilespmem:s2+$0x7F0] =	vst v19;
	v19 =	vmul.f32 v39, v41  }
0xcb: {  	v46 =	vld [tilespmem:s2+$0x870];
	[tilespmem:s2+$0x800] =	vst v18;
	v18 =	vmul.f32 v40, v41  }
0xcc: {  	v47 =	vld [tilespmem:s2+$0x880];
	[tilespmem:s2+$0x810] =	vst v19;
	v19 =	vmul.f32 v42, v41  }
0xcd: {  	v48 =	vld [tilespmem:s2+$0x890];
	[tilespmem:s2+$0x820] =	vst v18;
	v18 =	vmul.f32 v43, v41  }
0xce: {  	v49 =	vld [tilespmem:s2+$0x8A0];
	[tilespmem:s2+$0x830] =	vst v19;
	v19 =	vmul.f32 v44, v41  }
0xcf: {  	v51 =	vld [tilespmem:s2+$0x8B0];
	v50 =	vperm.xlane v17, v15;
	[tilespmem:s2+$0x840] =	vst v18;
	v18 =	vmul.f32 v45, v41  }
0xd0: {  	v52 =	vld [tilespmem:s2+$0x8C0];
	[tilespmem:s2+$0x850] =	vst v19;
	v19 =	vmul.f32 v46, v41  }
0xd1: {  	v53 =	vld [tilespmem:s2+$0x8D0];
	[tilespmem:s2+$0x860] =	vst v18;
	v18 =	vmul.f32 v47, v50  }
0xd2: {  	v54 =	vld [tilespmem:s2+$0x8E0];
	[tilespmem:s2+$0x870] =	vst v19;
	v19 =	vmul.f32 v48, v50  }
0xd3: {  	v55 =	vld [tilespmem:s2+$0x8F0];
	[tilespmem:s2+$0x880] =	vst v18;
	v18 =	vmul.f32 v49, v50  }
0xd4: {  	v56 =	vld [tilespmem:s2+$0x900];
	[tilespmem:s2+$0x890] =	vst v19;
	v19 =	vmul.f32 v51, v50  }
0xd5: {  	v57 =	vld [tilespmem:s2+$0x910];
	[tilespmem:s2+$0x8A0] =	vst v18;
	v18 =	vmul.f32 v52, v50  }
0xd6: {  	v58 =	vld [tilespmem:s2+$0x920];
	[tilespmem:s2+$0x8B0] =	vst v19;
	v19 =	vmul.f32 v53, v50  }
0xd7: {  	v17 =	vperm.xlane v17, v16;
	v59 =	vld [tilespmem:s2+$0x930];
	[tilespmem:s2+$0x8C0] =	vst v18;
	v18 =	vmul.f32 v54, v50  }
0xd8: {  	v60 =	vld [tilespmem:s2+$0x940];
	[tilespmem:s2+$0x8D0] =	vst v19;
	v19 =	vmul.f32 v55, v50  }
0xd9: {  	v61 =	vld [tilespmem:s2+$0x950];
	[tilespmem:s2+$0x8E0] =	vst v18;
	v18 =	vmul.f32 v56, v17  }
0xda: {  	v62 =	vld [tilespmem:s2+$0x960];
	[tilespmem:s2+$0x8F0] =	vst v19;
	v19 =	vmul.f32 v57, v17  }
0xdb: {  	v63 =	vld [tilespmem:s2+$0x970];
	[tilespmem:s2+$0x900] =	vst v18;
	v18 =	vmul.f32 v58, v17  }
0xdc: {  	[tilespmem:s2+$0x910] =	vst v19;
	v19 =	vmul.f32 v59, v17  }
0xdd: {  	p1 =	sne.s32 s0, $0x4;
	[tilespmem:s2+$0x920] =	vst v18;
	v18 =	vmul.f32 v60, v17  }
.Ltmp1:
0xde: {  	[tilespmem:s2+$0x930] =	vst v19;
	v19 =	vmul.f32 v61, v17;
	(pc) =	sbr.rel @p1 .LBB2_5-.Ltmp1, $4  }
0xdf: {  	[tilespmem:s2+$0x940] =	vst v18;
	v18 =	vmul.f32 v62, v17  }
0xe0: {  	[tilespmem:s2+$0x950] =	vst v19;
	v17 =	vmul.f32 v63, v17  }
0xe1: {  	[tilespmem:s2+$0x960] =	vst v18  }
0xe2: {  	s0 =	sadd.s32 $0x1, s0;
	[tilespmem:s2+$0x970] =	vst v17  }
0xe3: {  	s31 =	sadd.s32 $0x1, s31  }
0xe4: {  	p1 =	sne.s32 s31, $0xFA  }
.Ltmp2:
0xe5: {  	_ = 	snop;
	(pc) =	sbr.rel @p1 .LBB2_4-.Ltmp2, $4  }
0xe6: {  	[spmem:s3] =	stream.indirect.scatter.add.f32 [tilespmem:s26], [sflag:$0x2], $0x80, s23, s25, $0xb8;
	[tilespmem:$0x18A00] =	vst v63  }
0xe7: {  	_ =	swait.ge [sflag:s22], $0x2800  }
0xe8: {  	[sflag:s22] =	ssyncset.done $0x0  }
0xe9: {  	[sflag:s22] =	ssyncadd.s32 $0xFFFFD800  }
0xea: {  	s0 =	stileid.u32  }
0xeb: {  	s0 =	sshll.u32 s0, $0x6  }
0xec: {  	[bflag:$0x0] =	sbarrier.arrive $0xFFFF;
	s2 =	sshrl.u32 s8, $0x3;
	s0 =	sor.u32 $0x1C02, s0  }
0xed: {  	[hbm:s18], [sflag:s0] =	dma.local [spmem:s2], $0x2700  }
0xee: {  	_ =	swait.ge [sflag:s22], $0x2700  }
0xef: {  	s29 =	sadd.s32 $0x1, s29;
	[sflag:s22] =	ssyncset.done $0x0  }
0xf0: {  	p1 =	sne.s32 s29, s20;
	s2 =	sshrl.u32 @!p0 s16, $0x3;
	[sflag:s22] =	ssyncadd.s32 $0xFFFFD900  }
0xf1: {  	[hbm:s19], [sflag:s0] =	dma.local @!p0 [spmem:s2], $0x100  }
.Ltmp3:
0xf2: {  	_ = 	snop;
	(pc) =	sbr.rel @p1 .LBB2_1-.Ltmp3, $4  }
0xf3: {  	s0 =	simm.s32 @!p0 $0x2  }
0xf4: {  	_ =	swait.ge @!p0 [sflag:s0], $0x100  }
0xf5: {  	[sflag:s0] =	ssyncset.done @!p0 $0x0  }
0xf6: {  	[sflag:s0] =	ssyncadd.s32 @!p0 $0xFFFFFF00  }
0xf7: {  	_ =	sfence.sel $0x180000  }
0xf8: {  	[bflag:$0x0] =	sbarrier.arrive $0xFFFF  }
0xf9: {  	_ =	strace $0x90000047  }
0xfa: {  	s0 =	stileid.u32;
	[bflag:$0x2] =	sbarrier.arrive $0xFFFF  }
0xfb: {  	p0 =	sne.s32 s0, $0x0;
	s0 =	rddreg [dreg:$0x3]  }
0xfc: {  	s0 =	sadd.s32 @!p0 $0x100000, s0  }
0xfd: {  	[sflag:s0] =	ssyncadd.tile.s32 @!p0 $0x1;
	_ =	shalt  }
.Lfunc_end2:
_tile_overlayer_lowered:
.L_overlay_start_2:
0xfe: {  	(tag) =	ssettag $0x2  }
0xff: {  	s0 =	rddreg [dreg:$0x0];
	s2 =	stileid.u32  }
0x100: {  	s1 =	rddreg [dreg:$0x1];
	p0 =	sne.s32 s2, $0x0  }
0x101: {  	s3 =	rddreg [dreg:$0x2];
	[bflag:$0x3] =	sbarrier.arrive $0xFFFF;
	s2 =	simm.s32 @!p0 $0x1C02  }
0x102: {  	[timem:s3], [sflag:s2] =	dma.local @!p0 [hbm:s0], s1  }
0x103: {  	s0 =	simm.s32 @!p0 $0x2  }
0x104: {  	_ =	swait.ge @!p0 [sflag:s0], s1  }
0x105: {  	s1 =	ssub.s32 @!p0 $0x0, s1;
	[sflag:s0] =	ssyncset.done @!p0 $0x0  }
0x106: {  	[sflag:s0] =	ssyncadd.s32 @!p0 s1  }
0x107: {  	[bflag:$0x3] =	sbarrier.arrive $0xFFFF  }
0x108: {  	_ =	shalt  }

</sc_bundles>
